<compile_context>
chip_gen: v7x
topology: tpu7x:2x2x1
jax: 0.10.2.dev20260603
libtpu: 0.0.44.dev20260713+nightly
codegen_flags: <defaults>
</compile_context>

<pallas_src>
import jax
import jax.numpy as jnp
from jax import lax
from jax.experimental import pallas as pl
from jax.experimental.pallas import tpu as pltpu
from jax.experimental.pallas import tpu_sc as plsc

N = 10000
F = 128
E = 320000
NC, NS = 2, 16
NW = NC * NS
CHUNK = 128
CPW = 80
CPT = 2 * CPW
CP_FAST, CP_SLOW = 108, 52
FAST_CID = 1
BT = jnp.bfloat16
_SC_PARAMS = pltpu.CompilerParams(use_tc_tiling_on_sc=False)
EPAD = NW * CPW * CHUNK
NPAD = 10240
SLAB = NPAD // NS
TPAD = 10016

_MESH = plsc.VectorSubcoreMesh(
    core_axis_name="c", subcore_axis_name="s", num_cores=NC, num_subcores=NS)


def _deg_body(ones_h, src_h, dst_h, zrow_h, out_h, didx_a, didx_b,
              sem_a, sem_b, rows_v, acc):
    cid = lax.axis_index("c")
    sid = lax.axis_index("s")
    base = sid * SLAB
    coff = cid * CPW
    pltpu.sync_copy(zrow_h, rows_v)
    for jz in range(SLAB // CHUNK):
        pltpu.sync_copy(rows_v, acc.at[pl.ds(base + jz * CHUNK, CHUNK)])
    plsc.subcore_barrier()
    pltpu.sync_copy(ones_h.at[pl.ds(0, CHUNK)], rows_v)
    pltpu.sync_copy(dst_h.at[sid, coff], didx_a)
    pltpu.async_copy(rows_v, acc.at[didx_a], sem_a, add=True)

    def body(g2, carry):
        g = coff + 2 * g2
        pltpu.sync_copy(dst_h.at[sid, g + 1], didx_b)
        pltpu.async_copy(rows_v, acc.at[didx_b], sem_b, add=True)
        pltpu.make_async_copy(rows_v, acc.at[didx_a], sem_a).wait()

        @pl.when(g + 2 < coff + CPW)
        def _():
            pltpu.sync_copy(dst_h.at[sid, g + 2], didx_a)
            pltpu.async_copy(rows_v, acc.at[didx_a], sem_a, add=True)

        pltpu.make_async_copy(rows_v, acc.at[didx_b], sem_b).wait()
        return carry

    lax.fori_loop(0, CPW // 2, body, 0)
    plsc.subcore_barrier()
    for jz in range(SLAB // CHUNK):
        pltpu.sync_copy(acc.at[pl.ds(base + jz * CHUNK, CHUNK)], rows_v)
        pltpu.sync_copy(rows_v,
                        out_h.at[cid, pl.ds(base + jz * CHUNK, CHUNK)])


def _scat_pipe_body(tab_h, src_h, dst_h, zrow_h, out_h,
                    sidx_a, didx_a, sidx_b, didx_b, rows_a, rows_b,
                    sem_a, sem_b, acc):
    cid = lax.axis_index("c")
    sid = lax.axis_index("s")
    base = sid * SLAB
    fast = cid == FAST_CID
    coff = jnp.where(fast, 0, CP_FAST)
    cnt = jnp.where(fast, CP_FAST, CP_SLOW)
    pltpu.sync_copy(zrow_h, rows_a)
    for jz in range(SLAB // CHUNK):
        pltpu.sync_copy(rows_a, acc.at[pl.ds(base + jz * CHUNK, CHUNK)])
    plsc.subcore_barrier()
    pltpu.sync_copy(src_h.at[sid, coff], sidx_a)
    pltpu.sync_copy(dst_h.at[sid, coff], didx_a)
    pltpu.async_copy(tab_h.at[sidx_a], rows_a, sem_a)

    def body(g2, carry):
        g = coff + 2 * g2
        pltpu.sync_copy(src_h.at[sid, g + 1], sidx_b)
        pltpu.sync_copy(dst_h.at[sid, g + 1], didx_b)
        pltpu.async_copy(tab_h.at[sidx_b], rows_b, sem_b)
        pltpu.make_async_copy(tab_h.at[sidx_a], rows_a, sem_a).wait()
        pltpu.sync_copy(rows_a, acc.at[didx_a], add=True)
        gnext = jnp.minimum(g + 2, coff + cnt - 1)
        pltpu.sync_copy(src_h.at[sid, gnext], sidx_a)
        pltpu.sync_copy(dst_h.at[sid, gnext], didx_a)
        pltpu.async_copy(tab_h.at[sidx_a], rows_a, sem_a)
        pltpu.make_async_copy(tab_h.at[sidx_b], rows_b, sem_b).wait()
        pltpu.sync_copy(rows_b, acc.at[didx_b], add=True)
        return carry

    lax.fori_loop(0, cnt // 2, body, 0)
    pltpu.make_async_copy(tab_h.at[sidx_a], rows_a, sem_a).wait()
    plsc.subcore_barrier()
    for jz in range(SLAB // CHUNK):
        pltpu.sync_copy(acc.at[pl.ds(base + jz * CHUNK, CHUNK)], rows_a)
        pltpu.sync_copy(rows_a,
                        out_h.at[cid, pl.ds(base + jz * CHUNK, CHUNK)])


_scat_kernel = pl.kernel(
    _scat_pipe_body,
    out_type=jax.ShapeDtypeStruct((NC, NPAD, F), BT),
    mesh=_MESH,
    compiler_params=_SC_PARAMS,
    scratch_types=[
        pltpu.VMEM((CHUNK,), jnp.int32),
        pltpu.VMEM((CHUNK,), jnp.int32),
        pltpu.VMEM((CHUNK,), jnp.int32),
        pltpu.VMEM((CHUNK,), jnp.int32),
        pltpu.VMEM((CHUNK, F), BT),
        pltpu.VMEM((CHUNK, F), BT),
        pltpu.SemaphoreType.DMA,
        pltpu.SemaphoreType.DMA,
        pltpu.VMEM_SHARED((NPAD, F), BT),
    ],
)

_deg_kernel = pl.kernel(
    _deg_body,
    out_type=jax.ShapeDtypeStruct((NC, NPAD, F), BT),
    mesh=_MESH,
    compiler_params=_SC_PARAMS,
    scratch_types=[
        pltpu.VMEM((CHUNK,), jnp.int32),
        pltpu.VMEM((CHUNK,), jnp.int32),
        pltpu.SemaphoreType.DMA,
        pltpu.SemaphoreType.DMA,
        pltpu.VMEM((CHUNK, F), BT),
        pltpu.VMEM_SHARED((NPAD, F), BT),
    ],
)


def _prep_body(degp_ref, x_ref, xs_ref, dinv_ref):
    deg = (degp_ref[0][:, :1].astype(jnp.float32)
           + degp_ref[1][:, :1].astype(jnp.float32))
    dinv = lax.rsqrt(deg + 1.0)
    dinv_ref[...] = dinv
    xs_ref[:N, :] = (x_ref[...] * dinv[:N]).astype(BT)
    xs_ref[N:, :] = jnp.zeros((TPAD - N, F), BT)


_prep_kernel = pl.pallas_call(
    _prep_body,
    out_shape=(jax.ShapeDtypeStruct((TPAD, F), BT),
               jax.ShapeDtypeStruct((NPAD, 1), jnp.float32)),
)


def _mid_body(acc_ref, xs_ref, dinv_ref, w1_ref, b1_ref, g_ref, bt_ref,
              w2_ref, ys_ref):
    dinv = dinv_ref[...][:N]
    a = (acc_ref[0][:N].astype(jnp.float32) + acc_ref[1][:N].astype(jnp.float32)
         + xs_ref[...][:N].astype(jnp.float32))
    p1 = a * dinv
    t = jnp.dot(p1, w1_ref[...], preferred_element_type=jnp.float32,
                precision=lax.Precision.HIGHEST) + b1_ref[...]
    mean = jnp.mean(t, axis=0, keepdims=True)
    c = t - mean
    var = jnp.mean(c * c, axis=0, keepdims=True)
    h = jnp.maximum(c * lax.rsqrt(var + 1e-5) * g_ref[...] + bt_ref[...], 0.0)
    q = jnp.dot(h, w2_ref[...], preferred_element_type=jnp.float32,
                precision=lax.Precision.HIGHEST)
    ys_ref[:N, :] = (q * dinv).astype(BT)
    ys_ref[N:, :] = jnp.zeros((TPAD - N, F), BT)


_mid_kernel = pl.pallas_call(
    _mid_body,
    out_shape=jax.ShapeDtypeStruct((TPAD, F), BT),
)


def _fin_body(acc_ref, ys_ref, dinv_ref, b2_ref, out_ref):
    a = (acc_ref[0][:N].astype(jnp.float32) + acc_ref[1][:N].astype(jnp.float32)
         + ys_ref[...][:N].astype(jnp.float32))
    out_ref[...] = a * dinv_ref[...][:N] + b2_ref[...]


_fin_kernel = pl.pallas_call(
    _fin_body,
    out_shape=jax.ShapeDtypeStruct((N, F), jnp.float32),
)


def kernel(x, edge_index, W1, b1, gamma, beta, W2, b2):
    ei = edge_index.astype(jnp.int32)
    pad = jnp.full((EPAD - E,), N, jnp.int32)
    srcp = jnp.concatenate([ei[0], pad]).reshape(NS, CPT, CHUNK)
    dstp = jnp.concatenate([ei[1], pad]).reshape(NS, CPT, CHUNK)
    ones_row = jnp.ones((CHUNK, F), BT)
    zeros_row = jnp.zeros((CHUNK, F), BT)

    degp = _deg_kernel(ones_row, srcp, dstp, zeros_row)
    xs, dinv = _prep_kernel(degp, x)
    acc1 = _scat_kernel(xs, srcp, dstp, zeros_row)
    ys = _mid_kernel(acc1, xs, dinv, W1, b1.reshape(1, -1),
                     gamma.reshape(1, -1), beta.reshape(1, -1), W2)
    acc2 = _scat_kernel(ys, srcp, dstp, zeros_row)
    return _fin_kernel(acc2, ys, dinv, b2.reshape(1, -1))

# --- scband reference (transcript-rebuilt; emitter-appended) ---
"""Pipeline reference for scband-gcn-77232101917102 (READ-ONLY COPY).

The authoritative reference and input builder live on the scoring server;
editing this copy changes nothing except your own understanding.
"""

import jax, jax.numpy as jnp
import numpy as np

N_NODES = 10000


def gcn_conv(x, edge_index, W, b):
    # GCNConv: linear transform, then symmetric-normalized propagation with self-loops
    n = x.shape[0]
    x = x @ W
    src = edge_index[0]
    dst = edge_index[1]
    loop = jnp.arange(n, dtype=src.dtype)
    src = jnp.concatenate([src, loop])
    dst = jnp.concatenate([dst, loop])
    deg = jnp.zeros((n,), dtype=x.dtype).at[dst].add(1.0)
    dinv = jnp.where(deg > 0, jax.lax.rsqrt(deg), 0.0)
    norm = dinv[src] * dinv[dst]
    msg = x[src] * norm[:, None]
    out = jnp.zeros((n, x.shape[1]), dtype=x.dtype).at[dst].add(msg)
    return out + b


def batch_norm(x, gamma, beta, eps=1e-5):
    mean = jnp.mean(x, axis=0)
    var = jnp.mean((x - mean) ** 2, axis=0)
    return (x - mean) * jax.lax.rsqrt(var + eps) * gamma + beta


def setup_inputs(seed: int = 0) -> dict:
    key = jax.random.key(seed)
    k1, k2, k3, k4, k5, k6 = jax.random.split(key, 6)
    x = jax.random.normal(k1, (N_NODES, 128), dtype=jnp.float32)
    edge_index = jax.random.randint(k2, (2, 320000), 0, N_NODES, dtype=jnp.int64)
    W1 = jax.random.normal(k3, (128, 256), dtype=jnp.float32) * 0.05
    b1 = jnp.zeros((256,), dtype=jnp.float32)
    gamma = jnp.ones((256,), dtype=jnp.float32)
    beta = jnp.zeros((256,), dtype=jnp.float32)
    W2 = jax.random.normal(k4, (256, 128), dtype=jnp.float32) * 0.05
    b2 = jnp.zeros((128,), dtype=jnp.float32)
    return {"x": x, "edge_index": edge_index, "W1": W1, "b1": b1, "gamma": gamma, "beta": beta, "W2": W2, "b2": b2}


def reference(x, edge_index, W1, b1, gamma, beta, W2, b2):
    # layer 1: conv -> bn -> relu (dropout is identity in eval / deterministic ref)
    h = gcn_conv(x, edge_index, W1, b1)
    h = batch_norm(h, gamma, beta)
    h = jax.nn.relu(h)
    # final layer
    out = gcn_conv(h, edge_index, W2, b2)
    return out

if __name__ == "__main__":
    import jax
    _d = setup_inputs()
    print(jax.jit(kernel)(*tuple(_d.values())))

</pallas_src>

<mosaic_0001>
#map = affine_map<(d0, d1) -> (0, 0)>
#map1 = affine_map<(d0, d1) -> (0, 0, 0)>
module attributes {stable_mosaic.version = 14 : i64} {
  func.func @_scat_pipe_body(%arg0: i32, %arg1: i32, %arg2: memref<10016x128xbf16, #tpu.memory_space<hbm>>, %arg3: memref<16x160x128xi32, #tpu.memory_space<hbm>>, %arg4: memref<16x160x128xi32, #tpu.memory_space<hbm>>, %arg5: memref<128x128xbf16, #tpu.memory_space<hbm>>, %arg6: memref<2x10240x128xbf16, #tpu.memory_space<hbm>>, %arg7: memref<128xi32, #tpu.memory_space<vmem>>, %arg8: memref<128xi32, #tpu.memory_space<vmem>>, %arg9: memref<128xi32, #tpu.memory_space<vmem>>, %arg10: memref<128xi32, #tpu.memory_space<vmem>>, %arg11: memref<128x128xbf16, #tpu.memory_space<vmem>>, %arg12: memref<128x128xbf16, #tpu.memory_space<vmem>>, %arg13: memref<!tpu.dma_semaphore, #tpu.memory_space<semaphore_mem>>, %arg14: memref<!tpu.dma_semaphore, #tpu.memory_space<semaphore_mem>>, %arg15: memref<10240x128xbf16, #tpu.memory_space<vmem_shared>>) attributes {dimension_semantics = [#tpu.dimension_semantics<core_parallel>, #tpu.dimension_semantics<subcore_parallel>], iteration_bounds = array<i64: 2, 16>, scalar_prefetch = 0 : i64, scratch_operands = 9 : i64, tpu.core_type = #tpu.core_type<sc_vector_subcore>, window_params = [{transform_indices = #map}, {transform_indices = #map1}, {transform_indices = #map1}, {transform_indices = #map}, {transform_indices = #map1}]} {
    %mul3A = arith.constant 640 : i32
    %mul3A_0 = arith.muli %arg1, %mul3A : i32
    %eq3A = arith.constant 1 : i32
    %eq3A_1 = arith.cmpi eq, %arg0, %eq3A : i32
    %jit3A = arith.constant 0 : i32
    %jit3A_2 = arith.constant 108 : i32
    %select_n3A = arith.select %eq3A_1, %jit3A, %jit3A_2 : i32
    %jit3A_3 = arith.constant 108 : i32
    %jit3A_4 = arith.constant 52 : i32
    %select_n3A_5 = arith.select %eq3A_1, %jit3A_3, %jit3A_4 : i32
    "tpu.region"() ({
      %run_scoped3A = tpu.sem_alloc : memref<!tpu.dma_semaphore, #tpu.memory_space<semaphore_mem>>
      tpu.enqueue_dma source(%arg5 : memref<128x128xbf16, #tpu.memory_space<hbm>>) target(%arg11 : memref<128x128xbf16, #tpu.memory_space<vmem>>) target_semaphore(%run_scoped3A : memref<!tpu.dma_semaphore, #tpu.memory_space<semaphore_mem>>)
      tpu.wait_dma2 semaphore(%run_scoped3A : memref<!tpu.dma_semaphore, #tpu.memory_space<semaphore_mem>>) src(%arg5 : memref<128x128xbf16, #tpu.memory_space<hbm>>) dst(%arg11 : memref<128x128xbf16, #tpu.memory_space<vmem>>)
      tpu.yield
    }) : () -> ()
    %add3A = arith.constant 0 : i32
    %add3A_6 = arith.addi %mul3A_0, %add3A : i32
    "tpu.region"() ({
      %run_scoped3A = tpu.sem_alloc : memref<!tpu.dma_semaphore, #tpu.memory_space<semaphore_mem>>
      %dma_start3A_67 = arith.constant 0 : i32
      %dma_start3A_68 = tpu.memref_slice %arg15[%add3A_6, %dma_start3A_67] : memref<10240x128xbf16, #tpu.memory_space<vmem_shared>> -> memref<128x128xbf16, #tpu.memory_space<vmem_shared>>
      %dma_start3A_69 = arith.constant 0 : i32
      %dma_start3A_70 = tpu.memref_slice %arg15[%add3A_6, %dma_start3A_69] : memref<10240x128xbf16, #tpu.memory_space<vmem_shared>> -> memref<128x128xbf16, #tpu.memory_space<vmem_shared>>
      tpu.enqueue_dma source(%arg11 : memref<128x128xbf16, #tpu.memory_space<vmem>>) target(%dma_start3A_70 : memref<128x128xbf16, #tpu.memory_space<vmem_shared>>) target_semaphore(%run_scoped3A : memref<!tpu.dma_semaphore, #tpu.memory_space<semaphore_mem>>)
      %dma_wait3A_71 = arith.constant 0 : i32
      %dma_wait3A_72 = tpu.memref_slice %arg15[%add3A_6, %dma_wait3A_71] : memref<10240x128xbf16, #tpu.memory_space<vmem_shared>> -> memref<128x128xbf16, #tpu.memory_space<vmem_shared>>
      %dma_wait3A_73 = arith.constant 0 : i32
      %dma_wait3A_74 = tpu.memref_slice %arg15[%add3A_6, %dma_wait3A_73] : memref<10240x128xbf16, #tpu.memory_space<vmem_shared>> -> memref<128x128xbf16, #tpu.memory_space<vmem_shared>>
      tpu.wait_dma2 semaphore(%run_scoped3A : memref<!tpu.dma_semaphore, #tpu.memory_space<semaphore_mem>>) src(%arg11 : memref<128x128xbf16, #tpu.memory_space<vmem>>) dst(%dma_wait3A_74 : memref<128x128xbf16, #tpu.memory_space<vmem_shared>>)
      tpu.yield
    }) : () -> ()
    %add3A_7 = arith.constant 128 : i32
    %add3A_8 = arith.addi %mul3A_0, %add3A_7 : i32
    "tpu.region"() ({
      %run_scoped3A = tpu.sem_alloc : memref<!tpu.dma_semaphore, #tpu.memory_space<semaphore_mem>>
      %dma_start3A_67 = arith.constant 0 : i32
      %dma_start3A_68 = tpu.memref_slice %arg15[%add3A_8, %dma_start3A_67] : memref<10240x128xbf16, #tpu.memory_space<vmem_shared>> -> memref<128x128xbf16, #tpu.memory_space<vmem_shared>>
      %dma_start3A_69 = arith.constant 0 : i32
      %dma_start3A_70 = tpu.memref_slice %arg15[%add3A_8, %dma_start3A_69] : memref<10240x128xbf16, #tpu.memory_space<vmem_shared>> -> memref<128x128xbf16, #tpu.memory_space<vmem_shared>>
      tpu.enqueue_dma source(%arg11 : memref<128x128xbf16, #tpu.memory_space<vmem>>) target(%dma_start3A_70 : memref<128x128xbf16, #tpu.memory_space<vmem_shared>>) target_semaphore(%run_scoped3A : memref<!tpu.dma_semaphore, #tpu.memory_space<semaphore_mem>>)
      %dma_wait3A_71 = arith.constant 0 : i32
      %dma_wait3A_72 = tpu.memref_slice %arg15[%add3A_8, %dma_wait3A_71] : memref<10240x128xbf16, #tpu.memory_space<vmem_shared>> -> memref<128x128xbf16, #tpu.memory_space<vmem_shared>>
      %dma_wait3A_73 = arith.constant 0 : i32
      %dma_wait3A_74 = tpu.memref_slice %arg15[%add3A_8, %dma_wait3A_73] : memref<10240x128xbf16, #tpu.memory_space<vmem_shared>> -> memref<128x128xbf16, #tpu.memory_space<vmem_shared>>
      tpu.wait_dma2 semaphore(%run_scoped3A : memref<!tpu.dma_semaphore, #tpu.memory_space<semaphore_mem>>) src(%arg11 : memref<128x128xbf16, #tpu.memory_space<vmem>>) dst(%dma_wait3A_74 : memref<128x128xbf16, #tpu.memory_space<vmem_shared>>)
      tpu.yield
    }) : () -> ()
    %add3A_9 = arith.constant 256 : i32
    %add3A_10 = arith.addi %mul3A_0, %add3A_9 : i32
    "tpu.region"() ({
      %run_scoped3A = tpu.sem_alloc : memref<!tpu.dma_semaphore, #tpu.memory_space<semaphore_mem>>
      %dma_start3A_67 = arith.constant 0 : i32
      %dma_start3A_68 = tpu.memref_slice %arg15[%add3A_10, %dma_start3A_67] : memref<10240x128xbf16, #tpu.memory_space<vmem_shared>> -> memref<128x128xbf16, #tpu.memory_space<vmem_shared>>
      %dma_start3A_69 = arith.constant 0 : i32
      %dma_start3A_70 = tpu.memref_slice %arg15[%add3A_10, %dma_start3A_69] : memref<10240x128xbf16, #tpu.memory_space<vmem_shared>> -> memref<128x128xbf16, #tpu.memory_space<vmem_shared>>
      tpu.enqueue_dma source(%arg11 : memref<128x128xbf16, #tpu.memory_space<vmem>>) target(%dma_start3A_70 : memref<128x128xbf16, #tpu.memory_space<vmem_shared>>) target_semaphore(%run_scoped3A : memref<!tpu.dma_semaphore, #tpu.memory_space<semaphore_mem>>)
      %dma_wait3A_71 = arith.constant 0 : i32
      %dma_wait3A_72 = tpu.memref_slice %arg15[%add3A_10, %dma_wait3A_71] : memref<10240x128xbf16, #tpu.memory_space<vmem_shared>> -> memref<128x128xbf16, #tpu.memory_space<vmem_shared>>
      %dma_wait3A_73 = arith.constant 0 : i32
      %dma_wait3A_74 = tpu.memref_slice %arg15[%add3A_10, %dma_wait3A_73] : memref<10240x128xbf16, #tpu.memory_space<vmem_shared>> -> memref<128x128xbf16, #tpu.memory_space<vmem_shared>>
      tpu.wait_dma2 semaphore(%run_scoped3A : memref<!tpu.dma_semaphore, #tpu.memory_space<semaphore_mem>>) src(%arg11 : memref<128x128xbf16, #tpu.memory_space<vmem>>) dst(%dma_wait3A_74 : memref<128x128xbf16, #tpu.memory_space<vmem_shared>>)
      tpu.yield
    }) : () -> ()
    %add3A_11 = arith.constant 384 : i32
    %add3A_12 = arith.addi %mul3A_0, %add3A_11 : i32
    "tpu.region"() ({
      %run_scoped3A = tpu.sem_alloc : memref<!tpu.dma_semaphore, #tpu.memory_space<semaphore_mem>>
      %dma_start3A_67 = arith.constant 0 : i32
      %dma_start3A_68 = tpu.memref_slice %arg15[%add3A_12, %dma_start3A_67] : memref<10240x128xbf16, #tpu.memory_space<vmem_shared>> -> memref<128x128xbf16, #tpu.memory_space<vmem_shared>>
      %dma_start3A_69 = arith.constant 0 : i32
      %dma_start3A_70 = tpu.memref_slice %arg15[%add3A_12, %dma_start3A_69] : memref<10240x128xbf16, #tpu.memory_space<vmem_shared>> -> memref<128x128xbf16, #tpu.memory_space<vmem_shared>>
      tpu.enqueue_dma source(%arg11 : memref<128x128xbf16, #tpu.memory_space<vmem>>) target(%dma_start3A_70 : memref<128x128xbf16, #tpu.memory_space<vmem_shared>>) target_semaphore(%run_scoped3A : memref<!tpu.dma_semaphore, #tpu.memory_space<semaphore_mem>>)
      %dma_wait3A_71 = arith.constant 0 : i32
      %dma_wait3A_72 = tpu.memref_slice %arg15[%add3A_12, %dma_wait3A_71] : memref<10240x128xbf16, #tpu.memory_space<vmem_shared>> -> memref<128x128xbf16, #tpu.memory_space<vmem_shared>>
      %dma_wait3A_73 = arith.constant 0 : i32
      %dma_wait3A_74 = tpu.memref_slice %arg15[%add3A_12, %dma_wait3A_73] : memref<10240x128xbf16, #tpu.memory_space<vmem_shared>> -> memref<128x128xbf16, #tpu.memory_space<vmem_shared>>
      tpu.wait_dma2 semaphore(%run_scoped3A : memref<!tpu.dma_semaphore, #tpu.memory_space<semaphore_mem>>) src(%arg11 : memref<128x128xbf16, #tpu.memory_space<vmem>>) dst(%dma_wait3A_74 : memref<128x128xbf16, #tpu.memory_space<vmem_shared>>)
      tpu.yield
    }) : () -> ()
    %add3A_13 = arith.constant 512 : i32
    %add3A_14 = arith.addi %mul3A_0, %add3A_13 : i32
    "tpu.region"() ({
      %run_scoped3A = tpu.sem_alloc : memref<!tpu.dma_semaphore, #tpu.memory_space<semaphore_mem>>
      %dma_start3A_67 = arith.constant 0 : i32
      %dma_start3A_68 = tpu.memref_slice %arg15[%add3A_14, %dma_start3A_67] : memref<10240x128xbf16, #tpu.memory_space<vmem_shared>> -> memref<128x128xbf16, #tpu.memory_space<vmem_shared>>
      %dma_start3A_69 = arith.constant 0 : i32
      %dma_start3A_70 = tpu.memref_slice %arg15[%add3A_14, %dma_start3A_69] : memref<10240x128xbf16, #tpu.memory_space<vmem_shared>> -> memref<128x128xbf16, #tpu.memory_space<vmem_shared>>
      tpu.enqueue_dma source(%arg11 : memref<128x128xbf16, #tpu.memory_space<vmem>>) target(%dma_start3A_70 : memref<128x128xbf16, #tpu.memory_space<vmem_shared>>) target_semaphore(%run_scoped3A : memref<!tpu.dma_semaphore, #tpu.memory_space<semaphore_mem>>)
      %dma_wait3A_71 = arith.constant 0 : i32
      %dma_wait3A_72 = tpu.memref_slice %arg15[%add3A_14, %dma_wait3A_71] : memref<10240x128xbf16, #tpu.memory_space<vmem_shared>> -> memref<128x128xbf16, #tpu.memory_space<vmem_shared>>
      %dma_wait3A_73 = arith.constant 0 : i32
      %dma_wait3A_74 = tpu.memref_slice %arg15[%add3A_14, %dma_wait3A_73] : memref<10240x128xbf16, #tpu.memory_space<vmem_shared>> -> memref<128x128xbf16, #tpu.memory_space<vmem_shared>>
      tpu.wait_dma2 semaphore(%run_scoped3A : memref<!tpu.dma_semaphore, #tpu.memory_space<semaphore_mem>>) src(%arg11 : memref<128x128xbf16, #tpu.memory_space<vmem>>) dst(%dma_wait3A_74 : memref<128x128xbf16, #tpu.memory_space<vmem_shared>>)
      tpu.yield
    }) : () -> ()
    %barrier3A = arith.constant 0 : index
    tpu.barrier barrier_id(%barrier3A)
    "tpu.region"() ({
      %run_scoped3A = tpu.sem_alloc : memref<!tpu.dma_semaphore, #tpu.memory_space<semaphore_mem>>
      %dma_start3A_67 = arith.constant 0 : i32
      %dma_start3A_68 = tpu.memref_slice %arg3[%arg1, %select_n3A, %dma_start3A_67] : memref<16x160x128xi32, #tpu.memory_space<hbm>> -> memref<1x1x128xi32, #tpu.memory_space<hbm>>
      %dma_start3A_69 = tpu.memref_squeeze %dma_start3A_68 : memref<1x1x128xi32, #tpu.memory_space<hbm>> -> memref<128xi32, #tpu.memory_space<hbm>>
      %dma_start3A_70 = arith.constant 0 : i32
      %dma_start3A_71 = tpu.memref_slice %arg3[%arg1, %select_n3A, %dma_start3A_70] : memref<16x160x128xi32, #tpu.memory_space<hbm>> -> memref<1x1x128xi32, #tpu.memory_space<hbm>>
      %dma_start3A_72 = tpu.memref_squeeze %dma_start3A_71 : memref<1x1x128xi32, #tpu.memory_space<hbm>> -> memref<128xi32, #tpu.memory_space<hbm>>
      tpu.enqueue_dma source(%dma_start3A_72 : memref<128xi32, #tpu.memory_space<hbm>>) target(%arg7 : memref<128xi32, #tpu.memory_space<vmem>>) target_semaphore(%run_scoped3A : memref<!tpu.dma_semaphore, #tpu.memory_space<semaphore_mem>>)
      %dma_wait3A_73 = arith.constant 0 : i32
      %dma_wait3A_74 = tpu.memref_slice %arg3[%arg1, %select_n3A, %dma_wait3A_73] : memref<16x160x128xi32, #tpu.memory_space<hbm>> -> memref<1x1x128xi32, #tpu.memory_space<hbm>>
      %dma_wait3A_75 = tpu.memref_squeeze %dma_wait3A_74 : memref<1x1x128xi32, #tpu.memory_space<hbm>> -> memref<128xi32, #tpu.memory_space<hbm>>
      %dma_wait3A_76 = arith.constant 0 : i32
      %dma_wait3A_77 = tpu.memref_slice %arg3[%arg1, %select_n3A, %dma_wait3A_76] : memref<16x160x128xi32, #tpu.memory_space<hbm>> -> memref<1x1x128xi32, #tpu.memory_space<hbm>>
      %dma_wait3A_78 = tpu.memref_squeeze %dma_wait3A_77 : memref<1x1x128xi32, #tpu.memory_space<hbm>> -> memref<128xi32, #tpu.memory_space<hbm>>
      tpu.wait_dma2 semaphore(%run_scoped3A : memref<!tpu.dma_semaphore, #tpu.memory_space<semaphore_mem>>) src(%dma_wait3A_78 : memref<128xi32, #tpu.memory_space<hbm>>) dst(%arg7 : memref<128xi32, #tpu.memory_space<vmem>>)
      tpu.yield
    }) : () -> ()
    "tpu.region"() ({
      %run_scoped3A = tpu.sem_alloc : memref<!tpu.dma_semaphore, #tpu.memory_space<semaphore_mem>>
      %dma_start3A_67 = arith.constant 0 : i32
      %dma_start3A_68 = tpu.memref_slice %arg4[%arg1, %select_n3A, %dma_start3A_67] : memref<16x160x128xi32, #tpu.memory_space<hbm>> -> memref<1x1x128xi32, #tpu.memory_space<hbm>>
      %dma_start3A_69 = tpu.memref_squeeze %dma_start3A_68 : memref<1x1x128xi32, #tpu.memory_space<hbm>> -> memref<128xi32, #tpu.memory_space<hbm>>
      %dma_start3A_70 = arith.constant 0 : i32
      %dma_start3A_71 = tpu.memref_slice %arg4[%arg1, %select_n3A, %dma_start3A_70] : memref<16x160x128xi32, #tpu.memory_space<hbm>> -> memref<1x1x128xi32, #tpu.memory_space<hbm>>
      %dma_start3A_72 = tpu.memref_squeeze %dma_start3A_71 : memref<1x1x128xi32, #tpu.memory_space<hbm>> -> memref<128xi32, #tpu.memory_space<hbm>>
      tpu.enqueue_dma source(%dma_start3A_72 : memref<128xi32, #tpu.memory_space<hbm>>) target(%arg8 : memref<128xi32, #tpu.memory_space<vmem>>) target_semaphore(%run_scoped3A : memref<!tpu.dma_semaphore, #tpu.memory_space<semaphore_mem>>)
      %dma_wait3A_73 = arith.constant 0 : i32
      %dma_wait3A_74 = tpu.memref_slice %arg4[%arg1, %select_n3A, %dma_wait3A_73] : memref<16x160x128xi32, #tpu.memory_space<hbm>> -> memref<1x1x128xi32, #tpu.memory_space<hbm>>
      %dma_wait3A_75 = tpu.memref_squeeze %dma_wait3A_74 : memref<1x1x128xi32, #tpu.memory_space<hbm>> -> memref<128xi32, #tpu.memory_space<hbm>>
      %dma_wait3A_76 = arith.constant 0 : i32
      %dma_wait3A_77 = tpu.memref_slice %arg4[%arg1, %select_n3A, %dma_wait3A_76] : memref<16x160x128xi32, #tpu.memory_space<hbm>> -> memref<1x1x128xi32, #tpu.memory_space<hbm>>
      %dma_wait3A_78 = tpu.memref_squeeze %dma_wait3A_77 : memref<1x1x128xi32, #tpu.memory_space<hbm>> -> memref<128xi32, #tpu.memory_space<hbm>>
      tpu.wait_dma2 semaphore(%run_scoped3A : memref<!tpu.dma_semaphore, #tpu.memory_space<semaphore_mem>>) src(%dma_wait3A_78 : memref<128xi32, #tpu.memory_space<hbm>>) dst(%arg8 : memref<128xi32, #tpu.memory_space<vmem>>)
      tpu.yield
    }) : () -> ()
    %dma_start3A = arith.constant 0 : i32
    %dma_start3A_15 = arith.constant 0 : i32
    %dma_start3A_16 = tpu.memref_slice %arg2[%dma_start3A, %dma_start3A_15] : memref<10016x128xbf16, #tpu.memory_space<hbm>> -> memref<10016x128xbf16, #tpu.memory_space<hbm>>
    tpu.enqueue_indirect_dma source(%dma_start3A_16 : memref<10016x128xbf16, #tpu.memory_space<hbm>>) target(%arg11 : memref<128x128xbf16, #tpu.memory_space<vmem>>) offsets(%arg7 : memref<128xi32, #tpu.memory_space<vmem>>) semaphore(%arg13 : memref<!tpu.dma_semaphore, #tpu.memory_space<semaphore_mem>>)
    %jit3A_17 = arith.constant 2 : i32
    %div3A = arith.divsi %select_n3A_5, %jit3A_17 : i32
    %sign3A = arith.constant 0 : i32
    %sign3A_18 = arith.cmpi sgt, %select_n3A_5, %sign3A : i32
    %sign3A_19 = arith.extui %sign3A_18 : i1 to i32
    %sign3A_20 = arith.constant 0 : i32
    %sign3A_21 = arith.cmpi slt, %select_n3A_5, %sign3A_20 : i32
    %sign3A_22 = arith.extui %sign3A_21 : i1 to i32
    %sign3A_23 = arith.subi %sign3A_19, %sign3A_22 : i32
    %sign3A_24 = arith.constant 0 : i32
    %sign3A_25 = arith.cmpi sgt, %jit3A_17, %sign3A_24 : i32
    %sign3A_26 = arith.extui %sign3A_25 : i1 to i32
    %sign3A_27 = arith.constant 0 : i32
    %sign3A_28 = arith.cmpi slt, %jit3A_17, %sign3A_27 : i32
    %sign3A_29 = arith.extui %sign3A_28 : i1 to i32
    %sign3A_30 = arith.subi %sign3A_26, %sign3A_29 : i32
    %ne3A = arith.cmpi ne, %sign3A_23, %sign3A_30 : i32
    %rem3A = arith.remsi %select_n3A_5, %jit3A_17 : i32
    %ne3A_31 = arith.constant 0 : i32
    %ne3A_32 = arith.cmpi ne, %rem3A, %ne3A_31 : i32
    %and3A = arith.andi %ne3A, %ne3A_32 : i1
    %sub3A = arith.constant 1 : i32
    %sub3A_33 = arith.subi %div3A, %sub3A : i32
    %select_n3A_34 = arith.select %and3A, %sub3A_33, %div3A : i32
    %while3A = arith.constant 0 : i32
    %while3A_35 = arith.constant 0 : i32
    %while3A_36 = arith.subi %select_n3A_34, %while3A_35 : i32
    %while3A_37 = arith.addi %while3A_35, %while3A_36 : i32
    %while3A_38 = arith.constant 1 : i32
    %while3A_39 = arith.divsi %while3A_36, %while3A_38 : i32
    %while3A_40 = arith.muli %while3A_39, %while3A_38 : i32
    %while3A_41 = arith.addi %while3A_35, %while3A_40 : i32
    %while3A_42 = arith.constant 1 : i32
    scf.for %while3A_67 = %while3A_35 to %while3A_41 step %while3A_42  : i32 {
      %mul3A_68 = arith.constant 2 : i32
      %mul3A_69 = arith.muli %mul3A_68, %while3A_67 : i32
      %add3A_70 = arith.addi %select_n3A, %mul3A_69 : i32
      %add3A_71 = arith.constant 1 : i32
      %add3A_72 = arith.addi %add3A_70, %add3A_71 : i32
      "tpu.region"() ({
        %run_scoped3A = tpu.sem_alloc : memref<!tpu.dma_semaphore, #tpu.memory_space<semaphore_mem>>
        %dma_start3A_92 = arith.constant 0 : i32
        %dma_start3A_93 = tpu.memref_slice %arg3[%arg1, %add3A_72, %dma_start3A_92] : memref<16x160x128xi32, #tpu.memory_space<hbm>> -> memref<1x1x128xi32, #tpu.memory_space<hbm>>
        %dma_start3A_94 = tpu.memref_squeeze %dma_start3A_93 : memref<1x1x128xi32, #tpu.memory_space<hbm>> -> memref<128xi32, #tpu.memory_space<hbm>>
        %dma_start3A_95 = arith.constant 0 : i32
        %dma_start3A_96 = tpu.memref_slice %arg3[%arg1, %add3A_72, %dma_start3A_95] : memref<16x160x128xi32, #tpu.memory_space<hbm>> -> memref<1x1x128xi32, #tpu.memory_space<hbm>>
        %dma_start3A_97 = tpu.memref_squeeze %dma_start3A_96 : memref<1x1x128xi32, #tpu.memory_space<hbm>> -> memref<128xi32, #tpu.memory_space<hbm>>
        tpu.enqueue_dma source(%dma_start3A_97 : memref<128xi32, #tpu.memory_space<hbm>>) target(%arg9 : memref<128xi32, #tpu.memory_space<vmem>>) target_semaphore(%run_scoped3A : memref<!tpu.dma_semaphore, #tpu.memory_space<semaphore_mem>>)
        %dma_wait3A_98 = arith.constant 0 : i32
        %dma_wait3A_99 = tpu.memref_slice %arg3[%arg1, %add3A_72, %dma_wait3A_98] : memref<16x160x128xi32, #tpu.memory_space<hbm>> -> memref<1x1x128xi32, #tpu.memory_space<hbm>>
        %dma_wait3A_100 = tpu.memref_squeeze %dma_wait3A_99 : memref<1x1x128xi32, #tpu.memory_space<hbm>> -> memref<128xi32, #tpu.memory_space<hbm>>
        %dma_wait3A_101 = arith.constant 0 : i32
        %dma_wait3A_102 = tpu.memref_slice %arg3[%arg1, %add3A_72, %dma_wait3A_101] : memref<16x160x128xi32, #tpu.memory_space<hbm>> -> memref<1x1x128xi32, #tpu.memory_space<hbm>>
        %dma_wait3A_103 = tpu.memref_squeeze %dma_wait3A_102 : memref<1x1x128xi32, #tpu.memory_space<hbm>> -> memref<128xi32, #tpu.memory_space<hbm>>
        tpu.wait_dma2 semaphore(%run_scoped3A : memref<!tpu.dma_semaphore, #tpu.memory_space<semaphore_mem>>) src(%dma_wait3A_103 : memref<128xi32, #tpu.memory_space<hbm>>) dst(%arg9 : memref<128xi32, #tpu.memory_space<vmem>>)
        tpu.yield
      }) : () -> ()
      %add3A_73 = arith.constant 1 : i32
      %add3A_74 = arith.addi %add3A_70, %add3A_73 : i32
      "tpu.region"() ({
        %run_scoped3A = tpu.sem_alloc : memref<!tpu.dma_semaphore, #tpu.memory_space<semaphore_mem>>
        %dma_start3A_92 = arith.constant 0 : i32
        %dma_start3A_93 = tpu.memref_slice %arg4[%arg1, %add3A_74, %dma_start3A_92] : memref<16x160x128xi32, #tpu.memory_space<hbm>> -> memref<1x1x128xi32, #tpu.memory_space<hbm>>
        %dma_start3A_94 = tpu.memref_squeeze %dma_start3A_93 : memref<1x1x128xi32, #tpu.memory_space<hbm>> -> memref<128xi32, #tpu.memory_space<hbm>>
        %dma_start3A_95 = arith.constant 0 : i32
        %dma_start3A_96 = tpu.memref_slice %arg4[%arg1, %add3A_74, %dma_start3A_95] : memref<16x160x128xi32, #tpu.memory_space<hbm>> -> memref<1x1x128xi32, #tpu.memory_space<hbm>>
        %dma_start3A_97 = tpu.memref_squeeze %dma_start3A_96 : memref<1x1x128xi32, #tpu.memory_space<hbm>> -> memref<128xi32, #tpu.memory_space<hbm>>
        tpu.enqueue_dma source(%dma_start3A_97 : memref<128xi32, #tpu.memory_space<hbm>>) target(%arg10 : memref<128xi32, #tpu.memory_space<vmem>>) target_semaphore(%run_scoped3A : memref<!tpu.dma_semaphore, #tpu.memory_space<semaphore_mem>>)
        %dma_wait3A_98 = arith.constant 0 : i32
        %dma_wait3A_99 = tpu.memref_slice %arg4[%arg1, %add3A_74, %dma_wait3A_98] : memref<16x160x128xi32, #tpu.memory_space<hbm>> -> memref<1x1x128xi32, #tpu.memory_space<hbm>>
        %dma_wait3A_100 = tpu.memref_squeeze %dma_wait3A_99 : memref<1x1x128xi32, #tpu.memory_space<hbm>> -> memref<128xi32, #tpu.memory_space<hbm>>
        %dma_wait3A_101 = arith.constant 0 : i32
        %dma_wait3A_102 = tpu.memref_slice %arg4[%arg1, %add3A_74, %dma_wait3A_101] : memref<16x160x128xi32, #tpu.memory_space<hbm>> -> memref<1x1x128xi32, #tpu.memory_space<hbm>>
        %dma_wait3A_103 = tpu.memref_squeeze %dma_wait3A_102 : memref<1x1x128xi32, #tpu.memory_space<hbm>> -> memref<128xi32, #tpu.memory_space<hbm>>
        tpu.wait_dma2 semaphore(%run_scoped3A : memref<!tpu.dma_semaphore, #tpu.memory_space<semaphore_mem>>) src(%dma_wait3A_103 : memref<128xi32, #tpu.memory_space<hbm>>) dst(%arg10 : memref<128xi32, #tpu.memory_space<vmem>>)
        tpu.yield
      }) : () -> ()
      %dma_start3A_75 = arith.constant 0 : i32
      %dma_start3A_76 = arith.constant 0 : i32
      %dma_start3A_77 = tpu.memref_slice %arg2[%dma_start3A_75, %dma_start3A_76] : memref<10016x128xbf16, #tpu.memory_space<hbm>> -> memref<10016x128xbf16, #tpu.memory_space<hbm>>
      tpu.enqueue_indirect_dma source(%dma_start3A_77 : memref<10016x128xbf16, #tpu.memory_space<hbm>>) target(%arg12 : memref<128x128xbf16, #tpu.memory_space<vmem>>) offsets(%arg9 : memref<128xi32, #tpu.memory_space<vmem>>) semaphore(%arg14 : memref<!tpu.dma_semaphore, #tpu.memory_space<semaphore_mem>>)
      %dma_wait3A_78 = arith.constant 0 : i32
      %dma_wait3A_79 = arith.constant 0 : i32
      %dma_wait3A_80 = tpu.memref_slice %arg2[%dma_wait3A_78, %dma_wait3A_79] : memref<10016x128xbf16, #tpu.memory_space<hbm>> -> memref<10016x128xbf16, #tpu.memory_space<hbm>>
      tpu.wait_indirect_dma semaphore(%arg13 : memref<!tpu.dma_semaphore, #tpu.memory_space<semaphore_mem>>) src(%dma_wait3A_80 : memref<10016x128xbf16, #tpu.memory_space<hbm>>) dst(%arg11 : memref<128x128xbf16, #tpu.memory_space<vmem>>)
      "tpu.region"() ({
        %run_scoped3A = tpu.sem_alloc : memref<!tpu.dma_semaphore, #tpu.memory_space<semaphore_mem>>
        %dma_start3A_92 = arith.constant 0 : i32
        %dma_start3A_93 = arith.constant 0 : i32
        %dma_start3A_94 = tpu.memref_slice %arg15[%dma_start3A_92, %dma_start3A_93] : memref<10240x128xbf16, #tpu.memory_space<vmem_shared>> -> memref<10240x128xbf16, #tpu.memory_space<vmem_shared>>
        tpu.enqueue_indirect_dma source(%arg11 : memref<128x128xbf16, #tpu.memory_space<vmem>>) target(%dma_start3A_94 : memref<10240x128xbf16, #tpu.memory_space<vmem_shared>>) offsets(%arg8 : memref<128xi32, #tpu.memory_space<vmem>>) semaphore(%run_scoped3A : memref<!tpu.dma_semaphore, #tpu.memory_space<semaphore_mem>>) {add = true}
        %dma_wait3A_95 = arith.constant 0 : i32
        %dma_wait3A_96 = arith.constant 0 : i32
        %dma_wait3A_97 = tpu.memref_slice %arg15[%dma_wait3A_95, %dma_wait3A_96] : memref<10240x128xbf16, #tpu.memory_space<vmem_shared>> -> memref<10240x128xbf16, #tpu.memory_space<vmem_shared>>
        tpu.wait_indirect_dma semaphore(%run_scoped3A : memref<!tpu.dma_semaphore, #tpu.memory_space<semaphore_mem>>) src(%arg11 : memref<128x128xbf16, #tpu.memory_space<vmem>>) dst(%dma_wait3A_97 : memref<10240x128xbf16, #tpu.memory_space<vmem_shared>>)
        tpu.yield
      }) : () -> ()
      %add3A_81 = arith.constant 2 : i32
      %add3A_82 = arith.addi %add3A_70, %add3A_81 : i32
      %add3A_83 = arith.addi %select_n3A, %select_n3A_5 : i32
      %sub3A_84 = arith.constant 1 : i32
      %sub3A_85 = arith.subi %add3A_83, %sub3A_84 : i32
      %min3A = arith.minsi %add3A_82, %sub3A_85 : i32
      "tpu.region"() ({
        %run_scoped3A = tpu.sem_alloc : memref<!tpu.dma_semaphore, #tpu.memory_space<semaphore_mem>>
        %dma_start3A_92 = arith.constant 0 : i32
        %dma_start3A_93 = tpu.memref_slice %arg3[%arg1, %min3A, %dma_start3A_92] : memref<16x160x128xi32, #tpu.memory_space<hbm>> -> memref<1x1x128xi32, #tpu.memory_space<hbm>>
        %dma_start3A_94 = tpu.memref_squeeze %dma_start3A_93 : memref<1x1x128xi32, #tpu.memory_space<hbm>> -> memref<128xi32, #tpu.memory_space<hbm>>
        %dma_start3A_95 = arith.constant 0 : i32
        %dma_start3A_96 = tpu.memref_slice %arg3[%arg1, %min3A, %dma_start3A_95] : memref<16x160x128xi32, #tpu.memory_space<hbm>> -> memref<1x1x128xi32, #tpu.memory_space<hbm>>
        %dma_start3A_97 = tpu.memref_squeeze %dma_start3A_96 : memref<1x1x128xi32, #tpu.memory_space<hbm>> -> memref<128xi32, #tpu.memory_space<hbm>>
        tpu.enqueue_dma source(%dma_start3A_97 : memref<128xi32, #tpu.memory_space<hbm>>) target(%arg7 : memref<128xi32, #tpu.memory_space<vmem>>) target_semaphore(%run_scoped3A : memref<!tpu.dma_semaphore, #tpu.memory_space<semaphore_mem>>)
        %dma_wait3A_98 = arith.constant 0 : i32
        %dma_wait3A_99 = tpu.memref_slice %arg3[%arg1, %min3A, %dma_wait3A_98] : memref<16x160x128xi32, #tpu.memory_space<hbm>> -> memref<1x1x128xi32, #tpu.memory_space<hbm>>
        %dma_wait3A_100 = tpu.memref_squeeze %dma_wait3A_99 : memref<1x1x128xi32, #tpu.memory_space<hbm>> -> memref<128xi32, #tpu.memory_space<hbm>>
        %dma_wait3A_101 = arith.constant 0 : i32
        %dma_wait3A_102 = tpu.memref_slice %arg3[%arg1, %min3A, %dma_wait3A_101] : memref<16x160x128xi32, #tpu.memory_space<hbm>> -> memref<1x1x128xi32, #tpu.memory_space<hbm>>
        %dma_wait3A_103 = tpu.memref_squeeze %dma_wait3A_102 : memref<1x1x128xi32, #tpu.memory_space<hbm>> -> memref<128xi32, #tpu.memory_space<hbm>>
        tpu.wait_dma2 semaphore(%run_scoped3A : memref<!tpu.dma_semaphore, #tpu.memory_space<semaphore_mem>>) src(%dma_wait3A_103 : memref<128xi32, #tpu.memory_space<hbm>>) dst(%arg7 : memref<128xi32, #tpu.memory_space<vmem>>)
        tpu.yield
      }) : () -> ()
      "tpu.region"() ({
        %run_scoped3A = tpu.sem_alloc : memref<!tpu.dma_semaphore, #tpu.memory_space<semaphore_mem>>
        %dma_start3A_92 = arith.constant 0 : i32
        %dma_start3A_93 = tpu.memref_slice %arg4[%arg1, %min3A, %dma_start3A_92] : memref<16x160x128xi32, #tpu.memory_space<hbm>> -> memref<1x1x128xi32, #tpu.memory_space<hbm>>
        %dma_start3A_94 = tpu.memref_squeeze %dma_start3A_93 : memref<1x1x128xi32, #tpu.memory_space<hbm>> -> memref<128xi32, #tpu.memory_space<hbm>>
        %dma_start3A_95 = arith.constant 0 : i32
        %dma_start3A_96 = tpu.memref_slice %arg4[%arg1, %min3A, %dma_start3A_95] : memref<16x160x128xi32, #tpu.memory_space<hbm>> -> memref<1x1x128xi32, #tpu.memory_space<hbm>>
        %dma_start3A_97 = tpu.memref_squeeze %dma_start3A_96 : memref<1x1x128xi32, #tpu.memory_space<hbm>> -> memref<128xi32, #tpu.memory_space<hbm>>
        tpu.enqueue_dma source(%dma_start3A_97 : memref<128xi32, #tpu.memory_space<hbm>>) target(%arg8 : memref<128xi32, #tpu.memory_space<vmem>>) target_semaphore(%run_scoped3A : memref<!tpu.dma_semaphore, #tpu.memory_space<semaphore_mem>>)
        %dma_wait3A_98 = arith.constant 0 : i32
        %dma_wait3A_99 = tpu.memref_slice %arg4[%arg1, %min3A, %dma_wait3A_98] : memref<16x160x128xi32, #tpu.memory_space<hbm>> -> memref<1x1x128xi32, #tpu.memory_space<hbm>>
        %dma_wait3A_100 = tpu.memref_squeeze %dma_wait3A_99 : memref<1x1x128xi32, #tpu.memory_space<hbm>> -> memref<128xi32, #tpu.memory_space<hbm>>
        %dma_wait3A_101 = arith.constant 0 : i32
        %dma_wait3A_102 = tpu.memref_slice %arg4[%arg1, %min3A, %dma_wait3A_101] : memref<16x160x128xi32, #tpu.memory_space<hbm>> -> memref<1x1x128xi32, #tpu.memory_space<hbm>>
        %dma_wait3A_103 = tpu.memref_squeeze %dma_wait3A_102 : memref<1x1x128xi32, #tpu.memory_space<hbm>> -> memref<128xi32, #tpu.memory_space<hbm>>
        tpu.wait_dma2 semaphore(%run_scoped3A : memref<!tpu.dma_semaphore, #tpu.memory_space<semaphore_mem>>) src(%dma_wait3A_103 : memref<128xi32, #tpu.memory_space<hbm>>) dst(%arg8 : memref<128xi32, #tpu.memory_space<vmem>>)
        tpu.yield
      }) : () -> ()
      %dma_start3A_86 = arith.constant 0 : i32
      %dma_start3A_87 = arith.constant 0 : i32
      %dma_start3A_88 = tpu.memref_slice %arg2[%dma_start3A_86, %dma_start3A_87] : memref<10016x128xbf16, #tpu.memory_space<hbm>> -> memref<10016x128xbf16, #tpu.memory_space<hbm>>
      tpu.enqueue_indirect_dma source(%dma_start3A_88 : memref<10016x128xbf16, #tpu.memory_space<hbm>>) target(%arg11 : memref<128x128xbf16, #tpu.memory_space<vmem>>) offsets(%arg7 : memref<128xi32, #tpu.memory_space<vmem>>) semaphore(%arg13 : memref<!tpu.dma_semaphore, #tpu.memory_space<semaphore_mem>>)
      %dma_wait3A_89 = arith.constant 0 : i32
      %dma_wait3A_90 = arith.constant 0 : i32
      %dma_wait3A_91 = tpu.memref_slice %arg2[%dma_wait3A_89, %dma_wait3A_90] : memref<10016x128xbf16, #tpu.memory_space<hbm>> -> memref<10016x128xbf16, #tpu.memory_space<hbm>>
      tpu.wait_indirect_dma semaphore(%arg14 : memref<!tpu.dma_semaphore, #tpu.memory_space<semaphore_mem>>) src(%dma_wait3A_91 : memref<10016x128xbf16, #tpu.memory_space<hbm>>) dst(%arg12 : memref<128x128xbf16, #tpu.memory_space<vmem>>)
      "tpu.region"() ({
        %run_scoped3A = tpu.sem_alloc : memref<!tpu.dma_semaphore, #tpu.memory_space<semaphore_mem>>
        %dma_start3A_92 = arith.constant 0 : i32
        %dma_start3A_93 = arith.constant 0 : i32
        %dma_start3A_94 = tpu.memref_slice %arg15[%dma_start3A_92, %dma_start3A_93] : memref<10240x128xbf16, #tpu.memory_space<vmem_shared>> -> memref<10240x128xbf16, #tpu.memory_space<vmem_shared>>
        tpu.enqueue_indirect_dma source(%arg12 : memref<128x128xbf16, #tpu.memory_space<vmem>>) target(%dma_start3A_94 : memref<10240x128xbf16, #tpu.memory_space<vmem_shared>>) offsets(%arg10 : memref<128xi32, #tpu.memory_space<vmem>>) semaphore(%run_scoped3A : memref<!tpu.dma_semaphore, #tpu.memory_space<semaphore_mem>>) {add = true}
        %dma_wait3A_95 = arith.constant 0 : i32
        %dma_wait3A_96 = arith.constant 0 : i32
        %dma_wait3A_97 = tpu.memref_slice %arg15[%dma_wait3A_95, %dma_wait3A_96] : memref<10240x128xbf16, #tpu.memory_space<vmem_shared>> -> memref<10240x128xbf16, #tpu.memory_space<vmem_shared>>
        tpu.wait_indirect_dma semaphore(%run_scoped3A : memref<!tpu.dma_semaphore, #tpu.memory_space<semaphore_mem>>) src(%arg12 : memref<128x128xbf16, #tpu.memory_space<vmem>>) dst(%dma_wait3A_97 : memref<10240x128xbf16, #tpu.memory_space<vmem_shared>>)
        tpu.yield
      }) : () -> ()
    }
    %while3A_43 = arith.constant 1 : i32
    scf.for %while3A_67 = %while3A_41 to %while3A_37 step %while3A_43  : i32 {
      %mul3A_68 = arith.constant 2 : i32
      %mul3A_69 = arith.muli %mul3A_68, %while3A_67 : i32
      %add3A_70 = arith.addi %select_n3A, %mul3A_69 : i32
      %add3A_71 = arith.constant 1 : i32
      %add3A_72 = arith.addi %add3A_70, %add3A_71 : i32
      "tpu.region"() ({
        %run_scoped3A = tpu.sem_alloc : memref<!tpu.dma_semaphore, #tpu.memory_space<semaphore_mem>>
        %dma_start3A_92 = arith.constant 0 : i32
        %dma_start3A_93 = tpu.memref_slice %arg3[%arg1, %add3A_72, %dma_start3A_92] : memref<16x160x128xi32, #tpu.memory_space<hbm>> -> memref<1x1x128xi32, #tpu.memory_space<hbm>>
        %dma_start3A_94 = tpu.memref_squeeze %dma_start3A_93 : memref<1x1x128xi32, #tpu.memory_space<hbm>> -> memref<128xi32, #tpu.memory_space<hbm>>
        %dma_start3A_95 = arith.constant 0 : i32
        %dma_start3A_96 = tpu.memref_slice %arg3[%arg1, %add3A_72, %dma_start3A_95] : memref<16x160x128xi32, #tpu.memory_space<hbm>> -> memref<1x1x128xi32, #tpu.memory_space<hbm>>
        %dma_start3A_97 = tpu.memref_squeeze %dma_start3A_96 : memref<1x1x128xi32, #tpu.memory_space<hbm>> -> memref<128xi32, #tpu.memory_space<hbm>>
        tpu.enqueue_dma source(%dma_start3A_97 : memref<128xi32, #tpu.memory_space<hbm>>) target(%arg9 : memref<128xi32, #tpu.memory_space<vmem>>) target_semaphore(%run_scoped3A : memref<!tpu.dma_semaphore, #tpu.memory_space<semaphore_mem>>)
        %dma_wait3A_98 = arith.constant 0 : i32
        %dma_wait3A_99 = tpu.memref_slice %arg3[%arg1, %add3A_72, %dma_wait3A_98] : memref<16x160x128xi32, #tpu.memory_space<hbm>> -> memref<1x1x128xi32, #tpu.memory_space<hbm>>
        %dma_wait3A_100 = tpu.memref_squeeze %dma_wait3A_99 : memref<1x1x128xi32, #tpu.memory_space<hbm>> -> memref<128xi32, #tpu.memory_space<hbm>>
        %dma_wait3A_101 = arith.constant 0 : i32
        %dma_wait3A_102 = tpu.memref_slice %arg3[%arg1, %add3A_72, %dma_wait3A_101] : memref<16x160x128xi32, #tpu.memory_space<hbm>> -> memref<1x1x128xi32, #tpu.memory_space<hbm>>
        %dma_wait3A_103 = tpu.memref_squeeze %dma_wait3A_102 : memref<1x1x128xi32, #tpu.memory_space<hbm>> -> memref<128xi32, #tpu.memory_space<hbm>>
        tpu.wait_dma2 semaphore(%run_scoped3A : memref<!tpu.dma_semaphore, #tpu.memory_space<semaphore_mem>>) src(%dma_wait3A_103 : memref<128xi32, #tpu.memory_space<hbm>>) dst(%arg9 : memref<128xi32, #tpu.memory_space<vmem>>)
        tpu.yield
      }) : () -> ()
      %add3A_73 = arith.constant 1 : i32
      %add3A_74 = arith.addi %add3A_70, %add3A_73 : i32
      "tpu.region"() ({
        %run_scoped3A = tpu.sem_alloc : memref<!tpu.dma_semaphore, #tpu.memory_space<semaphore_mem>>
        %dma_start3A_92 = arith.constant 0 : i32
        %dma_start3A_93 = tpu.memref_slice %arg4[%arg1, %add3A_74, %dma_start3A_92] : memref<16x160x128xi32, #tpu.memory_space<hbm>> -> memref<1x1x128xi32, #tpu.memory_space<hbm>>
        %dma_start3A_94 = tpu.memref_squeeze %dma_start3A_93 : memref<1x1x128xi32, #tpu.memory_space<hbm>> -> memref<128xi32, #tpu.memory_space<hbm>>
        %dma_start3A_95 = arith.constant 0 : i32
        %dma_start3A_96 = tpu.memref_slice %arg4[%arg1, %add3A_74, %dma_start3A_95] : memref<16x160x128xi32, #tpu.memory_space<hbm>> -> memref<1x1x128xi32, #tpu.memory_space<hbm>>
        %dma_start3A_97 = tpu.memref_squeeze %dma_start3A_96 : memref<1x1x128xi32, #tpu.memory_space<hbm>> -> memref<128xi32, #tpu.memory_space<hbm>>
        tpu.enqueue_dma source(%dma_start3A_97 : memref<128xi32, #tpu.memory_space<hbm>>) target(%arg10 : memref<128xi32, #tpu.memory_space<vmem>>) target_semaphore(%run_scoped3A : memref<!tpu.dma_semaphore, #tpu.memory_space<semaphore_mem>>)
        %dma_wait3A_98 = arith.constant 0 : i32
        %dma_wait3A_99 = tpu.memref_slice %arg4[%arg1, %add3A_74, %dma_wait3A_98] : memref<16x160x128xi32, #tpu.memory_space<hbm>> -> memref<1x1x128xi32, #tpu.memory_space<hbm>>
        %dma_wait3A_100 = tpu.memref_squeeze %dma_wait3A_99 : memref<1x1x128xi32, #tpu.memory_space<hbm>> -> memref<128xi32, #tpu.memory_space<hbm>>
        %dma_wait3A_101 = arith.constant 0 : i32
        %dma_wait3A_102 = tpu.memref_slice %arg4[%arg1, %add3A_74, %dma_wait3A_101] : memref<16x160x128xi32, #tpu.memory_space<hbm>> -> memref<1x1x128xi32, #tpu.memory_space<hbm>>
        %dma_wait3A_103 = tpu.memref_squeeze %dma_wait3A_102 : memref<1x1x128xi32, #tpu.memory_space<hbm>> -> memref<128xi32, #tpu.memory_space<hbm>>
        tpu.wait_dma2 semaphore(%run_scoped3A : memref<!tpu.dma_semaphore, #tpu.memory_space<semaphore_mem>>) src(%dma_wait3A_103 : memref<128xi32, #tpu.memory_space<hbm>>) dst(%arg10 : memref<128xi32, #tpu.memory_space<vmem>>)
        tpu.yield
      }) : () -> ()
      %dma_start3A_75 = arith.constant 0 : i32
      %dma_start3A_76 = arith.constant 0 : i32
      %dma_start3A_77 = tpu.memref_slice %arg2[%dma_start3A_75, %dma_start3A_76] : memref<10016x128xbf16, #tpu.memory_space<hbm>> -> memref<10016x128xbf16, #tpu.memory_space<hbm>>
      tpu.enqueue_indirect_dma source(%dma_start3A_77 : memref<10016x128xbf16, #tpu.memory_space<hbm>>) target(%arg12 : memref<128x128xbf16, #tpu.memory_space<vmem>>) offsets(%arg9 : memref<128xi32, #tpu.memory_space<vmem>>) semaphore(%arg14 : memref<!tpu.dma_semaphore, #tpu.memory_space<semaphore_mem>>)
      %dma_wait3A_78 = arith.constant 0 : i32
      %dma_wait3A_79 = arith.constant 0 : i32
      %dma_wait3A_80 = tpu.memref_slice %arg2[%dma_wait3A_78, %dma_wait3A_79] : memref<10016x128xbf16, #tpu.memory_space<hbm>> -> memref<10016x128xbf16, #tpu.memory_space<hbm>>
      tpu.wait_indirect_dma semaphore(%arg13 : memref<!tpu.dma_semaphore, #tpu.memory_space<semaphore_mem>>) src(%dma_wait3A_80 : memref<10016x128xbf16, #tpu.memory_space<hbm>>) dst(%arg11 : memref<128x128xbf16, #tpu.memory_space<vmem>>)
      "tpu.region"() ({
        %run_scoped3A = tpu.sem_alloc : memref<!tpu.dma_semaphore, #tpu.memory_space<semaphore_mem>>
        %dma_start3A_92 = arith.constant 0 : i32
        %dma_start3A_93 = arith.constant 0 : i32
        %dma_start3A_94 = tpu.memref_slice %arg15[%dma_start3A_92, %dma_start3A_93] : memref<10240x128xbf16, #tpu.memory_space<vmem_shared>> -> memref<10240x128xbf16, #tpu.memory_space<vmem_shared>>
        tpu.enqueue_indirect_dma source(%arg11 : memref<128x128xbf16, #tpu.memory_space<vmem>>) target(%dma_start3A_94 : memref<10240x128xbf16, #tpu.memory_space<vmem_shared>>) offsets(%arg8 : memref<128xi32, #tpu.memory_space<vmem>>) semaphore(%run_scoped3A : memref<!tpu.dma_semaphore, #tpu.memory_space<semaphore_mem>>) {add = true}
        %dma_wait3A_95 = arith.constant 0 : i32
        %dma_wait3A_96 = arith.constant 0 : i32
        %dma_wait3A_97 = tpu.memref_slice %arg15[%dma_wait3A_95, %dma_wait3A_96] : memref<10240x128xbf16, #tpu.memory_space<vmem_shared>> -> memref<10240x128xbf16, #tpu.memory_space<vmem_shared>>
        tpu.wait_indirect_dma semaphore(%run_scoped3A : memref<!tpu.dma_semaphore, #tpu.memory_space<semaphore_mem>>) src(%arg11 : memref<128x128xbf16, #tpu.memory_space<vmem>>) dst(%dma_wait3A_97 : memref<10240x128xbf16, #tpu.memory_space<vmem_shared>>)
        tpu.yield
      }) : () -> ()
      %add3A_81 = arith.constant 2 : i32
      %add3A_82 = arith.addi %add3A_70, %add3A_81 : i32
      %add3A_83 = arith.addi %select_n3A, %select_n3A_5 : i32
      %sub3A_84 = arith.constant 1 : i32
      %sub3A_85 = arith.subi %add3A_83, %sub3A_84 : i32
      %min3A = arith.minsi %add3A_82, %sub3A_85 : i32
      "tpu.region"() ({
        %run_scoped3A = tpu.sem_alloc : memref<!tpu.dma_semaphore, #tpu.memory_space<semaphore_mem>>
        %dma_start3A_92 = arith.constant 0 : i32
        %dma_start3A_93 = tpu.memref_slice %arg3[%arg1, %min3A, %dma_start3A_92] : memref<16x160x128xi32, #tpu.memory_space<hbm>> -> memref<1x1x128xi32, #tpu.memory_space<hbm>>
        %dma_start3A_94 = tpu.memref_squeeze %dma_start3A_93 : memref<1x1x128xi32, #tpu.memory_space<hbm>> -> memref<128xi32, #tpu.memory_space<hbm>>
        %dma_start3A_95 = arith.constant 0 : i32
        %dma_start3A_96 = tpu.memref_slice %arg3[%arg1, %min3A, %dma_start3A_95] : memref<16x160x128xi32, #tpu.memory_space<hbm>> -> memref<1x1x128xi32, #tpu.memory_space<hbm>>
        %dma_start3A_97 = tpu.memref_squeeze %dma_start3A_96 : memref<1x1x128xi32, #tpu.memory_space<hbm>> -> memref<128xi32, #tpu.memory_space<hbm>>
        tpu.enqueue_dma source(%dma_start3A_97 : memref<128xi32, #tpu.memory_space<hbm>>) target(%arg7 : memref<128xi32, #tpu.memory_space<vmem>>) target_semaphore(%run_scoped3A : memref<!tpu.dma_semaphore, #tpu.memory_space<semaphore_mem>>)
        %dma_wait3A_98 = arith.constant 0 : i32
        %dma_wait3A_99 = tpu.memref_slice %arg3[%arg1, %min3A, %dma_wait3A_98] : memref<16x160x128xi32, #tpu.memory_space<hbm>> -> memref<1x1x128xi32, #tpu.memory_space<hbm>>
        %dma_wait3A_100 = tpu.memref_squeeze %dma_wait3A_99 : memref<1x1x128xi32, #tpu.memory_space<hbm>> -> memref<128xi32, #tpu.memory_space<hbm>>
        %dma_wait3A_101 = arith.constant 0 : i32
        %dma_wait3A_102 = tpu.memref_slice %arg3[%arg1, %min3A, %dma_wait3A_101] : memref<16x160x128xi32, #tpu.memory_space<hbm>> -> memref<1x1x128xi32, #tpu.memory_space<hbm>>
        %dma_wait3A_103 = tpu.memref_squeeze %dma_wait3A_102 : memref<1x1x128xi32, #tpu.memory_space<hbm>> -> memref<128xi32, #tpu.memory_space<hbm>>
        tpu.wait_dma2 semaphore(%run_scoped3A : memref<!tpu.dma_semaphore, #tpu.memory_space<semaphore_mem>>) src(%dma_wait3A_103 : memref<128xi32, #tpu.memory_space<hbm>>) dst(%arg7 : memref<128xi32, #tpu.memory_space<vmem>>)
        tpu.yield
      }) : () -> ()
      "tpu.region"() ({
        %run_scoped3A = tpu.sem_alloc : memref<!tpu.dma_semaphore, #tpu.memory_space<semaphore_mem>>
        %dma_start3A_92 = arith.constant 0 : i32
        %dma_start3A_93 = tpu.memref_slice %arg4[%arg1, %min3A, %dma_start3A_92] : memref<16x160x128xi32, #tpu.memory_space<hbm>> -> memref<1x1x128xi32, #tpu.memory_space<hbm>>
        %dma_start3A_94 = tpu.memref_squeeze %dma_start3A_93 : memref<1x1x128xi32, #tpu.memory_space<hbm>> -> memref<128xi32, #tpu.memory_space<hbm>>
        %dma_start3A_95 = arith.constant 0 : i32
        %dma_start3A_96 = tpu.memref_slice %arg4[%arg1, %min3A, %dma_start3A_95] : memref<16x160x128xi32, #tpu.memory_space<hbm>> -> memref<1x1x128xi32, #tpu.memory_space<hbm>>
        %dma_start3A_97 = tpu.memref_squeeze %dma_start3A_96 : memref<1x1x128xi32, #tpu.memory_space<hbm>> -> memref<128xi32, #tpu.memory_space<hbm>>
        tpu.enqueue_dma source(%dma_start3A_97 : memref<128xi32, #tpu.memory_space<hbm>>) target(%arg8 : memref<128xi32, #tpu.memory_space<vmem>>) target_semaphore(%run_scoped3A : memref<!tpu.dma_semaphore, #tpu.memory_space<semaphore_mem>>)
        %dma_wait3A_98 = arith.constant 0 : i32
        %dma_wait3A_99 = tpu.memref_slice %arg4[%arg1, %min3A, %dma_wait3A_98] : memref<16x160x128xi32, #tpu.memory_space<hbm>> -> memref<1x1x128xi32, #tpu.memory_space<hbm>>
        %dma_wait3A_100 = tpu.memref_squeeze %dma_wait3A_99 : memref<1x1x128xi32, #tpu.memory_space<hbm>> -> memref<128xi32, #tpu.memory_space<hbm>>
        %dma_wait3A_101 = arith.constant 0 : i32
        %dma_wait3A_102 = tpu.memref_slice %arg4[%arg1, %min3A, %dma_wait3A_101] : memref<16x160x128xi32, #tpu.memory_space<hbm>> -> memref<1x1x128xi32, #tpu.memory_space<hbm>>
        %dma_wait3A_103 = tpu.memref_squeeze %dma_wait3A_102 : memref<1x1x128xi32, #tpu.memory_space<hbm>> -> memref<128xi32, #tpu.memory_space<hbm>>
        tpu.wait_dma2 semaphore(%run_scoped3A : memref<!tpu.dma_semaphore, #tpu.memory_space<semaphore_mem>>) src(%dma_wait3A_103 : memref<128xi32, #tpu.memory_space<hbm>>) dst(%arg8 : memref<128xi32, #tpu.memory_space<vmem>>)
        tpu.yield
      }) : () -> ()
      %dma_start3A_86 = arith.constant 0 : i32
      %dma_start3A_87 = arith.constant 0 : i32
      %dma_start3A_88 = tpu.memref_slice %arg2[%dma_start3A_86, %dma_start3A_87] : memref<10016x128xbf16, #tpu.memory_space<hbm>> -> memref<10016x128xbf16, #tpu.memory_space<hbm>>
      tpu.enqueue_indirect_dma source(%dma_start3A_88 : memref<10016x128xbf16, #tpu.memory_space<hbm>>) target(%arg11 : memref<128x128xbf16, #tpu.memory_space<vmem>>) offsets(%arg7 : memref<128xi32, #tpu.memory_space<vmem>>) semaphore(%arg13 : memref<!tpu.dma_semaphore, #tpu.memory_space<semaphore_mem>>)
      %dma_wait3A_89 = arith.constant 0 : i32
      %dma_wait3A_90 = arith.constant 0 : i32
      %dma_wait3A_91 = tpu.memref_slice %arg2[%dma_wait3A_89, %dma_wait3A_90] : memref<10016x128xbf16, #tpu.memory_space<hbm>> -> memref<10016x128xbf16, #tpu.memory_space<hbm>>
      tpu.wait_indirect_dma semaphore(%arg14 : memref<!tpu.dma_semaphore, #tpu.memory_space<semaphore_mem>>) src(%dma_wait3A_91 : memref<10016x128xbf16, #tpu.memory_space<hbm>>) dst(%arg12 : memref<128x128xbf16, #tpu.memory_space<vmem>>)
      "tpu.region"() ({
        %run_scoped3A = tpu.sem_alloc : memref<!tpu.dma_semaphore, #tpu.memory_space<semaphore_mem>>
        %dma_start3A_92 = arith.constant 0 : i32
        %dma_start3A_93 = arith.constant 0 : i32
        %dma_start3A_94 = tpu.memref_slice %arg15[%dma_start3A_92, %dma_start3A_93] : memref<10240x128xbf16, #tpu.memory_space<vmem_shared>> -> memref<10240x128xbf16, #tpu.memory_space<vmem_shared>>
        tpu.enqueue_indirect_dma source(%arg12 : memref<128x128xbf16, #tpu.memory_space<vmem>>) target(%dma_start3A_94 : memref<10240x128xbf16, #tpu.memory_space<vmem_shared>>) offsets(%arg10 : memref<128xi32, #tpu.memory_space<vmem>>) semaphore(%run_scoped3A : memref<!tpu.dma_semaphore, #tpu.memory_space<semaphore_mem>>) {add = true}
        %dma_wait3A_95 = arith.constant 0 : i32
        %dma_wait3A_96 = arith.constant 0 : i32
        %dma_wait3A_97 = tpu.memref_slice %arg15[%dma_wait3A_95, %dma_wait3A_96] : memref<10240x128xbf16, #tpu.memory_space<vmem_shared>> -> memref<10240x128xbf16, #tpu.memory_space<vmem_shared>>
        tpu.wait_indirect_dma semaphore(%run_scoped3A : memref<!tpu.dma_semaphore, #tpu.memory_space<semaphore_mem>>) src(%arg12 : memref<128x128xbf16, #tpu.memory_space<vmem>>) dst(%dma_wait3A_97 : memref<10240x128xbf16, #tpu.memory_space<vmem_shared>>)
        tpu.yield
      }) : () -> ()
    }
    %dma_wait3A = arith.constant 0 : i32
    %dma_wait3A_44 = arith.constant 0 : i32
    %dma_wait3A_45 = tpu.memref_slice %arg2[%dma_wait3A, %dma_wait3A_44] : memref<10016x128xbf16, #tpu.memory_space<hbm>> -> memref<10016x128xbf16, #tpu.memory_space<hbm>>
    tpu.wait_indirect_dma semaphore(%arg13 : memref<!tpu.dma_semaphore, #tpu.memory_space<semaphore_mem>>) src(%dma_wait3A_45 : memref<10016x128xbf16, #tpu.memory_space<hbm>>) dst(%arg11 : memref<128x128xbf16, #tpu.memory_space<vmem>>)
    %barrier3A_46 = arith.constant 0 : index
    tpu.barrier barrier_id(%barrier3A_46)
    %add3A_47 = arith.constant 0 : i32
    %add3A_48 = arith.addi %mul3A_0, %add3A_47 : i32
    "tpu.region"() ({
      %run_scoped3A = tpu.sem_alloc : memref<!tpu.dma_semaphore, #tpu.memory_space<semaphore_mem>>
      %dma_start3A_67 = arith.constant 0 : i32
      %dma_start3A_68 = tpu.memref_slice %arg15[%add3A_48, %dma_start3A_67] : memref<10240x128xbf16, #tpu.memory_space<vmem_shared>> -> memref<128x128xbf16, #tpu.memory_space<vmem_shared>>
      %dma_start3A_69 = arith.constant 0 : i32
      %dma_start3A_70 = tpu.memref_slice %arg15[%add3A_48, %dma_start3A_69] : memref<10240x128xbf16, #tpu.memory_space<vmem_shared>> -> memref<128x128xbf16, #tpu.memory_space<vmem_shared>>
      tpu.enqueue_dma source(%dma_start3A_70 : memref<128x128xbf16, #tpu.memory_space<vmem_shared>>) target(%arg11 : memref<128x128xbf16, #tpu.memory_space<vmem>>) target_semaphore(%run_scoped3A : memref<!tpu.dma_semaphore, #tpu.memory_space<semaphore_mem>>)
      %dma_wait3A_71 = arith.constant 0 : i32
      %dma_wait3A_72 = tpu.memref_slice %arg15[%add3A_48, %dma_wait3A_71] : memref<10240x128xbf16, #tpu.memory_space<vmem_shared>> -> memref<128x128xbf16, #tpu.memory_space<vmem_shared>>
      %dma_wait3A_73 = arith.constant 0 : i32
      %dma_wait3A_74 = tpu.memref_slice %arg15[%add3A_48, %dma_wait3A_73] : memref<10240x128xbf16, #tpu.memory_space<vmem_shared>> -> memref<128x128xbf16, #tpu.memory_space<vmem_shared>>
      tpu.wait_dma2 semaphore(%run_scoped3A : memref<!tpu.dma_semaphore, #tpu.memory_space<semaphore_mem>>) src(%dma_wait3A_74 : memref<128x128xbf16, #tpu.memory_space<vmem_shared>>) dst(%arg11 : memref<128x128xbf16, #tpu.memory_space<vmem>>)
      tpu.yield
    }) : () -> ()
    %add3A_49 = arith.constant 0 : i32
    %add3A_50 = arith.addi %mul3A_0, %add3A_49 : i32
    "tpu.region"() ({
      %run_scoped3A = tpu.sem_alloc : memref<!tpu.dma_semaphore, #tpu.memory_space<semaphore_mem>>
      %dma_start3A_67 = arith.constant 0 : i32
      %dma_start3A_68 = tpu.memref_slice %arg6[%arg0, %add3A_50, %dma_start3A_67] : memref<2x10240x128xbf16, #tpu.memory_space<hbm>> -> memref<1x128x128xbf16, #tpu.memory_space<hbm>>
      %dma_start3A_69 = tpu.memref_squeeze %dma_start3A_68 : memref<1x128x128xbf16, #tpu.memory_space<hbm>> -> memref<128x128xbf16, #tpu.memory_space<hbm>>
      %dma_start3A_70 = arith.constant 0 : i32
      %dma_start3A_71 = tpu.memref_slice %arg6[%arg0, %add3A_50, %dma_start3A_70] : memref<2x10240x128xbf16, #tpu.memory_space<hbm>> -> memref<1x128x128xbf16, #tpu.memory_space<hbm>>
      %dma_start3A_72 = tpu.memref_squeeze %dma_start3A_71 : memref<1x128x128xbf16, #tpu.memory_space<hbm>> -> memref<128x128xbf16, #tpu.memory_space<hbm>>
      tpu.enqueue_dma source(%arg11 : memref<128x128xbf16, #tpu.memory_space<vmem>>) target(%dma_start3A_72 : memref<128x128xbf16, #tpu.memory_space<hbm>>) target_semaphore(%run_scoped3A : memref<!tpu.dma_semaphore, #tpu.memory_space<semaphore_mem>>)
      %dma_wait3A_73 = arith.constant 0 : i32
      %dma_wait3A_74 = tpu.memref_slice %arg6[%arg0, %add3A_50, %dma_wait3A_73] : memref<2x10240x128xbf16, #tpu.memory_space<hbm>> -> memref<1x128x128xbf16, #tpu.memory_space<hbm>>
      %dma_wait3A_75 = tpu.memref_squeeze %dma_wait3A_74 : memref<1x128x128xbf16, #tpu.memory_space<hbm>> -> memref<128x128xbf16, #tpu.memory_space<hbm>>
      %dma_wait3A_76 = arith.constant 0 : i32
      %dma_wait3A_77 = tpu.memref_slice %arg6[%arg0, %add3A_50, %dma_wait3A_76] : memref<2x10240x128xbf16, #tpu.memory_space<hbm>> -> memref<1x128x128xbf16, #tpu.memory_space<hbm>>
      %dma_wait3A_78 = tpu.memref_squeeze %dma_wait3A_77 : memref<1x128x128xbf16, #tpu.memory_space<hbm>> -> memref<128x128xbf16, #tpu.memory_space<hbm>>
      tpu.wait_dma2 semaphore(%run_scoped3A : memref<!tpu.dma_semaphore, #tpu.memory_space<semaphore_mem>>) src(%arg11 : memref<128x128xbf16, #tpu.memory_space<vmem>>) dst(%dma_wait3A_78 : memref<128x128xbf16, #tpu.memory_space<hbm>>)
      tpu.yield
    }) : () -> ()
    %add3A_51 = arith.constant 128 : i32
    %add3A_52 = arith.addi %mul3A_0, %add3A_51 : i32
    "tpu.region"() ({
      %run_scoped3A = tpu.sem_alloc : memref<!tpu.dma_semaphore, #tpu.memory_space<semaphore_mem>>
      %dma_start3A_67 = arith.constant 0 : i32
      %dma_start3A_68 = tpu.memref_slice %arg15[%add3A_52, %dma_start3A_67] : memref<10240x128xbf16, #tpu.memory_space<vmem_shared>> -> memref<128x128xbf16, #tpu.memory_space<vmem_shared>>
      %dma_start3A_69 = arith.constant 0 : i32
      %dma_start3A_70 = tpu.memref_slice %arg15[%add3A_52, %dma_start3A_69] : memref<10240x128xbf16, #tpu.memory_space<vmem_shared>> -> memref<128x128xbf16, #tpu.memory_space<vmem_shared>>
      tpu.enqueue_dma source(%dma_start3A_70 : memref<128x128xbf16, #tpu.memory_space<vmem_shared>>) target(%arg11 : memref<128x128xbf16, #tpu.memory_space<vmem>>) target_semaphore(%run_scoped3A : memref<!tpu.dma_semaphore, #tpu.memory_space<semaphore_mem>>)
      %dma_wait3A_71 = arith.constant 0 : i32
      %dma_wait3A_72 = tpu.memref_slice %arg15[%add3A_52, %dma_wait3A_71] : memref<10240x128xbf16, #tpu.memory_space<vmem_shared>> -> memref<128x128xbf16, #tpu.memory_space<vmem_shared>>
      %dma_wait3A_73 = arith.constant 0 : i32
      %dma_wait3A_74 = tpu.memref_slice %arg15[%add3A_52, %dma_wait3A_73] : memref<10240x128xbf16, #tpu.memory_space<vmem_shared>> -> memref<128x128xbf16, #tpu.memory_space<vmem_shared>>
      tpu.wait_dma2 semaphore(%run_scoped3A : memref<!tpu.dma_semaphore, #tpu.memory_space<semaphore_mem>>) src(%dma_wait3A_74 : memref<128x128xbf16, #tpu.memory_space<vmem_shared>>) dst(%arg11 : memref<128x128xbf16, #tpu.memory_space<vmem>>)
      tpu.yield
    }) : () -> ()
    %add3A_53 = arith.constant 128 : i32
    %add3A_54 = arith.addi %mul3A_0, %add3A_53 : i32
    "tpu.region"() ({
      %run_scoped3A = tpu.sem_alloc : memref<!tpu.dma_semaphore, #tpu.memory_space<semaphore_mem>>
      %dma_start3A_67 = arith.constant 0 : i32
      %dma_start3A_68 = tpu.memref_slice %arg6[%arg0, %add3A_54, %dma_start3A_67] : memref<2x10240x128xbf16, #tpu.memory_space<hbm>> -> memref<1x128x128xbf16, #tpu.memory_space<hbm>>
      %dma_start3A_69 = tpu.memref_squeeze %dma_start3A_68 : memref<1x128x128xbf16, #tpu.memory_space<hbm>> -> memref<128x128xbf16, #tpu.memory_space<hbm>>
      %dma_start3A_70 = arith.constant 0 : i32
      %dma_start3A_71 = tpu.memref_slice %arg6[%arg0, %add3A_54, %dma_start3A_70] : memref<2x10240x128xbf16, #tpu.memory_space<hbm>> -> memref<1x128x128xbf16, #tpu.memory_space<hbm>>
      %dma_start3A_72 = tpu.memref_squeeze %dma_start3A_71 : memref<1x128x128xbf16, #tpu.memory_space<hbm>> -> memref<128x128xbf16, #tpu.memory_space<hbm>>
      tpu.enqueue_dma source(%arg11 : memref<128x128xbf16, #tpu.memory_space<vmem>>) target(%dma_start3A_72 : memref<128x128xbf16, #tpu.memory_space<hbm>>) target_semaphore(%run_scoped3A : memref<!tpu.dma_semaphore, #tpu.memory_space<semaphore_mem>>)
      %dma_wait3A_73 = arith.constant 0 : i32
      %dma_wait3A_74 = tpu.memref_slice %arg6[%arg0, %add3A_54, %dma_wait3A_73] : memref<2x10240x128xbf16, #tpu.memory_space<hbm>> -> memref<1x128x128xbf16, #tpu.memory_space<hbm>>
      %dma_wait3A_75 = tpu.memref_squeeze %dma_wait3A_74 : memref<1x128x128xbf16, #tpu.memory_space<hbm>> -> memref<128x128xbf16, #tpu.memory_space<hbm>>
      %dma_wait3A_76 = arith.constant 0 : i32
      %dma_wait3A_77 = tpu.memref_slice %arg6[%arg0, %add3A_54, %dma_wait3A_76] : memref<2x10240x128xbf16, #tpu.memory_space<hbm>> -> memref<1x128x128xbf16, #tpu.memory_space<hbm>>
      %dma_wait3A_78 = tpu.memref_squeeze %dma_wait3A_77 : memref<1x128x128xbf16, #tpu.memory_space<hbm>> -> memref<128x128xbf16, #tpu.memory_space<hbm>>
      tpu.wait_dma2 semaphore(%run_scoped3A : memref<!tpu.dma_semaphore, #tpu.memory_space<semaphore_mem>>) src(%arg11 : memref<128x128xbf16, #tpu.memory_space<vmem>>) dst(%dma_wait3A_78 : memref<128x128xbf16, #tpu.memory_space<hbm>>)
      tpu.yield
    }) : () -> ()
    %add3A_55 = arith.constant 256 : i32
    %add3A_56 = arith.addi %mul3A_0, %add3A_55 : i32
    "tpu.region"() ({
      %run_scoped3A = tpu.sem_alloc : memref<!tpu.dma_semaphore, #tpu.memory_space<semaphore_mem>>
      %dma_start3A_67 = arith.constant 0 : i32
      %dma_start3A_68 = tpu.memref_slice %arg15[%add3A_56, %dma_start3A_67] : memref<10240x128xbf16, #tpu.memory_space<vmem_shared>> -> memref<128x128xbf16, #tpu.memory_space<vmem_shared>>
      %dma_start3A_69 = arith.constant 0 : i32
      %dma_start3A_70 = tpu.memref_slice %arg15[%add3A_56, %dma_start3A_69] : memref<10240x128xbf16, #tpu.memory_space<vmem_shared>> -> memref<128x128xbf16, #tpu.memory_space<vmem_shared>>
      tpu.enqueue_dma source(%dma_start3A_70 : memref<128x128xbf16, #tpu.memory_space<vmem_shared>>) target(%arg11 : memref<128x128xbf16, #tpu.memory_space<vmem>>) target_semaphore(%run_scoped3A : memref<!tpu.dma_semaphore, #tpu.memory_space<semaphore_mem>>)
      %dma_wait3A_71 = arith.constant 0 : i32
      %dma_wait3A_72 = tpu.memref_slice %arg15[%add3A_56, %dma_wait3A_71] : memref<10240x128xbf16, #tpu.memory_space<vmem_shared>> -> memref<128x128xbf16, #tpu.memory_space<vmem_shared>>
      %dma_wait3A_73 = arith.constant 0 : i32
      %dma_wait3A_74 = tpu.memref_slice %arg15[%add3A_56, %dma_wait3A_73] : memref<10240x128xbf16, #tpu.memory_space<vmem_shared>> -> memref<128x128xbf16, #tpu.memory_space<vmem_shared>>
      tpu.wait_dma2 semaphore(%run_scoped3A : memref<!tpu.dma_semaphore, #tpu.memory_space<semaphore_mem>>) src(%dma_wait3A_74 : memref<128x128xbf16, #tpu.memory_space<vmem_shared>>) dst(%arg11 : memref<128x128xbf16, #tpu.memory_space<vmem>>)
      tpu.yield
    }) : () -> ()
    %add3A_57 = arith.constant 256 : i32
    %add3A_58 = arith.addi %mul3A_0, %add3A_57 : i32
    "tpu.region"() ({
      %run_scoped3A = tpu.sem_alloc : memref<!tpu.dma_semaphore, #tpu.memory_space<semaphore_mem>>
      %dma_start3A_67 = arith.constant 0 : i32
      %dma_start3A_68 = tpu.memref_slice %arg6[%arg0, %add3A_58, %dma_start3A_67] : memref<2x10240x128xbf16, #tpu.memory_space<hbm>> -> memref<1x128x128xbf16, #tpu.memory_space<hbm>>
      %dma_start3A_69 = tpu.memref_squeeze %dma_start3A_68 : memref<1x128x128xbf16, #tpu.memory_space<hbm>> -> memref<128x128xbf16, #tpu.memory_space<hbm>>
      %dma_start3A_70 = arith.constant 0 : i32
      %dma_start3A_71 = tpu.memref_slice %arg6[%arg0, %add3A_58, %dma_start3A_70] : memref<2x10240x128xbf16, #tpu.memory_space<hbm>> -> memref<1x128x128xbf16, #tpu.memory_space<hbm>>
      %dma_start3A_72 = tpu.memref_squeeze %dma_start3A_71 : memref<1x128x128xbf16, #tpu.memory_space<hbm>> -> memref<128x128xbf16, #tpu.memory_space<hbm>>
      tpu.enqueue_dma source(%arg11 : memref<128x128xbf16, #tpu.memory_space<vmem>>) target(%dma_start3A_72 : memref<128x128xbf16, #tpu.memory_space<hbm>>) target_semaphore(%run_scoped3A : memref<!tpu.dma_semaphore, #tpu.memory_space<semaphore_mem>>)
      %dma_wait3A_73 = arith.constant 0 : i32
      %dma_wait3A_74 = tpu.memref_slice %arg6[%arg0, %add3A_58, %dma_wait3A_73] : memref<2x10240x128xbf16, #tpu.memory_space<hbm>> -> memref<1x128x128xbf16, #tpu.memory_space<hbm>>
      %dma_wait3A_75 = tpu.memref_squeeze %dma_wait3A_74 : memref<1x128x128xbf16, #tpu.memory_space<hbm>> -> memref<128x128xbf16, #tpu.memory_space<hbm>>
      %dma_wait3A_76 = arith.constant 0 : i32
      %dma_wait3A_77 = tpu.memref_slice %arg6[%arg0, %add3A_58, %dma_wait3A_76] : memref<2x10240x128xbf16, #tpu.memory_space<hbm>> -> memref<1x128x128xbf16, #tpu.memory_space<hbm>>
      %dma_wait3A_78 = tpu.memref_squeeze %dma_wait3A_77 : memref<1x128x128xbf16, #tpu.memory_space<hbm>> -> memref<128x128xbf16, #tpu.memory_space<hbm>>
      tpu.wait_dma2 semaphore(%run_scoped3A : memref<!tpu.dma_semaphore, #tpu.memory_space<semaphore_mem>>) src(%arg11 : memref<128x128xbf16, #tpu.memory_space<vmem>>) dst(%dma_wait3A_78 : memref<128x128xbf16, #tpu.memory_space<hbm>>)
      tpu.yield
    }) : () -> ()
    %add3A_59 = arith.constant 384 : i32
    %add3A_60 = arith.addi %mul3A_0, %add3A_59 : i32
    "tpu.region"() ({
      %run_scoped3A = tpu.sem_alloc : memref<!tpu.dma_semaphore, #tpu.memory_space<semaphore_mem>>
      %dma_start3A_67 = arith.constant 0 : i32
      %dma_start3A_68 = tpu.memref_slice %arg15[%add3A_60, %dma_start3A_67] : memref<10240x128xbf16, #tpu.memory_space<vmem_shared>> -> memref<128x128xbf16, #tpu.memory_space<vmem_shared>>
      %dma_start3A_69 = arith.constant 0 : i32
      %dma_start3A_70 = tpu.memref_slice %arg15[%add3A_60, %dma_start3A_69] : memref<10240x128xbf16, #tpu.memory_space<vmem_shared>> -> memref<128x128xbf16, #tpu.memory_space<vmem_shared>>
      tpu.enqueue_dma source(%dma_start3A_70 : memref<128x128xbf16, #tpu.memory_space<vmem_shared>>) target(%arg11 : memref<128x128xbf16, #tpu.memory_space<vmem>>) target_semaphore(%run_scoped3A : memref<!tpu.dma_semaphore, #tpu.memory_space<semaphore_mem>>)
      %dma_wait3A_71 = arith.constant 0 : i32
      %dma_wait3A_72 = tpu.memref_slice %arg15[%add3A_60, %dma_wait3A_71] : memref<10240x128xbf16, #tpu.memory_space<vmem_shared>> -> memref<128x128xbf16, #tpu.memory_space<vmem_shared>>
      %dma_wait3A_73 = arith.constant 0 : i32
      %dma_wait3A_74 = tpu.memref_slice %arg15[%add3A_60, %dma_wait3A_73] : memref<10240x128xbf16, #tpu.memory_space<vmem_shared>> -> memref<128x128xbf16, #tpu.memory_space<vmem_shared>>
      tpu.wait_dma2 semaphore(%run_scoped3A : memref<!tpu.dma_semaphore, #tpu.memory_space<semaphore_mem>>) src(%dma_wait3A_74 : memref<128x128xbf16, #tpu.memory_space<vmem_shared>>) dst(%arg11 : memref<128x128xbf16, #tpu.memory_space<vmem>>)
      tpu.yield
    }) : () -> ()
    %add3A_61 = arith.constant 384 : i32
    %add3A_62 = arith.addi %mul3A_0, %add3A_61 : i32
    "tpu.region"() ({
      %run_scoped3A = tpu.sem_alloc : memref<!tpu.dma_semaphore, #tpu.memory_space<semaphore_mem>>
      %dma_start3A_67 = arith.constant 0 : i32
      %dma_start3A_68 = tpu.memref_slice %arg6[%arg0, %add3A_62, %dma_start3A_67] : memref<2x10240x128xbf16, #tpu.memory_space<hbm>> -> memref<1x128x128xbf16, #tpu.memory_space<hbm>>
      %dma_start3A_69 = tpu.memref_squeeze %dma_start3A_68 : memref<1x128x128xbf16, #tpu.memory_space<hbm>> -> memref<128x128xbf16, #tpu.memory_space<hbm>>
      %dma_start3A_70 = arith.constant 0 : i32
      %dma_start3A_71 = tpu.memref_slice %arg6[%arg0, %add3A_62, %dma_start3A_70] : memref<2x10240x128xbf16, #tpu.memory_space<hbm>> -> memref<1x128x128xbf16, #tpu.memory_space<hbm>>
      %dma_start3A_72 = tpu.memref_squeeze %dma_start3A_71 : memref<1x128x128xbf16, #tpu.memory_space<hbm>> -> memref<128x128xbf16, #tpu.memory_space<hbm>>
      tpu.enqueue_dma source(%arg11 : memref<128x128xbf16, #tpu.memory_space<vmem>>) target(%dma_start3A_72 : memref<128x128xbf16, #tpu.memory_space<hbm>>) target_semaphore(%run_scoped3A : memref<!tpu.dma_semaphore, #tpu.memory_space<semaphore_mem>>)
      %dma_wait3A_73 = arith.constant 0 : i32
      %dma_wait3A_74 = tpu.memref_slice %arg6[%arg0, %add3A_62, %dma_wait3A_73] : memref<2x10240x128xbf16, #tpu.memory_space<hbm>> -> memref<1x128x128xbf16, #tpu.memory_space<hbm>>
      %dma_wait3A_75 = tpu.memref_squeeze %dma_wait3A_74 : memref<1x128x128xbf16, #tpu.memory_space<hbm>> -> memref<128x128xbf16, #tpu.memory_space<hbm>>
      %dma_wait3A_76 = arith.constant 0 : i32
      %dma_wait3A_77 = tpu.memref_slice %arg6[%arg0, %add3A_62, %dma_wait3A_76] : memref<2x10240x128xbf16, #tpu.memory_space<hbm>> -> memref<1x128x128xbf16, #tpu.memory_space<hbm>>
      %dma_wait3A_78 = tpu.memref_squeeze %dma_wait3A_77 : memref<1x128x128xbf16, #tpu.memory_space<hbm>> -> memref<128x128xbf16, #tpu.memory_space<hbm>>
      tpu.wait_dma2 semaphore(%run_scoped3A : memref<!tpu.dma_semaphore, #tpu.memory_space<semaphore_mem>>) src(%arg11 : memref<128x128xbf16, #tpu.memory_space<vmem>>) dst(%dma_wait3A_78 : memref<128x128xbf16, #tpu.memory_space<hbm>>)
      tpu.yield
    }) : () -> ()
    %add3A_63 = arith.constant 512 : i32
    %add3A_64 = arith.addi %mul3A_0, %add3A_63 : i32
    "tpu.region"() ({
      %run_scoped3A = tpu.sem_alloc : memref<!tpu.dma_semaphore, #tpu.memory_space<semaphore_mem>>
      %dma_start3A_67 = arith.constant 0 : i32
      %dma_start3A_68 = tpu.memref_slice %arg15[%add3A_64, %dma_start3A_67] : memref<10240x128xbf16, #tpu.memory_space<vmem_shared>> -> memref<128x128xbf16, #tpu.memory_space<vmem_shared>>
      %dma_start3A_69 = arith.constant 0 : i32
      %dma_start3A_70 = tpu.memref_slice %arg15[%add3A_64, %dma_start3A_69] : memref<10240x128xbf16, #tpu.memory_space<vmem_shared>> -> memref<128x128xbf16, #tpu.memory_space<vmem_shared>>
      tpu.enqueue_dma source(%dma_start3A_70 : memref<128x128xbf16, #tpu.memory_space<vmem_shared>>) target(%arg11 : memref<128x128xbf16, #tpu.memory_space<vmem>>) target_semaphore(%run_scoped3A : memref<!tpu.dma_semaphore, #tpu.memory_space<semaphore_mem>>)
      %dma_wait3A_71 = arith.constant 0 : i32
      %dma_wait3A_72 = tpu.memref_slice %arg15[%add3A_64, %dma_wait3A_71] : memref<10240x128xbf16, #tpu.memory_space<vmem_shared>> -> memref<128x128xbf16, #tpu.memory_space<vmem_shared>>
      %dma_wait3A_73 = arith.constant 0 : i32
      %dma_wait3A_74 = tpu.memref_slice %arg15[%add3A_64, %dma_wait3A_73] : memref<10240x128xbf16, #tpu.memory_space<vmem_shared>> -> memref<128x128xbf16, #tpu.memory_space<vmem_shared>>
      tpu.wait_dma2 semaphore(%run_scoped3A : memref<!tpu.dma_semaphore, #tpu.memory_space<semaphore_mem>>) src(%dma_wait3A_74 : memref<128x128xbf16, #tpu.memory_space<vmem_shared>>) dst(%arg11 : memref<128x128xbf16, #tpu.memory_space<vmem>>)
      tpu.yield
    }) : () -> ()
    %add3A_65 = arith.constant 512 : i32
    %add3A_66 = arith.addi %mul3A_0, %add3A_65 : i32
    "tpu.region"() ({
      %run_scoped3A = tpu.sem_alloc : memref<!tpu.dma_semaphore, #tpu.memory_space<semaphore_mem>>
      %dma_start3A_67 = arith.constant 0 : i32
      %dma_start3A_68 = tpu.memref_slice %arg6[%arg0, %add3A_66, %dma_start3A_67] : memref<2x10240x128xbf16, #tpu.memory_space<hbm>> -> memref<1x128x128xbf16, #tpu.memory_space<hbm>>
      %dma_start3A_69 = tpu.memref_squeeze %dma_start3A_68 : memref<1x128x128xbf16, #tpu.memory_space<hbm>> -> memref<128x128xbf16, #tpu.memory_space<hbm>>
      %dma_start3A_70 = arith.constant 0 : i32
      %dma_start3A_71 = tpu.memref_slice %arg6[%arg0, %add3A_66, %dma_start3A_70] : memref<2x10240x128xbf16, #tpu.memory_space<hbm>> -> memref<1x128x128xbf16, #tpu.memory_space<hbm>>
      %dma_start3A_72 = tpu.memref_squeeze %dma_start3A_71 : memref<1x128x128xbf16, #tpu.memory_space<hbm>> -> memref<128x128xbf16, #tpu.memory_space<hbm>>
      tpu.enqueue_dma source(%arg11 : memref<128x128xbf16, #tpu.memory_space<vmem>>) target(%dma_start3A_72 : memref<128x128xbf16, #tpu.memory_space<hbm>>) target_semaphore(%run_scoped3A : memref<!tpu.dma_semaphore, #tpu.memory_space<semaphore_mem>>)
      %dma_wait3A_73 = arith.constant 0 : i32
      %dma_wait3A_74 = tpu.memref_slice %arg6[%arg0, %add3A_66, %dma_wait3A_73] : memref<2x10240x128xbf16, #tpu.memory_space<hbm>> -> memref<1x128x128xbf16, #tpu.memory_space<hbm>>
      %dma_wait3A_75 = tpu.memref_squeeze %dma_wait3A_74 : memref<1x128x128xbf16, #tpu.memory_space<hbm>> -> memref<128x128xbf16, #tpu.memory_space<hbm>>
      %dma_wait3A_76 = arith.constant 0 : i32
      %dma_wait3A_77 = tpu.memref_slice %arg6[%arg0, %add3A_66, %dma_wait3A_76] : memref<2x10240x128xbf16, #tpu.memory_space<hbm>> -> memref<1x128x128xbf16, #tpu.memory_space<hbm>>
      %dma_wait3A_78 = tpu.memref_squeeze %dma_wait3A_77 : memref<1x128x128xbf16, #tpu.memory_space<hbm>> -> memref<128x128xbf16, #tpu.memory_space<hbm>>
      tpu.wait_dma2 semaphore(%run_scoped3A : memref<!tpu.dma_semaphore, #tpu.memory_space<semaphore_mem>>) src(%arg11 : memref<128x128xbf16, #tpu.memory_space<vmem>>) dst(%dma_wait3A_78 : memref<128x128xbf16, #tpu.memory_space<hbm>>)
      tpu.yield
    }) : () -> ()
    return
  }
}

#map = affine_map<(d0, d1) -> (0, 0)>
#map1 = affine_map<(d0, d1) -> (0, 0, 0)>
module attributes {stable_mosaic.version = 14 : i64} {
  func.func @_deg_body(%arg0: i32, %arg1: i32, %arg2: memref<128x128xbf16, #tpu.memory_space<hbm>>, %arg3: memref<16x160x128xi32, #tpu.memory_space<hbm>>, %arg4: memref<16x160x128xi32, #tpu.memory_space<hbm>>, %arg5: memref<128x128xbf16, #tpu.memory_space<hbm>>, %arg6: memref<2x10240x128xbf16, #tpu.memory_space<hbm>>, %arg7: memref<128xi32, #tpu.memory_space<vmem>>, %arg8: memref<128xi32, #tpu.memory_space<vmem>>, %arg9: memref<!tpu.dma_semaphore, #tpu.memory_space<semaphore_mem>>, %arg10: memref<!tpu.dma_semaphore, #tpu.memory_space<semaphore_mem>>, %arg11: memref<128x128xbf16, #tpu.memory_space<vmem>>, %arg12: memref<10240x128xbf16, #tpu.memory_space<vmem_shared>>) attributes {dimension_semantics = [#tpu.dimension_semantics<core_parallel>, #tpu.dimension_semantics<subcore_parallel>], iteration_bounds = array<i64: 2, 16>, scalar_prefetch = 0 : i64, scratch_operands = 6 : i64, tpu.core_type = #tpu.core_type<sc_vector_subcore>, window_params = [{transform_indices = #map}, {transform_indices = #map1}, {transform_indices = #map1}, {transform_indices = #map}, {transform_indices = #map1}]} {
    %mul3A = arith.constant 640 : i32
    %mul3A_0 = arith.muli %arg1, %mul3A : i32
    %mul3A_1 = arith.constant 80 : i32
    %mul3A_2 = arith.muli %arg0, %mul3A_1 : i32
    "tpu.region"() ({
      %run_scoped3A = tpu.sem_alloc : memref<!tpu.dma_semaphore, #tpu.memory_space<semaphore_mem>>
      tpu.enqueue_dma source(%arg5 : memref<128x128xbf16, #tpu.memory_space<hbm>>) target(%arg11 : memref<128x128xbf16, #tpu.memory_space<vmem>>) target_semaphore(%run_scoped3A : memref<!tpu.dma_semaphore, #tpu.memory_space<semaphore_mem>>)
      tpu.wait_dma2 semaphore(%run_scoped3A : memref<!tpu.dma_semaphore, #tpu.memory_space<semaphore_mem>>) src(%arg5 : memref<128x128xbf16, #tpu.memory_space<hbm>>) dst(%arg11 : memref<128x128xbf16, #tpu.memory_space<vmem>>)
      tpu.yield
    }) : () -> ()
    %add3A = arith.constant 0 : i32
    %add3A_3 = arith.addi %mul3A_0, %add3A : i32
    "tpu.region"() ({
      %run_scoped3A = tpu.sem_alloc : memref<!tpu.dma_semaphore, #tpu.memory_space<semaphore_mem>>
      %dma_start3A_40 = arith.constant 0 : i32
      %dma_start3A_41 = tpu.memref_slice %arg12[%add3A_3, %dma_start3A_40] : memref<10240x128xbf16, #tpu.memory_space<vmem_shared>> -> memref<128x128xbf16, #tpu.memory_space<vmem_shared>>
      %dma_start3A_42 = arith.constant 0 : i32
      %dma_start3A_43 = tpu.memref_slice %arg12[%add3A_3, %dma_start3A_42] : memref<10240x128xbf16, #tpu.memory_space<vmem_shared>> -> memref<128x128xbf16, #tpu.memory_space<vmem_shared>>
      tpu.enqueue_dma source(%arg11 : memref<128x128xbf16, #tpu.memory_space<vmem>>) target(%dma_start3A_43 : memref<128x128xbf16, #tpu.memory_space<vmem_shared>>) target_semaphore(%run_scoped3A : memref<!tpu.dma_semaphore, #tpu.memory_space<semaphore_mem>>)
      %dma_wait3A = arith.constant 0 : i32
      %dma_wait3A_44 = tpu.memref_slice %arg12[%add3A_3, %dma_wait3A] : memref<10240x128xbf16, #tpu.memory_space<vmem_shared>> -> memref<128x128xbf16, #tpu.memory_space<vmem_shared>>
      %dma_wait3A_45 = arith.constant 0 : i32
      %dma_wait3A_46 = tpu.memref_slice %arg12[%add3A_3, %dma_wait3A_45] : memref<10240x128xbf16, #tpu.memory_space<vmem_shared>> -> memref<128x128xbf16, #tpu.memory_space<vmem_shared>>
      tpu.wait_dma2 semaphore(%run_scoped3A : memref<!tpu.dma_semaphore, #tpu.memory_space<semaphore_mem>>) src(%arg11 : memref<128x128xbf16, #tpu.memory_space<vmem>>) dst(%dma_wait3A_46 : memref<128x128xbf16, #tpu.memory_space<vmem_shared>>)
      tpu.yield
    }) : () -> ()
    %add3A_4 = arith.constant 128 : i32
    %add3A_5 = arith.addi %mul3A_0, %add3A_4 : i32
    "tpu.region"() ({
      %run_scoped3A = tpu.sem_alloc : memref<!tpu.dma_semaphore, #tpu.memory_space<semaphore_mem>>
      %dma_start3A_40 = arith.constant 0 : i32
      %dma_start3A_41 = tpu.memref_slice %arg12[%add3A_5, %dma_start3A_40] : memref<10240x128xbf16, #tpu.memory_space<vmem_shared>> -> memref<128x128xbf16, #tpu.memory_space<vmem_shared>>
      %dma_start3A_42 = arith.constant 0 : i32
      %dma_start3A_43 = tpu.memref_slice %arg12[%add3A_5, %dma_start3A_42] : memref<10240x128xbf16, #tpu.memory_space<vmem_shared>> -> memref<128x128xbf16, #tpu.memory_space<vmem_shared>>
      tpu.enqueue_dma source(%arg11 : memref<128x128xbf16, #tpu.memory_space<vmem>>) target(%dma_start3A_43 : memref<128x128xbf16, #tpu.memory_space<vmem_shared>>) target_semaphore(%run_scoped3A : memref<!tpu.dma_semaphore, #tpu.memory_space<semaphore_mem>>)
      %dma_wait3A = arith.constant 0 : i32
      %dma_wait3A_44 = tpu.memref_slice %arg12[%add3A_5, %dma_wait3A] : memref<10240x128xbf16, #tpu.memory_space<vmem_shared>> -> memref<128x128xbf16, #tpu.memory_space<vmem_shared>>
      %dma_wait3A_45 = arith.constant 0 : i32
      %dma_wait3A_46 = tpu.memref_slice %arg12[%add3A_5, %dma_wait3A_45] : memref<10240x128xbf16, #tpu.memory_space<vmem_shared>> -> memref<128x128xbf16, #tpu.memory_space<vmem_shared>>
      tpu.wait_dma2 semaphore(%run_scoped3A : memref<!tpu.dma_semaphore, #tpu.memory_space<semaphore_mem>>) src(%arg11 : memref<128x128xbf16, #tpu.memory_space<vmem>>) dst(%dma_wait3A_46 : memref<128x128xbf16, #tpu.memory_space<vmem_shared>>)
      tpu.yield
    }) : () -> ()
    %add3A_6 = arith.constant 256 : i32
    %add3A_7 = arith.addi %mul3A_0, %add3A_6 : i32
    "tpu.region"() ({
      %run_scoped3A = tpu.sem_alloc : memref<!tpu.dma_semaphore, #tpu.memory_space<semaphore_mem>>
      %dma_start3A_40 = arith.constant 0 : i32
      %dma_start3A_41 = tpu.memref_slice %arg12[%add3A_7, %dma_start3A_40] : memref<10240x128xbf16, #tpu.memory_space<vmem_shared>> -> memref<128x128xbf16, #tpu.memory_space<vmem_shared>>
      %dma_start3A_42 = arith.constant 0 : i32
      %dma_start3A_43 = tpu.memref_slice %arg12[%add3A_7, %dma_start3A_42] : memref<10240x128xbf16, #tpu.memory_space<vmem_shared>> -> memref<128x128xbf16, #tpu.memory_space<vmem_shared>>
      tpu.enqueue_dma source(%arg11 : memref<128x128xbf16, #tpu.memory_space<vmem>>) target(%dma_start3A_43 : memref<128x128xbf16, #tpu.memory_space<vmem_shared>>) target_semaphore(%run_scoped3A : memref<!tpu.dma_semaphore, #tpu.memory_space<semaphore_mem>>)
      %dma_wait3A = arith.constant 0 : i32
      %dma_wait3A_44 = tpu.memref_slice %arg12[%add3A_7, %dma_wait3A] : memref<10240x128xbf16, #tpu.memory_space<vmem_shared>> -> memref<128x128xbf16, #tpu.memory_space<vmem_shared>>
      %dma_wait3A_45 = arith.constant 0 : i32
      %dma_wait3A_46 = tpu.memref_slice %arg12[%add3A_7, %dma_wait3A_45] : memref<10240x128xbf16, #tpu.memory_space<vmem_shared>> -> memref<128x128xbf16, #tpu.memory_space<vmem_shared>>
      tpu.wait_dma2 semaphore(%run_scoped3A : memref<!tpu.dma_semaphore, #tpu.memory_space<semaphore_mem>>) src(%arg11 : memref<128x128xbf16, #tpu.memory_space<vmem>>) dst(%dma_wait3A_46 : memref<128x128xbf16, #tpu.memory_space<vmem_shared>>)
      tpu.yield
    }) : () -> ()
    %add3A_8 = arith.constant 384 : i32
    %add3A_9 = arith.addi %mul3A_0, %add3A_8 : i32
    "tpu.region"() ({
      %run_scoped3A = tpu.sem_alloc : memref<!tpu.dma_semaphore, #tpu.memory_space<semaphore_mem>>
      %dma_start3A_40 = arith.constant 0 : i32
      %dma_start3A_41 = tpu.memref_slice %arg12[%add3A_9, %dma_start3A_40] : memref<10240x128xbf16, #tpu.memory_space<vmem_shared>> -> memref<128x128xbf16, #tpu.memory_space<vmem_shared>>
      %dma_start3A_42 = arith.constant 0 : i32
      %dma_start3A_43 = tpu.memref_slice %arg12[%add3A_9, %dma_start3A_42] : memref<10240x128xbf16, #tpu.memory_space<vmem_shared>> -> memref<128x128xbf16, #tpu.memory_space<vmem_shared>>
      tpu.enqueue_dma source(%arg11 : memref<128x128xbf16, #tpu.memory_space<vmem>>) target(%dma_start3A_43 : memref<128x128xbf16, #tpu.memory_space<vmem_shared>>) target_semaphore(%run_scoped3A : memref<!tpu.dma_semaphore, #tpu.memory_space<semaphore_mem>>)
      %dma_wait3A = arith.constant 0 : i32
      %dma_wait3A_44 = tpu.memref_slice %arg12[%add3A_9, %dma_wait3A] : memref<10240x128xbf16, #tpu.memory_space<vmem_shared>> -> memref<128x128xbf16, #tpu.memory_space<vmem_shared>>
      %dma_wait3A_45 = arith.constant 0 : i32
      %dma_wait3A_46 = tpu.memref_slice %arg12[%add3A_9, %dma_wait3A_45] : memref<10240x128xbf16, #tpu.memory_space<vmem_shared>> -> memref<128x128xbf16, #tpu.memory_space<vmem_shared>>
      tpu.wait_dma2 semaphore(%run_scoped3A : memref<!tpu.dma_semaphore, #tpu.memory_space<semaphore_mem>>) src(%arg11 : memref<128x128xbf16, #tpu.memory_space<vmem>>) dst(%dma_wait3A_46 : memref<128x128xbf16, #tpu.memory_space<vmem_shared>>)
      tpu.yield
    }) : () -> ()
    %add3A_10 = arith.constant 512 : i32
    %add3A_11 = arith.addi %mul3A_0, %add3A_10 : i32
    "tpu.region"() ({
      %run_scoped3A = tpu.sem_alloc : memref<!tpu.dma_semaphore, #tpu.memory_space<semaphore_mem>>
      %dma_start3A_40 = arith.constant 0 : i32
      %dma_start3A_41 = tpu.memref_slice %arg12[%add3A_11, %dma_start3A_40] : memref<10240x128xbf16, #tpu.memory_space<vmem_shared>> -> memref<128x128xbf16, #tpu.memory_space<vmem_shared>>
      %dma_start3A_42 = arith.constant 0 : i32
      %dma_start3A_43 = tpu.memref_slice %arg12[%add3A_11, %dma_start3A_42] : memref<10240x128xbf16, #tpu.memory_space<vmem_shared>> -> memref<128x128xbf16, #tpu.memory_space<vmem_shared>>
      tpu.enqueue_dma source(%arg11 : memref<128x128xbf16, #tpu.memory_space<vmem>>) target(%dma_start3A_43 : memref<128x128xbf16, #tpu.memory_space<vmem_shared>>) target_semaphore(%run_scoped3A : memref<!tpu.dma_semaphore, #tpu.memory_space<semaphore_mem>>)
      %dma_wait3A = arith.constant 0 : i32
      %dma_wait3A_44 = tpu.memref_slice %arg12[%add3A_11, %dma_wait3A] : memref<10240x128xbf16, #tpu.memory_space<vmem_shared>> -> memref<128x128xbf16, #tpu.memory_space<vmem_shared>>
      %dma_wait3A_45 = arith.constant 0 : i32
      %dma_wait3A_46 = tpu.memref_slice %arg12[%add3A_11, %dma_wait3A_45] : memref<10240x128xbf16, #tpu.memory_space<vmem_shared>> -> memref<128x128xbf16, #tpu.memory_space<vmem_shared>>
      tpu.wait_dma2 semaphore(%run_scoped3A : memref<!tpu.dma_semaphore, #tpu.memory_space<semaphore_mem>>) src(%arg11 : memref<128x128xbf16, #tpu.memory_space<vmem>>) dst(%dma_wait3A_46 : memref<128x128xbf16, #tpu.memory_space<vmem_shared>>)
      tpu.yield
    }) : () -> ()
    %barrier3A = arith.constant 0 : index
    tpu.barrier barrier_id(%barrier3A)
    "tpu.region"() ({
      %run_scoped3A = tpu.sem_alloc : memref<!tpu.dma_semaphore, #tpu.memory_space<semaphore_mem>>
      %dma_start3A_40 = arith.constant 0 : i32
      %dma_start3A_41 = arith.constant 0 : i32
      %dma_start3A_42 = tpu.memref_slice %arg2[%dma_start3A_40, %dma_start3A_41] : memref<128x128xbf16, #tpu.memory_space<hbm>> -> memref<128x128xbf16, #tpu.memory_space<hbm>>
      %dma_start3A_43 = arith.constant 0 : i32
      %dma_start3A_44 = arith.constant 0 : i32
      %dma_start3A_45 = tpu.memref_slice %arg2[%dma_start3A_43, %dma_start3A_44] : memref<128x128xbf16, #tpu.memory_space<hbm>> -> memref<128x128xbf16, #tpu.memory_space<hbm>>
      tpu.enqueue_dma source(%dma_start3A_45 : memref<128x128xbf16, #tpu.memory_space<hbm>>) target(%arg11 : memref<128x128xbf16, #tpu.memory_space<vmem>>) target_semaphore(%run_scoped3A : memref<!tpu.dma_semaphore, #tpu.memory_space<semaphore_mem>>)
      %dma_wait3A = arith.constant 0 : i32
      %dma_wait3A_46 = arith.constant 0 : i32
      %dma_wait3A_47 = tpu.memref_slice %arg2[%dma_wait3A, %dma_wait3A_46] : memref<128x128xbf16, #tpu.memory_space<hbm>> -> memref<128x128xbf16, #tpu.memory_space<hbm>>
      %dma_wait3A_48 = arith.constant 0 : i32
      %dma_wait3A_49 = arith.constant 0 : i32
      %dma_wait3A_50 = tpu.memref_slice %arg2[%dma_wait3A_48, %dma_wait3A_49] : memref<128x128xbf16, #tpu.memory_space<hbm>> -> memref<128x128xbf16, #tpu.memory_space<hbm>>
      tpu.wait_dma2 semaphore(%run_scoped3A : memref<!tpu.dma_semaphore, #tpu.memory_space<semaphore_mem>>) src(%dma_wait3A_50 : memref<128x128xbf16, #tpu.memory_space<hbm>>) dst(%arg11 : memref<128x128xbf16, #tpu.memory_space<vmem>>)
      tpu.yield
    }) : () -> ()
    "tpu.region"() ({
      %run_scoped3A = tpu.sem_alloc : memref<!tpu.dma_semaphore, #tpu.memory_space<semaphore_mem>>
      %dma_start3A_40 = arith.constant 0 : i32
      %dma_start3A_41 = tpu.memref_slice %arg4[%arg1, %mul3A_2, %dma_start3A_40] : memref<16x160x128xi32, #tpu.memory_space<hbm>> -> memref<1x1x128xi32, #tpu.memory_space<hbm>>
      %dma_start3A_42 = tpu.memref_squeeze %dma_start3A_41 : memref<1x1x128xi32, #tpu.memory_space<hbm>> -> memref<128xi32, #tpu.memory_space<hbm>>
      %dma_start3A_43 = arith.constant 0 : i32
      %dma_start3A_44 = tpu.memref_slice %arg4[%arg1, %mul3A_2, %dma_start3A_43] : memref<16x160x128xi32, #tpu.memory_space<hbm>> -> memref<1x1x128xi32, #tpu.memory_space<hbm>>
      %dma_start3A_45 = tpu.memref_squeeze %dma_start3A_44 : memref<1x1x128xi32, #tpu.memory_space<hbm>> -> memref<128xi32, #tpu.memory_space<hbm>>
      tpu.enqueue_dma source(%dma_start3A_45 : memref<128xi32, #tpu.memory_space<hbm>>) target(%arg7 : memref<128xi32, #tpu.memory_space<vmem>>) target_semaphore(%run_scoped3A : memref<!tpu.dma_semaphore, #tpu.memory_space<semaphore_mem>>)
      %dma_wait3A = arith.constant 0 : i32
      %dma_wait3A_46 = tpu.memref_slice %arg4[%arg1, %mul3A_2, %dma_wait3A] : memref<16x160x128xi32, #tpu.memory_space<hbm>> -> memref<1x1x128xi32, #tpu.memory_space<hbm>>
      %dma_wait3A_47 = tpu.memref_squeeze %dma_wait3A_46 : memref<1x1x128xi32, #tpu.memory_space<hbm>> -> memref<128xi32, #tpu.memory_space<hbm>>
      %dma_wait3A_48 = arith.constant 0 : i32
      %dma_wait3A_49 = tpu.memref_slice %arg4[%arg1, %mul3A_2, %dma_wait3A_48] : memref<16x160x128xi32, #tpu.memory_space<hbm>> -> memref<1x1x128xi32, #tpu.memory_space<hbm>>
      %dma_wait3A_50 = tpu.memref_squeeze %dma_wait3A_49 : memref<1x1x128xi32, #tpu.memory_space<hbm>> -> memref<128xi32, #tpu.memory_space<hbm>>
      tpu.wait_dma2 semaphore(%run_scoped3A : memref<!tpu.dma_semaphore, #tpu.memory_space<semaphore_mem>>) src(%dma_wait3A_50 : memref<128xi32, #tpu.memory_space<hbm>>) dst(%arg7 : memref<128xi32, #tpu.memory_space<vmem>>)
      tpu.yield
    }) : () -> ()
    %dma_start3A = arith.constant 0 : i32
    %dma_start3A_12 = arith.constant 0 : i32
    %dma_start3A_13 = tpu.memref_slice %arg12[%dma_start3A, %dma_start3A_12] : memref<10240x128xbf16, #tpu.memory_space<vmem_shared>> -> memref<10240x128xbf16, #tpu.memory_space<vmem_shared>>
    tpu.enqueue_indirect_dma source(%arg11 : memref<128x128xbf16, #tpu.memory_space<vmem>>) target(%dma_start3A_13 : memref<10240x128xbf16, #tpu.memory_space<vmem_shared>>) offsets(%arg7 : memref<128xi32, #tpu.memory_space<vmem>>) semaphore(%arg9 : memref<!tpu.dma_semaphore, #tpu.memory_space<semaphore_mem>>) {add = true}
    %scan3A = arith.constant 0 : i32
    %scan3A_14 = arith.constant 0 : i32
    %scan3A_15 = arith.constant 40 : i32
    %scan3A_16 = arith.addi %scan3A_14, %scan3A_15 : i32
    %scan3A_17 = arith.constant 1 : i32
    scf.for %scan3A_40 = %scan3A_14 to %scan3A_16 step %scan3A_17  : i32 {
      %mul3A_41 = arith.constant 2 : i32
      %mul3A_42 = arith.muli %mul3A_41, %scan3A_40 : i32
      %add3A_43 = arith.addi %mul3A_2, %mul3A_42 : i32
      %add3A_44 = arith.constant 1 : i32
      %add3A_45 = arith.addi %add3A_43, %add3A_44 : i32
      "tpu.region"() ({
        %run_scoped3A = tpu.sem_alloc : memref<!tpu.dma_semaphore, #tpu.memory_space<semaphore_mem>>
        %dma_start3A_59 = arith.constant 0 : i32
        %dma_start3A_60 = tpu.memref_slice %arg4[%arg1, %add3A_45, %dma_start3A_59] : memref<16x160x128xi32, #tpu.memory_space<hbm>> -> memref<1x1x128xi32, #tpu.memory_space<hbm>>
        %dma_start3A_61 = tpu.memref_squeeze %dma_start3A_60 : memref<1x1x128xi32, #tpu.memory_space<hbm>> -> memref<128xi32, #tpu.memory_space<hbm>>
        %dma_start3A_62 = arith.constant 0 : i32
        %dma_start3A_63 = tpu.memref_slice %arg4[%arg1, %add3A_45, %dma_start3A_62] : memref<16x160x128xi32, #tpu.memory_space<hbm>> -> memref<1x1x128xi32, #tpu.memory_space<hbm>>
        %dma_start3A_64 = tpu.memref_squeeze %dma_start3A_63 : memref<1x1x128xi32, #tpu.memory_space<hbm>> -> memref<128xi32, #tpu.memory_space<hbm>>
        tpu.enqueue_dma source(%dma_start3A_64 : memref<128xi32, #tpu.memory_space<hbm>>) target(%arg8 : memref<128xi32, #tpu.memory_space<vmem>>) target_semaphore(%run_scoped3A : memref<!tpu.dma_semaphore, #tpu.memory_space<semaphore_mem>>)
        %dma_wait3A_65 = arith.constant 0 : i32
        %dma_wait3A_66 = tpu.memref_slice %arg4[%arg1, %add3A_45, %dma_wait3A_65] : memref<16x160x128xi32, #tpu.memory_space<hbm>> -> memref<1x1x128xi32, #tpu.memory_space<hbm>>
        %dma_wait3A_67 = tpu.memref_squeeze %dma_wait3A_66 : memref<1x1x128xi32, #tpu.memory_space<hbm>> -> memref<128xi32, #tpu.memory_space<hbm>>
        %dma_wait3A_68 = arith.constant 0 : i32
        %dma_wait3A_69 = tpu.memref_slice %arg4[%arg1, %add3A_45, %dma_wait3A_68] : memref<16x160x128xi32, #tpu.memory_space<hbm>> -> memref<1x1x128xi32, #tpu.memory_space<hbm>>
        %dma_wait3A_70 = tpu.memref_squeeze %dma_wait3A_69 : memref<1x1x128xi32, #tpu.memory_space<hbm>> -> memref<128xi32, #tpu.memory_space<hbm>>
        tpu.wait_dma2 semaphore(%run_scoped3A : memref<!tpu.dma_semaphore, #tpu.memory_space<semaphore_mem>>) src(%dma_wait3A_70 : memref<128xi32, #tpu.memory_space<hbm>>) dst(%arg8 : memref<128xi32, #tpu.memory_space<vmem>>)
        tpu.yield
      }) : () -> ()
      %dma_start3A_46 = arith.constant 0 : i32
      %dma_start3A_47 = arith.constant 0 : i32
      %dma_start3A_48 = tpu.memref_slice %arg12[%dma_start3A_46, %dma_start3A_47] : memref<10240x128xbf16, #tpu.memory_space<vmem_shared>> -> memref<10240x128xbf16, #tpu.memory_space<vmem_shared>>
      tpu.enqueue_indirect_dma source(%arg11 : memref<128x128xbf16, #tpu.memory_space<vmem>>) target(%dma_start3A_48 : memref<10240x128xbf16, #tpu.memory_space<vmem_shared>>) offsets(%arg8 : memref<128xi32, #tpu.memory_space<vmem>>) semaphore(%arg10 : memref<!tpu.dma_semaphore, #tpu.memory_space<semaphore_mem>>) {add = true}
      %dma_wait3A = arith.constant 0 : i32
      %dma_wait3A_49 = arith.constant 0 : i32
      %dma_wait3A_50 = tpu.memref_slice %arg12[%dma_wait3A, %dma_wait3A_49] : memref<10240x128xbf16, #tpu.memory_space<vmem_shared>> -> memref<10240x128xbf16, #tpu.memory_space<vmem_shared>>
      tpu.wait_indirect_dma semaphore(%arg9 : memref<!tpu.dma_semaphore, #tpu.memory_space<semaphore_mem>>) src(%arg11 : memref<128x128xbf16, #tpu.memory_space<vmem>>) dst(%dma_wait3A_50 : memref<10240x128xbf16, #tpu.memory_space<vmem_shared>>)
      %add3A_51 = arith.constant 2 : i32
      %add3A_52 = arith.addi %add3A_43, %add3A_51 : i32
      %add3A_53 = arith.constant 80 : i32
      %add3A_54 = arith.addi %mul3A_2, %add3A_53 : i32
      %lt3A = arith.cmpi slt, %add3A_52, %add3A_54 : i32
      %convert_element_type3A = arith.extui %lt3A : i1 to i32
      %cond3A = arith.constant 0 : i32
      %cond3A_55 = arith.cmpi ne, %convert_element_type3A, %cond3A : i32
      scf.if %cond3A_55 {
        %add3A_59 = arith.constant 2 : i32
        %add3A_60 = arith.addi %add3A_43, %add3A_59 : i32
        "tpu.region"() ({
          %run_scoped3A = tpu.sem_alloc : memref<!tpu.dma_semaphore, #tpu.memory_space<semaphore_mem>>
          %dma_start3A_64 = arith.constant 0 : i32
          %dma_start3A_65 = tpu.memref_slice %arg4[%arg1, %add3A_60, %dma_start3A_64] : memref<16x160x128xi32, #tpu.memory_space<hbm>> -> memref<1x1x128xi32, #tpu.memory_space<hbm>>
          %dma_start3A_66 = tpu.memref_squeeze %dma_start3A_65 : memref<1x1x128xi32, #tpu.memory_space<hbm>> -> memref<128xi32, #tpu.memory_space<hbm>>
          %dma_start3A_67 = arith.constant 0 : i32
          %dma_start3A_68 = tpu.memref_slice %arg4[%arg1, %add3A_60, %dma_start3A_67] : memref<16x160x128xi32, #tpu.memory_space<hbm>> -> memref<1x1x128xi32, #tpu.memory_space<hbm>>
          %dma_start3A_69 = tpu.memref_squeeze %dma_start3A_68 : memref<1x1x128xi32, #tpu.memory_space<hbm>> -> memref<128xi32, #tpu.memory_space<hbm>>
          tpu.enqueue_dma source(%dma_start3A_69 : memref<128xi32, #tpu.memory_space<hbm>>) target(%arg7 : memref<128xi32, #tpu.memory_space<vmem>>) target_semaphore(%run_scoped3A : memref<!tpu.dma_semaphore, #tpu.memory_space<semaphore_mem>>)
          %dma_wait3A_70 = arith.constant 0 : i32
          %dma_wait3A_71 = tpu.memref_slice %arg4[%arg1, %add3A_60, %dma_wait3A_70] : memref<16x160x128xi32, #tpu.memory_space<hbm>> -> memref<1x1x128xi32, #tpu.memory_space<hbm>>
          %dma_wait3A_72 = tpu.memref_squeeze %dma_wait3A_71 : memref<1x1x128xi32, #tpu.memory_space<hbm>> -> memref<128xi32, #tpu.memory_space<hbm>>
          %dma_wait3A_73 = arith.constant 0 : i32
          %dma_wait3A_74 = tpu.memref_slice %arg4[%arg1, %add3A_60, %dma_wait3A_73] : memref<16x160x128xi32, #tpu.memory_space<hbm>> -> memref<1x1x128xi32, #tpu.memory_space<hbm>>
          %dma_wait3A_75 = tpu.memref_squeeze %dma_wait3A_74 : memref<1x1x128xi32, #tpu.memory_space<hbm>> -> memref<128xi32, #tpu.memory_space<hbm>>
          tpu.wait_dma2 semaphore(%run_scoped3A : memref<!tpu.dma_semaphore, #tpu.memory_space<semaphore_mem>>) src(%dma_wait3A_75 : memref<128xi32, #tpu.memory_space<hbm>>) dst(%arg7 : memref<128xi32, #tpu.memory_space<vmem>>)
          tpu.yield
        }) : () -> ()
        %dma_start3A_61 = arith.constant 0 : i32
        %dma_start3A_62 = arith.constant 0 : i32
        %dma_start3A_63 = tpu.memref_slice %arg12[%dma_start3A_61, %dma_start3A_62] : memref<10240x128xbf16, #tpu.memory_space<vmem_shared>> -> memref<10240x128xbf16, #tpu.memory_space<vmem_shared>>
        tpu.enqueue_indirect_dma source(%arg11 : memref<128x128xbf16, #tpu.memory_space<vmem>>) target(%dma_start3A_63 : memref<10240x128xbf16, #tpu.memory_space<vmem_shared>>) offsets(%arg7 : memref<128xi32, #tpu.memory_space<vmem>>) semaphore(%arg9 : memref<!tpu.dma_semaphore, #tpu.memory_space<semaphore_mem>>) {add = true}
      } else {
      }
      %dma_wait3A_56 = arith.constant 0 : i32
      %dma_wait3A_57 = arith.constant 0 : i32
      %dma_wait3A_58 = tpu.memref_slice %arg12[%dma_wait3A_56, %dma_wait3A_57] : memref<10240x128xbf16, #tpu.memory_space<vmem_shared>> -> memref<10240x128xbf16, #tpu.memory_space<vmem_shared>>
      tpu.wait_indirect_dma semaphore(%arg10 : memref<!tpu.dma_semaphore, #tpu.memory_space<semaphore_mem>>) src(%arg11 : memref<128x128xbf16, #tpu.memory_space<vmem>>) dst(%dma_wait3A_58 : memref<10240x128xbf16, #tpu.memory_space<vmem_shared>>)
    }
    %scan3A_18 = arith.constant 40 : i32
    %barrier3A_19 = arith.constant 0 : index
    tpu.barrier barrier_id(%barrier3A_19)
    %add3A_20 = arith.constant 0 : i32
    %add3A_21 = arith.addi %mul3A_0, %add3A_20 : i32
    "tpu.region"() ({
      %run_scoped3A = tpu.sem_alloc : memref<!tpu.dma_semaphore, #tpu.memory_space<semaphore_mem>>
      %dma_start3A_40 = arith.constant 0 : i32
      %dma_start3A_41 = tpu.memref_slice %arg12[%add3A_21, %dma_start3A_40] : memref<10240x128xbf16, #tpu.memory_space<vmem_shared>> -> memref<128x128xbf16, #tpu.memory_space<vmem_shared>>
      %dma_start3A_42 = arith.constant 0 : i32
      %dma_start3A_43 = tpu.memref_slice %arg12[%add3A_21, %dma_start3A_42] : memref<10240x128xbf16, #tpu.memory_space<vmem_shared>> -> memref<128x128xbf16, #tpu.memory_space<vmem_shared>>
      tpu.enqueue_dma source(%dma_start3A_43 : memref<128x128xbf16, #tpu.memory_space<vmem_shared>>) target(%arg11 : memref<128x128xbf16, #tpu.memory_space<vmem>>) target_semaphore(%run_scoped3A : memref<!tpu.dma_semaphore, #tpu.memory_space<semaphore_mem>>)
      %dma_wait3A = arith.constant 0 : i32
      %dma_wait3A_44 = tpu.memref_slice %arg12[%add3A_21, %dma_wait3A] : memref<10240x128xbf16, #tpu.memory_space<vmem_shared>> -> memref<128x128xbf16, #tpu.memory_space<vmem_shared>>
      %dma_wait3A_45 = arith.constant 0 : i32
      %dma_wait3A_46 = tpu.memref_slice %arg12[%add3A_21, %dma_wait3A_45] : memref<10240x128xbf16, #tpu.memory_space<vmem_shared>> -> memref<128x128xbf16, #tpu.memory_space<vmem_shared>>
      tpu.wait_dma2 semaphore(%run_scoped3A : memref<!tpu.dma_semaphore, #tpu.memory_space<semaphore_mem>>) src(%dma_wait3A_46 : memref<128x128xbf16, #tpu.memory_space<vmem_shared>>) dst(%arg11 : memref<128x128xbf16, #tpu.memory_space<vmem>>)
      tpu.yield
    }) : () -> ()
    %add3A_22 = arith.constant 0 : i32
    %add3A_23 = arith.addi %mul3A_0, %add3A_22 : i32
    "tpu.region"() ({
      %run_scoped3A = tpu.sem_alloc : memref<!tpu.dma_semaphore, #tpu.memory_space<semaphore_mem>>
      %dma_start3A_40 = arith.constant 0 : i32
      %dma_start3A_41 = tpu.memref_slice %arg6[%arg0, %add3A_23, %dma_start3A_40] : memref<2x10240x128xbf16, #tpu.memory_space<hbm>> -> memref<1x128x128xbf16, #tpu.memory_space<hbm>>
      %dma_start3A_42 = tpu.memref_squeeze %dma_start3A_41 : memref<1x128x128xbf16, #tpu.memory_space<hbm>> -> memref<128x128xbf16, #tpu.memory_space<hbm>>
      %dma_start3A_43 = arith.constant 0 : i32
      %dma_start3A_44 = tpu.memref_slice %arg6[%arg0, %add3A_23, %dma_start3A_43] : memref<2x10240x128xbf16, #tpu.memory_space<hbm>> -> memref<1x128x128xbf16, #tpu.memory_space<hbm>>
      %dma_start3A_45 = tpu.memref_squeeze %dma_start3A_44 : memref<1x128x128xbf16, #tpu.memory_space<hbm>> -> memref<128x128xbf16, #tpu.memory_space<hbm>>
      tpu.enqueue_dma source(%arg11 : memref<128x128xbf16, #tpu.memory_space<vmem>>) target(%dma_start3A_45 : memref<128x128xbf16, #tpu.memory_space<hbm>>) target_semaphore(%run_scoped3A : memref<!tpu.dma_semaphore, #tpu.memory_space<semaphore_mem>>)
      %dma_wait3A = arith.constant 0 : i32
      %dma_wait3A_46 = tpu.memref_slice %arg6[%arg0, %add3A_23, %dma_wait3A] : memref<2x10240x128xbf16, #tpu.memory_space<hbm>> -> memref<1x128x128xbf16, #tpu.memory_space<hbm>>
      %dma_wait3A_47 = tpu.memref_squeeze %dma_wait3A_46 : memref<1x128x128xbf16, #tpu.memory_space<hbm>> -> memref<128x128xbf16, #tpu.memory_space<hbm>>
      %dma_wait3A_48 = arith.constant 0 : i32
      %dma_wait3A_49 = tpu.memref_slice %arg6[%arg0, %add3A_23, %dma_wait3A_48] : memref<2x10240x128xbf16, #tpu.memory_space<hbm>> -> memref<1x128x128xbf16, #tpu.memory_space<hbm>>
      %dma_wait3A_50 = tpu.memref_squeeze %dma_wait3A_49 : memref<1x128x128xbf16, #tpu.memory_space<hbm>> -> memref<128x128xbf16, #tpu.memory_space<hbm>>
      tpu.wait_dma2 semaphore(%run_scoped3A : memref<!tpu.dma_semaphore, #tpu.memory_space<semaphore_mem>>) src(%arg11 : memref<128x128xbf16, #tpu.memory_space<vmem>>) dst(%dma_wait3A_50 : memref<128x128xbf16, #tpu.memory_space<hbm>>)
      tpu.yield
    }) : () -> ()
    %add3A_24 = arith.constant 128 : i32
    %add3A_25 = arith.addi %mul3A_0, %add3A_24 : i32
    "tpu.region"() ({
      %run_scoped3A = tpu.sem_alloc : memref<!tpu.dma_semaphore, #tpu.memory_space<semaphore_mem>>
      %dma_start3A_40 = arith.constant 0 : i32
      %dma_start3A_41 = tpu.memref_slice %arg12[%add3A_25, %dma_start3A_40] : memref<10240x128xbf16, #tpu.memory_space<vmem_shared>> -> memref<128x128xbf16, #tpu.memory_space<vmem_shared>>
      %dma_start3A_42 = arith.constant 0 : i32
      %dma_start3A_43 = tpu.memref_slice %arg12[%add3A_25, %dma_start3A_42] : memref<10240x128xbf16, #tpu.memory_space<vmem_shared>> -> memref<128x128xbf16, #tpu.memory_space<vmem_shared>>
      tpu.enqueue_dma source(%dma_start3A_43 : memref<128x128xbf16, #tpu.memory_space<vmem_shared>>) target(%arg11 : memref<128x128xbf16, #tpu.memory_space<vmem>>) target_semaphore(%run_scoped3A : memref<!tpu.dma_semaphore, #tpu.memory_space<semaphore_mem>>)
      %dma_wait3A = arith.constant 0 : i32
      %dma_wait3A_44 = tpu.memref_slice %arg12[%add3A_25, %dma_wait3A] : memref<10240x128xbf16, #tpu.memory_space<vmem_shared>> -> memref<128x128xbf16, #tpu.memory_space<vmem_shared>>
      %dma_wait3A_45 = arith.constant 0 : i32
      %dma_wait3A_46 = tpu.memref_slice %arg12[%add3A_25, %dma_wait3A_45] : memref<10240x128xbf16, #tpu.memory_space<vmem_shared>> -> memref<128x128xbf16, #tpu.memory_space<vmem_shared>>
      tpu.wait_dma2 semaphore(%run_scoped3A : memref<!tpu.dma_semaphore, #tpu.memory_space<semaphore_mem>>) src(%dma_wait3A_46 : memref<128x128xbf16, #tpu.memory_space<vmem_shared>>) dst(%arg11 : memref<128x128xbf16, #tpu.memory_space<vmem>>)
      tpu.yield
    }) : () -> ()
    %add3A_26 = arith.constant 128 : i32
    %add3A_27 = arith.addi %mul3A_0, %add3A_26 : i32
    "tpu.region"() ({
      %run_scoped3A = tpu.sem_alloc : memref<!tpu.dma_semaphore, #tpu.memory_space<semaphore_mem>>
      %dma_start3A_40 = arith.constant 0 : i32
      %dma_start3A_41 = tpu.memref_slice %arg6[%arg0, %add3A_27, %dma_start3A_40] : memref<2x10240x128xbf16, #tpu.memory_space<hbm>> -> memref<1x128x128xbf16, #tpu.memory_space<hbm>>
      %dma_start3A_42 = tpu.memref_squeeze %dma_start3A_41 : memref<1x128x128xbf16, #tpu.memory_space<hbm>> -> memref<128x128xbf16, #tpu.memory_space<hbm>>
      %dma_start3A_43 = arith.constant 0 : i32
      %dma_start3A_44 = tpu.memref_slice %arg6[%arg0, %add3A_27, %dma_start3A_43] : memref<2x10240x128xbf16, #tpu.memory_space<hbm>> -> memref<1x128x128xbf16, #tpu.memory_space<hbm>>
      %dma_start3A_45 = tpu.memref_squeeze %dma_start3A_44 : memref<1x128x128xbf16, #tpu.memory_space<hbm>> -> memref<128x128xbf16, #tpu.memory_space<hbm>>
      tpu.enqueue_dma source(%arg11 : memref<128x128xbf16, #tpu.memory_space<vmem>>) target(%dma_start3A_45 : memref<128x128xbf16, #tpu.memory_space<hbm>>) target_semaphore(%run_scoped3A : memref<!tpu.dma_semaphore, #tpu.memory_space<semaphore_mem>>)
      %dma_wait3A = arith.constant 0 : i32
      %dma_wait3A_46 = tpu.memref_slice %arg6[%arg0, %add3A_27, %dma_wait3A] : memref<2x10240x128xbf16, #tpu.memory_space<hbm>> -> memref<1x128x128xbf16, #tpu.memory_space<hbm>>
      %dma_wait3A_47 = tpu.memref_squeeze %dma_wait3A_46 : memref<1x128x128xbf16, #tpu.memory_space<hbm>> -> memref<128x128xbf16, #tpu.memory_space<hbm>>
      %dma_wait3A_48 = arith.constant 0 : i32
      %dma_wait3A_49 = tpu.memref_slice %arg6[%arg0, %add3A_27, %dma_wait3A_48] : memref<2x10240x128xbf16, #tpu.memory_space<hbm>> -> memref<1x128x128xbf16, #tpu.memory_space<hbm>>
      %dma_wait3A_50 = tpu.memref_squeeze %dma_wait3A_49 : memref<1x128x128xbf16, #tpu.memory_space<hbm>> -> memref<128x128xbf16, #tpu.memory_space<hbm>>
      tpu.wait_dma2 semaphore(%run_scoped3A : memref<!tpu.dma_semaphore, #tpu.memory_space<semaphore_mem>>) src(%arg11 : memref<128x128xbf16, #tpu.memory_space<vmem>>) dst(%dma_wait3A_50 : memref<128x128xbf16, #tpu.memory_space<hbm>>)
      tpu.yield
    }) : () -> ()
    %add3A_28 = arith.constant 256 : i32
    %add3A_29 = arith.addi %mul3A_0, %add3A_28 : i32
    "tpu.region"() ({
      %run_scoped3A = tpu.sem_alloc : memref<!tpu.dma_semaphore, #tpu.memory_space<semaphore_mem>>
      %dma_start3A_40 = arith.constant 0 : i32
      %dma_start3A_41 = tpu.memref_slice %arg12[%add3A_29, %dma_start3A_40] : memref<10240x128xbf16, #tpu.memory_space<vmem_shared>> -> memref<128x128xbf16, #tpu.memory_space<vmem_shared>>
      %dma_start3A_42 = arith.constant 0 : i32
      %dma_start3A_43 = tpu.memref_slice %arg12[%add3A_29, %dma_start3A_42] : memref<10240x128xbf16, #tpu.memory_space<vmem_shared>> -> memref<128x128xbf16, #tpu.memory_space<vmem_shared>>
      tpu.enqueue_dma source(%dma_start3A_43 : memref<128x128xbf16, #tpu.memory_space<vmem_shared>>) target(%arg11 : memref<128x128xbf16, #tpu.memory_space<vmem>>) target_semaphore(%run_scoped3A : memref<!tpu.dma_semaphore, #tpu.memory_space<semaphore_mem>>)
      %dma_wait3A = arith.constant 0 : i32
      %dma_wait3A_44 = tpu.memref_slice %arg12[%add3A_29, %dma_wait3A] : memref<10240x128xbf16, #tpu.memory_space<vmem_shared>> -> memref<128x128xbf16, #tpu.memory_space<vmem_shared>>
      %dma_wait3A_45 = arith.constant 0 : i32
      %dma_wait3A_46 = tpu.memref_slice %arg12[%add3A_29, %dma_wait3A_45] : memref<10240x128xbf16, #tpu.memory_space<vmem_shared>> -> memref<128x128xbf16, #tpu.memory_space<vmem_shared>>
      tpu.wait_dma2 semaphore(%run_scoped3A : memref<!tpu.dma_semaphore, #tpu.memory_space<semaphore_mem>>) src(%dma_wait3A_46 : memref<128x128xbf16, #tpu.memory_space<vmem_shared>>) dst(%arg11 : memref<128x128xbf16, #tpu.memory_space<vmem>>)
      tpu.yield
    }) : () -> ()
    %add3A_30 = arith.constant 256 : i32
    %add3A_31 = arith.addi %mul3A_0, %add3A_30 : i32
    "tpu.region"() ({
      %run_scoped3A = tpu.sem_alloc : memref<!tpu.dma_semaphore, #tpu.memory_space<semaphore_mem>>
      %dma_start3A_40 = arith.constant 0 : i32
      %dma_start3A_41 = tpu.memref_slice %arg6[%arg0, %add3A_31, %dma_start3A_40] : memref<2x10240x128xbf16, #tpu.memory_space<hbm>> -> memref<1x128x128xbf16, #tpu.memory_space<hbm>>
      %dma_start3A_42 = tpu.memref_squeeze %dma_start3A_41 : memref<1x128x128xbf16, #tpu.memory_space<hbm>> -> memref<128x128xbf16, #tpu.memory_space<hbm>>
      %dma_start3A_43 = arith.constant 0 : i32
      %dma_start3A_44 = tpu.memref_slice %arg6[%arg0, %add3A_31, %dma_start3A_43] : memref<2x10240x128xbf16, #tpu.memory_space<hbm>> -> memref<1x128x128xbf16, #tpu.memory_space<hbm>>
      %dma_start3A_45 = tpu.memref_squeeze %dma_start3A_44 : memref<1x128x128xbf16, #tpu.memory_space<hbm>> -> memref<128x128xbf16, #tpu.memory_space<hbm>>
      tpu.enqueue_dma source(%arg11 : memref<128x128xbf16, #tpu.memory_space<vmem>>) target(%dma_start3A_45 : memref<128x128xbf16, #tpu.memory_space<hbm>>) target_semaphore(%run_scoped3A : memref<!tpu.dma_semaphore, #tpu.memory_space<semaphore_mem>>)
      %dma_wait3A = arith.constant 0 : i32
      %dma_wait3A_46 = tpu.memref_slice %arg6[%arg0, %add3A_31, %dma_wait3A] : memref<2x10240x128xbf16, #tpu.memory_space<hbm>> -> memref<1x128x128xbf16, #tpu.memory_space<hbm>>
      %dma_wait3A_47 = tpu.memref_squeeze %dma_wait3A_46 : memref<1x128x128xbf16, #tpu.memory_space<hbm>> -> memref<128x128xbf16, #tpu.memory_space<hbm>>
      %dma_wait3A_48 = arith.constant 0 : i32
      %dma_wait3A_49 = tpu.memref_slice %arg6[%arg0, %add3A_31, %dma_wait3A_48] : memref<2x10240x128xbf16, #tpu.memory_space<hbm>> -> memref<1x128x128xbf16, #tpu.memory_space<hbm>>
      %dma_wait3A_50 = tpu.memref_squeeze %dma_wait3A_49 : memref<1x128x128xbf16, #tpu.memory_space<hbm>> -> memref<128x128xbf16, #tpu.memory_space<hbm>>
      tpu.wait_dma2 semaphore(%run_scoped3A : memref<!tpu.dma_semaphore, #tpu.memory_space<semaphore_mem>>) src(%arg11 : memref<128x128xbf16, #tpu.memory_space<vmem>>) dst(%dma_wait3A_50 : memref<128x128xbf16, #tpu.memory_space<hbm>>)
      tpu.yield
    }) : () -> ()
    %add3A_32 = arith.constant 384 : i32
    %add3A_33 = arith.addi %mul3A_0, %add3A_32 : i32
    "tpu.region"() ({
      %run_scoped3A = tpu.sem_alloc : memref<!tpu.dma_semaphore, #tpu.memory_space<semaphore_mem>>
      %dma_start3A_40 = arith.constant 0 : i32
      %dma_start3A_41 = tpu.memref_slice %arg12[%add3A_33, %dma_start3A_40] : memref<10240x128xbf16, #tpu.memory_space<vmem_shared>> -> memref<128x128xbf16, #tpu.memory_space<vmem_shared>>
      %dma_start3A_42 = arith.constant 0 : i32
      %dma_start3A_43 = tpu.memref_slice %arg12[%add3A_33, %dma_start3A_42] : memref<10240x128xbf16, #tpu.memory_space<vmem_shared>> -> memref<128x128xbf16, #tpu.memory_space<vmem_shared>>
      tpu.enqueue_dma source(%dma_start3A_43 : memref<128x128xbf16, #tpu.memory_space<vmem_shared>>) target(%arg11 : memref<128x128xbf16, #tpu.memory_space<vmem>>) target_semaphore(%run_scoped3A : memref<!tpu.dma_semaphore, #tpu.memory_space<semaphore_mem>>)
      %dma_wait3A = arith.constant 0 : i32
      %dma_wait3A_44 = tpu.memref_slice %arg12[%add3A_33, %dma_wait3A] : memref<10240x128xbf16, #tpu.memory_space<vmem_shared>> -> memref<128x128xbf16, #tpu.memory_space<vmem_shared>>
      %dma_wait3A_45 = arith.constant 0 : i32
      %dma_wait3A_46 = tpu.memref_slice %arg12[%add3A_33, %dma_wait3A_45] : memref<10240x128xbf16, #tpu.memory_space<vmem_shared>> -> memref<128x128xbf16, #tpu.memory_space<vmem_shared>>
      tpu.wait_dma2 semaphore(%run_scoped3A : memref<!tpu.dma_semaphore, #tpu.memory_space<semaphore_mem>>) src(%dma_wait3A_46 : memref<128x128xbf16, #tpu.memory_space<vmem_shared>>) dst(%arg11 : memref<128x128xbf16, #tpu.memory_space<vmem>>)
      tpu.yield
    }) : () -> ()
    %add3A_34 = arith.constant 384 : i32
    %add3A_35 = arith.addi %mul3A_0, %add3A_34 : i32
    "tpu.region"() ({
      %run_scoped3A = tpu.sem_alloc : memref<!tpu.dma_semaphore, #tpu.memory_space<semaphore_mem>>
      %dma_start3A_40 = arith.constant 0 : i32
      %dma_start3A_41 = tpu.memref_slice %arg6[%arg0, %add3A_35, %dma_start3A_40] : memref<2x10240x128xbf16, #tpu.memory_space<hbm>> -> memref<1x128x128xbf16, #tpu.memory_space<hbm>>
      %dma_start3A_42 = tpu.memref_squeeze %dma_start3A_41 : memref<1x128x128xbf16, #tpu.memory_space<hbm>> -> memref<128x128xbf16, #tpu.memory_space<hbm>>
      %dma_start3A_43 = arith.constant 0 : i32
      %dma_start3A_44 = tpu.memref_slice %arg6[%arg0, %add3A_35, %dma_start3A_43] : memref<2x10240x128xbf16, #tpu.memory_space<hbm>> -> memref<1x128x128xbf16, #tpu.memory_space<hbm>>
      %dma_start3A_45 = tpu.memref_squeeze %dma_start3A_44 : memref<1x128x128xbf16, #tpu.memory_space<hbm>> -> memref<128x128xbf16, #tpu.memory_space<hbm>>
      tpu.enqueue_dma source(%arg11 : memref<128x128xbf16, #tpu.memory_space<vmem>>) target(%dma_start3A_45 : memref<128x128xbf16, #tpu.memory_space<hbm>>) target_semaphore(%run_scoped3A : memref<!tpu.dma_semaphore, #tpu.memory_space<semaphore_mem>>)
      %dma_wait3A = arith.constant 0 : i32
      %dma_wait3A_46 = tpu.memref_slice %arg6[%arg0, %add3A_35, %dma_wait3A] : memref<2x10240x128xbf16, #tpu.memory_space<hbm>> -> memref<1x128x128xbf16, #tpu.memory_space<hbm>>
      %dma_wait3A_47 = tpu.memref_squeeze %dma_wait3A_46 : memref<1x128x128xbf16, #tpu.memory_space<hbm>> -> memref<128x128xbf16, #tpu.memory_space<hbm>>
      %dma_wait3A_48 = arith.constant 0 : i32
      %dma_wait3A_49 = tpu.memref_slice %arg6[%arg0, %add3A_35, %dma_wait3A_48] : memref<2x10240x128xbf16, #tpu.memory_space<hbm>> -> memref<1x128x128xbf16, #tpu.memory_space<hbm>>
      %dma_wait3A_50 = tpu.memref_squeeze %dma_wait3A_49 : memref<1x128x128xbf16, #tpu.memory_space<hbm>> -> memref<128x128xbf16, #tpu.memory_space<hbm>>
      tpu.wait_dma2 semaphore(%run_scoped3A : memref<!tpu.dma_semaphore, #tpu.memory_space<semaphore_mem>>) src(%arg11 : memref<128x128xbf16, #tpu.memory_space<vmem>>) dst(%dma_wait3A_50 : memref<128x128xbf16, #tpu.memory_space<hbm>>)
      tpu.yield
    }) : () -> ()
    %add3A_36 = arith.constant 512 : i32
    %add3A_37 = arith.addi %mul3A_0, %add3A_36 : i32
    "tpu.region"() ({
      %run_scoped3A = tpu.sem_alloc : memref<!tpu.dma_semaphore, #tpu.memory_space<semaphore_mem>>
      %dma_start3A_40 = arith.constant 0 : i32
      %dma_start3A_41 = tpu.memref_slice %arg12[%add3A_37, %dma_start3A_40] : memref<10240x128xbf16, #tpu.memory_space<vmem_shared>> -> memref<128x128xbf16, #tpu.memory_space<vmem_shared>>
      %dma_start3A_42 = arith.constant 0 : i32
      %dma_start3A_43 = tpu.memref_slice %arg12[%add3A_37, %dma_start3A_42] : memref<10240x128xbf16, #tpu.memory_space<vmem_shared>> -> memref<128x128xbf16, #tpu.memory_space<vmem_shared>>
      tpu.enqueue_dma source(%dma_start3A_43 : memref<128x128xbf16, #tpu.memory_space<vmem_shared>>) target(%arg11 : memref<128x128xbf16, #tpu.memory_space<vmem>>) target_semaphore(%run_scoped3A : memref<!tpu.dma_semaphore, #tpu.memory_space<semaphore_mem>>)
      %dma_wait3A = arith.constant 0 : i32
      %dma_wait3A_44 = tpu.memref_slice %arg12[%add3A_37, %dma_wait3A] : memref<10240x128xbf16, #tpu.memory_space<vmem_shared>> -> memref<128x128xbf16, #tpu.memory_space<vmem_shared>>
      %dma_wait3A_45 = arith.constant 0 : i32
      %dma_wait3A_46 = tpu.memref_slice %arg12[%add3A_37, %dma_wait3A_45] : memref<10240x128xbf16, #tpu.memory_space<vmem_shared>> -> memref<128x128xbf16, #tpu.memory_space<vmem_shared>>
      tpu.wait_dma2 semaphore(%run_scoped3A : memref<!tpu.dma_semaphore, #tpu.memory_space<semaphore_mem>>) src(%dma_wait3A_46 : memref<128x128xbf16, #tpu.memory_space<vmem_shared>>) dst(%arg11 : memref<128x128xbf16, #tpu.memory_space<vmem>>)
      tpu.yield
    }) : () -> ()
    %add3A_38 = arith.constant 512 : i32
    %add3A_39 = arith.addi %mul3A_0, %add3A_38 : i32
    "tpu.region"() ({
      %run_scoped3A = tpu.sem_alloc : memref<!tpu.dma_semaphore, #tpu.memory_space<semaphore_mem>>
      %dma_start3A_40 = arith.constant 0 : i32
      %dma_start3A_41 = tpu.memref_slice %arg6[%arg0, %add3A_39, %dma_start3A_40] : memref<2x10240x128xbf16, #tpu.memory_space<hbm>> -> memref<1x128x128xbf16, #tpu.memory_space<hbm>>
      %dma_start3A_42 = tpu.memref_squeeze %dma_start3A_41 : memref<1x128x128xbf16, #tpu.memory_space<hbm>> -> memref<128x128xbf16, #tpu.memory_space<hbm>>
      %dma_start3A_43 = arith.constant 0 : i32
      %dma_start3A_44 = tpu.memref_slice %arg6[%arg0, %add3A_39, %dma_start3A_43] : memref<2x10240x128xbf16, #tpu.memory_space<hbm>> -> memref<1x128x128xbf16, #tpu.memory_space<hbm>>
      %dma_start3A_45 = tpu.memref_squeeze %dma_start3A_44 : memref<1x128x128xbf16, #tpu.memory_space<hbm>> -> memref<128x128xbf16, #tpu.memory_space<hbm>>
      tpu.enqueue_dma source(%arg11 : memref<128x128xbf16, #tpu.memory_space<vmem>>) target(%dma_start3A_45 : memref<128x128xbf16, #tpu.memory_space<hbm>>) target_semaphore(%run_scoped3A : memref<!tpu.dma_semaphore, #tpu.memory_space<semaphore_mem>>)
      %dma_wait3A = arith.constant 0 : i32
      %dma_wait3A_46 = tpu.memref_slice %arg6[%arg0, %add3A_39, %dma_wait3A] : memref<2x10240x128xbf16, #tpu.memory_space<hbm>> -> memref<1x128x128xbf16, #tpu.memory_space<hbm>>
      %dma_wait3A_47 = tpu.memref_squeeze %dma_wait3A_46 : memref<1x128x128xbf16, #tpu.memory_space<hbm>> -> memref<128x128xbf16, #tpu.memory_space<hbm>>
      %dma_wait3A_48 = arith.constant 0 : i32
      %dma_wait3A_49 = tpu.memref_slice %arg6[%arg0, %add3A_39, %dma_wait3A_48] : memref<2x10240x128xbf16, #tpu.memory_space<hbm>> -> memref<1x128x128xbf16, #tpu.memory_space<hbm>>
      %dma_wait3A_50 = tpu.memref_squeeze %dma_wait3A_49 : memref<1x128x128xbf16, #tpu.memory_space<hbm>> -> memref<128x128xbf16, #tpu.memory_space<hbm>>
      tpu.wait_dma2 semaphore(%run_scoped3A : memref<!tpu.dma_semaphore, #tpu.memory_space<semaphore_mem>>) src(%arg11 : memref<128x128xbf16, #tpu.memory_space<vmem>>) dst(%dma_wait3A_50 : memref<128x128xbf16, #tpu.memory_space<hbm>>)
      tpu.yield
    }) : () -> ()
    return
  }
}

#map = affine_map<(d0, d1) -> (0, 0)>
#map1 = affine_map<(d0, d1) -> (0, 0, 0)>
module attributes {stable_mosaic.version = 14 : i64} {
  func.func @_scat_pipe_body(%arg0: i32, %arg1: i32, %arg2: memref<10016x128xbf16, #tpu.memory_space<hbm>>, %arg3: memref<16x160x128xi32, #tpu.memory_space<hbm>>, %arg4: memref<16x160x128xi32, #tpu.memory_space<hbm>>, %arg5: memref<128x128xbf16, #tpu.memory_space<hbm>>, %arg6: memref<2x10240x128xbf16, #tpu.memory_space<hbm>>, %arg7: memref<128xi32, #tpu.memory_space<vmem>>, %arg8: memref<128xi32, #tpu.memory_space<vmem>>, %arg9: memref<128xi32, #tpu.memory_space<vmem>>, %arg10: memref<128xi32, #tpu.memory_space<vmem>>, %arg11: memref<128x128xbf16, #tpu.memory_space<vmem>>, %arg12: memref<128x128xbf16, #tpu.memory_space<vmem>>, %arg13: memref<!tpu.dma_semaphore, #tpu.memory_space<semaphore_mem>>, %arg14: memref<!tpu.dma_semaphore, #tpu.memory_space<semaphore_mem>>, %arg15: memref<10240x128xbf16, #tpu.memory_space<vmem_shared>>) attributes {dimension_semantics = [#tpu.dimension_semantics<core_parallel>, #tpu.dimension_semantics<subcore_parallel>], iteration_bounds = array<i64: 2, 16>, scalar_prefetch = 0 : i64, scratch_operands = 9 : i64, tpu.core_type = #tpu.core_type<sc_vector_subcore>, window_params = [{transform_indices = #map}, {transform_indices = #map1}, {transform_indices = #map1}, {transform_indices = #map}, {transform_indices = #map1}]} {
    %mul3A = arith.constant 640 : i32
    %mul3A_0 = arith.muli %arg1, %mul3A : i32
    %eq3A = arith.constant 1 : i32
    %eq3A_1 = arith.cmpi eq, %arg0, %eq3A : i32
    %jit3A = arith.constant 0 : i32
    %jit3A_2 = arith.constant 108 : i32
    %select_n3A = arith.select %eq3A_1, %jit3A, %jit3A_2 : i32
    %jit3A_3 = arith.constant 108 : i32
    %jit3A_4 = arith.constant 52 : i32
    %select_n3A_5 = arith.select %eq3A_1, %jit3A_3, %jit3A_4 : i32
    "tpu.region"() ({
      %run_scoped3A = tpu.sem_alloc : memref<!tpu.dma_semaphore, #tpu.memory_space<semaphore_mem>>
      tpu.enqueue_dma source(%arg5 : memref<128x128xbf16, #tpu.memory_space<hbm>>) target(%arg11 : memref<128x128xbf16, #tpu.memory_space<vmem>>) target_semaphore(%run_scoped3A : memref<!tpu.dma_semaphore, #tpu.memory_space<semaphore_mem>>)
      tpu.wait_dma2 semaphore(%run_scoped3A : memref<!tpu.dma_semaphore, #tpu.memory_space<semaphore_mem>>) src(%arg5 : memref<128x128xbf16, #tpu.memory_space<hbm>>) dst(%arg11 : memref<128x128xbf16, #tpu.memory_space<vmem>>)
      tpu.yield
    }) : () -> ()
    %add3A = arith.constant 0 : i32
    %add3A_6 = arith.addi %mul3A_0, %add3A : i32
    "tpu.region"() ({
      %run_scoped3A = tpu.sem_alloc : memref<!tpu.dma_semaphore, #tpu.memory_space<semaphore_mem>>
      %dma_start3A_67 = arith.constant 0 : i32
      %dma_start3A_68 = tpu.memref_slice %arg15[%add3A_6, %dma_start3A_67] : memref<10240x128xbf16, #tpu.memory_space<vmem_shared>> -> memref<128x128xbf16, #tpu.memory_space<vmem_shared>>
      %dma_start3A_69 = arith.constant 0 : i32
      %dma_start3A_70 = tpu.memref_slice %arg15[%add3A_6, %dma_start3A_69] : memref<10240x128xbf16, #tpu.memory_space<vmem_shared>> -> memref<128x128xbf16, #tpu.memory_space<vmem_shared>>
      tpu.enqueue_dma source(%arg11 : memref<128x128xbf16, #tpu.memory_space<vmem>>) target(%dma_start3A_70 : memref<128x128xbf16, #tpu.memory_space<vmem_shared>>) target_semaphore(%run_scoped3A : memref<!tpu.dma_semaphore, #tpu.memory_space<semaphore_mem>>)
      %dma_wait3A_71 = arith.constant 0 : i32
      %dma_wait3A_72 = tpu.memref_slice %arg15[%add3A_6, %dma_wait3A_71] : memref<10240x128xbf16, #tpu.memory_space<vmem_shared>> -> memref<128x128xbf16, #tpu.memory_space<vmem_shared>>
      %dma_wait3A_73 = arith.constant 0 : i32
      %dma_wait3A_74 = tpu.memref_slice %arg15[%add3A_6, %dma_wait3A_73] : memref<10240x128xbf16, #tpu.memory_space<vmem_shared>> -> memref<128x128xbf16, #tpu.memory_space<vmem_shared>>
      tpu.wait_dma2 semaphore(%run_scoped3A : memref<!tpu.dma_semaphore, #tpu.memory_space<semaphore_mem>>) src(%arg11 : memref<128x128xbf16, #tpu.memory_space<vmem>>) dst(%dma_wait3A_74 : memref<128x128xbf16, #tpu.memory_space<vmem_shared>>)
      tpu.yield
    }) : () -> ()
    %add3A_7 = arith.constant 128 : i32
    %add3A_8 = arith.addi %mul3A_0, %add3A_7 : i32
    "tpu.region"() ({
      %run_scoped3A = tpu.sem_alloc : memref<!tpu.dma_semaphore, #tpu.memory_space<semaphore_mem>>
      %dma_start3A_67 = arith.constant 0 : i32
      %dma_start3A_68 = tpu.memref_slice %arg15[%add3A_8, %dma_start3A_67] : memref<10240x128xbf16, #tpu.memory_space<vmem_shared>> -> memref<128x128xbf16, #tpu.memory_space<vmem_shared>>
      %dma_start3A_69 = arith.constant 0 : i32
      %dma_start3A_70 = tpu.memref_slice %arg15[%add3A_8, %dma_start3A_69] : memref<10240x128xbf16, #tpu.memory_space<vmem_shared>> -> memref<128x128xbf16, #tpu.memory_space<vmem_shared>>
      tpu.enqueue_dma source(%arg11 : memref<128x128xbf16, #tpu.memory_space<vmem>>) target(%dma_start3A_70 : memref<128x128xbf16, #tpu.memory_space<vmem_shared>>) target_semaphore(%run_scoped3A : memref<!tpu.dma_semaphore, #tpu.memory_space<semaphore_mem>>)
      %dma_wait3A_71 = arith.constant 0 : i32
      %dma_wait3A_72 = tpu.memref_slice %arg15[%add3A_8, %dma_wait3A_71] : memref<10240x128xbf16, #tpu.memory_space<vmem_shared>> -> memref<128x128xbf16, #tpu.memory_space<vmem_shared>>
      %dma_wait3A_73 = arith.constant 0 : i32
      %dma_wait3A_74 = tpu.memref_slice %arg15[%add3A_8, %dma_wait3A_73] : memref<10240x128xbf16, #tpu.memory_space<vmem_shared>> -> memref<128x128xbf16, #tpu.memory_space<vmem_shared>>
      tpu.wait_dma2 semaphore(%run_scoped3A : memref<!tpu.dma_semaphore, #tpu.memory_space<semaphore_mem>>) src(%arg11 : memref<128x128xbf16, #tpu.memory_space<vmem>>) dst(%dma_wait3A_74 : memref<128x128xbf16, #tpu.memory_space<vmem_shared>>)
      tpu.yield
    }) : () -> ()
    %add3A_9 = arith.constant 256 : i32
    %add3A_10 = arith.addi %mul3A_0, %add3A_9 : i32
    "tpu.region"() ({
      %run_scoped3A = tpu.sem_alloc : memref<!tpu.dma_semaphore, #tpu.memory_space<semaphore_mem>>
      %dma_start3A_67 = arith.constant 0 : i32
      %dma_start3A_68 = tpu.memref_slice %arg15[%add3A_10, %dma_start3A_67] : memref<10240x128xbf16, #tpu.memory_space<vmem_shared>> -> memref<128x128xbf16, #tpu.memory_space<vmem_shared>>
      %dma_start3A_69 = arith.constant 0 : i32
      %dma_start3A_70 = tpu.memref_slice %arg15[%add3A_10, %dma_start3A_69] : memref<10240x128xbf16, #tpu.memory_space<vmem_shared>> -> memref<128x128xbf16, #tpu.memory_space<vmem_shared>>
      tpu.enqueue_dma source(%arg11 : memref<128x128xbf16, #tpu.memory_space<vmem>>) target(%dma_start3A_70 : memref<128x128xbf16, #tpu.memory_space<vmem_shared>>) target_semaphore(%run_scoped3A : memref<!tpu.dma_semaphore, #tpu.memory_space<semaphore_mem>>)
      %dma_wait3A_71 = arith.constant 0 : i32
      %dma_wait3A_72 = tpu.memref_slice %arg15[%add3A_10, %dma_wait3A_71] : memref<10240x128xbf16, #tpu.memory_space<vmem_shared>> -> memref<128x128xbf16, #tpu.memory_space<vmem_shared>>
      %dma_wait3A_73 = arith.constant 0 : i32
      %dma_wait3A_74 = tpu.memref_slice %arg15[%add3A_10, %dma_wait3A_73] : memref<10240x128xbf16, #tpu.memory_space<vmem_shared>> -> memref<128x128xbf16, #tpu.memory_space<vmem_shared>>
      tpu.wait_dma2 semaphore(%run_scoped3A : memref<!tpu.dma_semaphore, #tpu.memory_space<semaphore_mem>>) src(%arg11 : memref<128x128xbf16, #tpu.memory_space<vmem>>) dst(%dma_wait3A_74 : memref<128x128xbf16, #tpu.memory_space<vmem_shared>>)
      tpu.yield
    }) : () -> ()
    %add3A_11 = arith.constant 384 : i32
    %add3A_12 = arith.addi %mul3A_0, %add3A_11 : i32
    "tpu.region"() ({
      %run_scoped3A = tpu.sem_alloc : memref<!tpu.dma_semaphore, #tpu.memory_space<semaphore_mem>>
      %dma_start3A_67 = arith.constant 0 : i32
      %dma_start3A_68 = tpu.memref_slice %arg15[%add3A_12, %dma_start3A_67] : memref<10240x128xbf16, #tpu.memory_space<vmem_shared>> -> memref<128x128xbf16, #tpu.memory_space<vmem_shared>>
      %dma_start3A_69 = arith.constant 0 : i32
      %dma_start3A_70 = tpu.memref_slice %arg15[%add3A_12, %dma_start3A_69] : memref<10240x128xbf16, #tpu.memory_space<vmem_shared>> -> memref<128x128xbf16, #tpu.memory_space<vmem_shared>>
      tpu.enqueue_dma source(%arg11 : memref<128x128xbf16, #tpu.memory_space<vmem>>) target(%dma_start3A_70 : memref<128x128xbf16, #tpu.memory_space<vmem_shared>>) target_semaphore(%run_scoped3A : memref<!tpu.dma_semaphore, #tpu.memory_space<semaphore_mem>>)
      %dma_wait3A_71 = arith.constant 0 : i32
      %dma_wait3A_72 = tpu.memref_slice %arg15[%add3A_12, %dma_wait3A_71] : memref<10240x128xbf16, #tpu.memory_space<vmem_shared>> -> memref<128x128xbf16, #tpu.memory_space<vmem_shared>>
      %dma_wait3A_73 = arith.constant 0 : i32
      %dma_wait3A_74 = tpu.memref_slice %arg15[%add3A_12, %dma_wait3A_73] : memref<10240x128xbf16, #tpu.memory_space<vmem_shared>> -> memref<128x128xbf16, #tpu.memory_space<vmem_shared>>
      tpu.wait_dma2 semaphore(%run_scoped3A : memref<!tpu.dma_semaphore, #tpu.memory_space<semaphore_mem>>) src(%arg11 : memref<128x128xbf16, #tpu.memory_space<vmem>>) dst(%dma_wait3A_74 : memref<128x128xbf16, #tpu.memory_space<vmem_shared>>)
      tpu.yield
    }) : () -> ()
    %add3A_13 = arith.constant 512 : i32
    %add3A_14 = arith.addi %mul3A_0, %add3A_13 : i32
    "tpu.region"() ({
      %run_scoped3A = tpu.sem_alloc : memref<!tpu.dma_semaphore, #tpu.memory_space<semaphore_mem>>
      %dma_start3A_67 = arith.constant 0 : i32
      %dma_start3A_68 = tpu.memref_slice %arg15[%add3A_14, %dma_start3A_67] : memref<10240x128xbf16, #tpu.memory_space<vmem_shared>> -> memref<128x128xbf16, #tpu.memory_space<vmem_shared>>
      %dma_start3A_69 = arith.constant 0 : i32
      %dma_start3A_70 = tpu.memref_slice %arg15[%add3A_14, %dma_start3A_69] : memref<10240x128xbf16, #tpu.memory_space<vmem_shared>> -> memref<128x128xbf16, #tpu.memory_space<vmem_shared>>
      tpu.enqueue_dma source(%arg11 : memref<128x128xbf16, #tpu.memory_space<vmem>>) target(%dma_start3A_70 : memref<128x128xbf16, #tpu.memory_space<vmem_shared>>) target_semaphore(%run_scoped3A : memref<!tpu.dma_semaphore, #tpu.memory_space<semaphore_mem>>)
      %dma_wait3A_71 = arith.constant 0 : i32
      %dma_wait3A_72 = tpu.memref_slice %arg15[%add3A_14, %dma_wait3A_71] : memref<10240x128xbf16, #tpu.memory_space<vmem_shared>> -> memref<128x128xbf16, #tpu.memory_space<vmem_shared>>
      %dma_wait3A_73 = arith.constant 0 : i32
      %dma_wait3A_74 = tpu.memref_slice %arg15[%add3A_14, %dma_wait3A_73] : memref<10240x128xbf16, #tpu.memory_space<vmem_shared>> -> memref<128x128xbf16, #tpu.memory_space<vmem_shared>>
      tpu.wait_dma2 semaphore(%run_scoped3A : memref<!tpu.dma_semaphore, #tpu.memory_space<semaphore_mem>>) src(%arg11 : memref<128x128xbf16, #tpu.memory_space<vmem>>) dst(%dma_wait3A_74 : memref<128x128xbf16, #tpu.memory_space<vmem_shared>>)
      tpu.yield
    }) : () -> ()
    %barrier3A = arith.constant 0 : index
    tpu.barrier barrier_id(%barrier3A)
    "tpu.region"() ({
      %run_scoped3A = tpu.sem_alloc : memref<!tpu.dma_semaphore, #tpu.memory_space<semaphore_mem>>
      %dma_start3A_67 = arith.constant 0 : i32
      %dma_start3A_68 = tpu.memref_slice %arg3[%arg1, %select_n3A, %dma_start3A_67] : memref<16x160x128xi32, #tpu.memory_space<hbm>> -> memref<1x1x128xi32, #tpu.memory_space<hbm>>
      %dma_start3A_69 = tpu.memref_squeeze %dma_start3A_68 : memref<1x1x128xi32, #tpu.memory_space<hbm>> -> memref<128xi32, #tpu.memory_space<hbm>>
      %dma_start3A_70 = arith.constant 0 : i32
      %dma_start3A_71 = tpu.memref_slice %arg3[%arg1, %select_n3A, %dma_start3A_70] : memref<16x160x128xi32, #tpu.memory_space<hbm>> -> memref<1x1x128xi32, #tpu.memory_space<hbm>>
      %dma_start3A_72 = tpu.memref_squeeze %dma_start3A_71 : memref<1x1x128xi32, #tpu.memory_space<hbm>> -> memref<128xi32, #tpu.memory_space<hbm>>
      tpu.enqueue_dma source(%dma_start3A_72 : memref<128xi32, #tpu.memory_space<hbm>>) target(%arg7 : memref<128xi32, #tpu.memory_space<vmem>>) target_semaphore(%run_scoped3A : memref<!tpu.dma_semaphore, #tpu.memory_space<semaphore_mem>>)
      %dma_wait3A_73 = arith.constant 0 : i32
      %dma_wait3A_74 = tpu.memref_slice %arg3[%arg1, %select_n3A, %dma_wait3A_73] : memref<16x160x128xi32, #tpu.memory_space<hbm>> -> memref<1x1x128xi32, #tpu.memory_space<hbm>>
      %dma_wait3A_75 = tpu.memref_squeeze %dma_wait3A_74 : memref<1x1x128xi32, #tpu.memory_space<hbm>> -> memref<128xi32, #tpu.memory_space<hbm>>
      %dma_wait3A_76 = arith.constant 0 : i32
      %dma_wait3A_77 = tpu.memref_slice %arg3[%arg1, %select_n3A, %dma_wait3A_76] : memref<16x160x128xi32, #tpu.memory_space<hbm>> -> memref<1x1x128xi32, #tpu.memory_space<hbm>>
      %dma_wait3A_78 = tpu.memref_squeeze %dma_wait3A_77 : memref<1x1x128xi32, #tpu.memory_space<hbm>> -> memref<128xi32, #tpu.memory_space<hbm>>
      tpu.wait_dma2 semaphore(%run_scoped3A : memref<!tpu.dma_semaphore, #tpu.memory_space<semaphore_mem>>) src(%dma_wait3A_78 : memref<128xi32, #tpu.memory_space<hbm>>) dst(%arg7 : memref<128xi32, #tpu.memory_space<vmem>>)
      tpu.yield
    }) : () -> ()
    "tpu.region"() ({
      %run_scoped3A = tpu.sem_alloc : memref<!tpu.dma_semaphore, #tpu.memory_space<semaphore_mem>>
      %dma_start3A_67 = arith.constant 0 : i32
      %dma_start3A_68 = tpu.memref_slice %arg4[%arg1, %select_n3A, %dma_start3A_67] : memref<16x160x128xi32, #tpu.memory_space<hbm>> -> memref<1x1x128xi32, #tpu.memory_space<hbm>>
      %dma_start3A_69 = tpu.memref_squeeze %dma_start3A_68 : memref<1x1x128xi32, #tpu.memory_space<hbm>> -> memref<128xi32, #tpu.memory_space<hbm>>
      %dma_start3A_70 = arith.constant 0 : i32
      %dma_start3A_71 = tpu.memref_slice %arg4[%arg1, %select_n3A, %dma_start3A_70] : memref<16x160x128xi32, #tpu.memory_space<hbm>> -> memref<1x1x128xi32, #tpu.memory_space<hbm>>
      %dma_start3A_72 = tpu.memref_squeeze %dma_start3A_71 : memref<1x1x128xi32, #tpu.memory_space<hbm>> -> memref<128xi32, #tpu.memory_space<hbm>>
      tpu.enqueue_dma source(%dma_start3A_72 : memref<128xi32, #tpu.memory_space<hbm>>) target(%arg8 : memref<128xi32, #tpu.memory_space<vmem>>) target_semaphore(%run_scoped3A : memref<!tpu.dma_semaphore, #tpu.memory_space<semaphore_mem>>)
      %dma_wait3A_73 = arith.constant 0 : i32
      %dma_wait3A_74 = tpu.memref_slice %arg4[%arg1, %select_n3A, %dma_wait3A_73] : memref<16x160x128xi32, #tpu.memory_space<hbm>> -> memref<1x1x128xi32, #tpu.memory_space<hbm>>
      %dma_wait3A_75 = tpu.memref_squeeze %dma_wait3A_74 : memref<1x1x128xi32, #tpu.memory_space<hbm>> -> memref<128xi32, #tpu.memory_space<hbm>>
      %dma_wait3A_76 = arith.constant 0 : i32
      %dma_wait3A_77 = tpu.memref_slice %arg4[%arg1, %select_n3A, %dma_wait3A_76] : memref<16x160x128xi32, #tpu.memory_space<hbm>> -> memref<1x1x128xi32, #tpu.memory_space<hbm>>
      %dma_wait3A_78 = tpu.memref_squeeze %dma_wait3A_77 : memref<1x1x128xi32, #tpu.memory_space<hbm>> -> memref<128xi32, #tpu.memory_space<hbm>>
      tpu.wait_dma2 semaphore(%run_scoped3A : memref<!tpu.dma_semaphore, #tpu.memory_space<semaphore_mem>>) src(%dma_wait3A_78 : memref<128xi32, #tpu.memory_space<hbm>>) dst(%arg8 : memref<128xi32, #tpu.memory_space<vmem>>)
      tpu.yield
    }) : () -> ()
    %dma_start3A = arith.constant 0 : i32
    %dma_start3A_15 = arith.constant 0 : i32
    %dma_start3A_16 = tpu.memref_slice %arg2[%dma_start3A, %dma_start3A_15] : memref<10016x128xbf16, #tpu.memory_space<hbm>> -> memref<10016x128xbf16, #tpu.memory_space<hbm>>
    tpu.enqueue_indirect_dma source(%dma_start3A_16 : memref<10016x128xbf16, #tpu.memory_space<hbm>>) target(%arg11 : memref<128x128xbf16, #tpu.memory_space<vmem>>) offsets(%arg7 : memref<128xi32, #tpu.memory_space<vmem>>) semaphore(%arg13 : memref<!tpu.dma_semaphore, #tpu.memory_space<semaphore_mem>>)
    %jit3A_17 = arith.constant 2 : i32
    %div3A = arith.divsi %select_n3A_5, %jit3A_17 : i32
    %sign3A = arith.constant 0 : i32
    %sign3A_18 = arith.cmpi sgt, %select_n3A_5, %sign3A : i32
    %sign3A_19 = arith.extui %sign3A_18 : i1 to i32
    %sign3A_20 = arith.constant 0 : i32
    %sign3A_21 = arith.cmpi slt, %select_n3A_5, %sign3A_20 : i32
    %sign3A_22 = arith.extui %sign3A_21 : i1 to i32
    %sign3A_23 = arith.subi %sign3A_19, %sign3A_22 : i32
    %sign3A_24 = arith.constant 0 : i32
    %sign3A_25 = arith.cmpi sgt, %jit3A_17, %sign3A_24 : i32
    %sign3A_26 = arith.extui %sign3A_25 : i1 to i32
    %sign3A_27 = arith.constant 0 : i32
    %sign3A_28 = arith.cmpi slt, %jit3A_17, %sign3A_27 : i32
    %sign3A_29 = arith.extui %sign3A_28 : i1 to i32
    %sign3A_30 = arith.subi %sign3A_26, %sign3A_29 : i32
    %ne3A = arith.cmpi ne, %sign3A_23, %sign3A_30 : i32
    %rem3A = arith.remsi %select_n3A_5, %jit3A_17 : i32
    %ne3A_31 = arith.constant 0 : i32
    %ne3A_32 = arith.cmpi ne, %rem3A, %ne3A_31 : i32
    %and3A = arith.andi %ne3A, %ne3A_32 : i1
    %sub3A = arith.constant 1 : i32
    %sub3A_33 = arith.subi %div3A, %sub3A : i32
    %select_n3A_34 = arith.select %and3A, %sub3A_33, %div3A : i32
    %while3A = arith.constant 0 : i32
    %while3A_35 = arith.constant 0 : i32
    %while3A_36 = arith.subi %select_n3A_34, %while3A_35 : i32
    %while3A_37 = arith.addi %while3A_35, %while3A_36 : i32
    %while3A_38 = arith.constant 1 : i32
    %while3A_39 = arith.divsi %while3A_36, %while3A_38 : i32
    %while3A_40 = arith.muli %while3A_39, %while3A_38 : i32
    %while3A_41 = arith.addi %while3A_35, %while3A_40 : i32
    %while3A_42 = arith.constant 1 : i32
    scf.for %while3A_67 = %while3A_35 to %while3A_41 step %while3A_42  : i32 {
      %mul3A_68 = arith.constant 2 : i32
      %mul3A_69 = arith.muli %mul3A_68, %while3A_67 : i32
      %add3A_70 = arith.addi %select_n3A, %mul3A_69 : i32
      %add3A_71 = arith.constant 1 : i32
      %add3A_72 = arith.addi %add3A_70, %add3A_71 : i32
      "tpu.region"() ({
        %run_scoped3A = tpu.sem_alloc : memref<!tpu.dma_semaphore, #tpu.memory_space<semaphore_mem>>
        %dma_start3A_92 = arith.constant 0 : i32
        %dma_start3A_93 = tpu.memref_slice %arg3[%arg1, %add3A_72, %dma_start3A_92] : memref<16x160x128xi32, #tpu.memory_space<hbm>> -> memref<1x1x128xi32, #tpu.memory_space<hbm>>
        %dma_start3A_94 = tpu.memref_squeeze %dma_start3A_93 : memref<1x1x128xi32, #tpu.memory_space<hbm>> -> memref<128xi32, #tpu.memory_space<hbm>>
        %dma_start3A_95 = arith.constant 0 : i32
        %dma_start3A_96 = tpu.memref_slice %arg3[%arg1, %add3A_72, %dma_start3A_95] : memref<16x160x128xi32, #tpu.memory_space<hbm>> -> memref<1x1x128xi32, #tpu.memory_space<hbm>>
        %dma_start3A_97 = tpu.memref_squeeze %dma_start3A_96 : memref<1x1x128xi32, #tpu.memory_space<hbm>> -> memref<128xi32, #tpu.memory_space<hbm>>
        tpu.enqueue_dma source(%dma_start3A_97 : memref<128xi32, #tpu.memory_space<hbm>>) target(%arg9 : memref<128xi32, #tpu.memory_space<vmem>>) target_semaphore(%run_scoped3A : memref<!tpu.dma_semaphore, #tpu.memory_space<semaphore_mem>>)
        %dma_wait3A_98 = arith.constant 0 : i32
        %dma_wait3A_99 = tpu.memref_slice %arg3[%arg1, %add3A_72, %dma_wait3A_98] : memref<16x160x128xi32, #tpu.memory_space<hbm>> -> memref<1x1x128xi32, #tpu.memory_space<hbm>>
        %dma_wait3A_100 = tpu.memref_squeeze %dma_wait3A_99 : memref<1x1x128xi32, #tpu.memory_space<hbm>> -> memref<128xi32, #tpu.memory_space<hbm>>
        %dma_wait3A_101 = arith.constant 0 : i32
        %dma_wait3A_102 = tpu.memref_slice %arg3[%arg1, %add3A_72, %dma_wait3A_101] : memref<16x160x128xi32, #tpu.memory_space<hbm>> -> memref<1x1x128xi32, #tpu.memory_space<hbm>>
        %dma_wait3A_103 = tpu.memref_squeeze %dma_wait3A_102 : memref<1x1x128xi32, #tpu.memory_space<hbm>> -> memref<128xi32, #tpu.memory_space<hbm>>
        tpu.wait_dma2 semaphore(%run_scoped3A : memref<!tpu.dma_semaphore, #tpu.memory_space<semaphore_mem>>) src(%dma_wait3A_103 : memref<128xi32, #tpu.memory_space<hbm>>) dst(%arg9 : memref<128xi32, #tpu.memory_space<vmem>>)
        tpu.yield
      }) : () -> ()
      %add3A_73 = arith.constant 1 : i32
      %add3A_74 = arith.addi %add3A_70, %add3A_73 : i32
      "tpu.region"() ({
        %run_scoped3A = tpu.sem_alloc : memref<!tpu.dma_semaphore, #tpu.memory_space<semaphore_mem>>
        %dma_start3A_92 = arith.constant 0 : i32
        %dma_start3A_93 = tpu.memref_slice %arg4[%arg1, %add3A_74, %dma_start3A_92] : memref<16x160x128xi32, #tpu.memory_space<hbm>> -> memref<1x1x128xi32, #tpu.memory_space<hbm>>
        %dma_start3A_94 = tpu.memref_squeeze %dma_start3A_93 : memref<1x1x128xi32, #tpu.memory_space<hbm>> -> memref<128xi32, #tpu.memory_space<hbm>>
        %dma_start3A_95 = arith.constant 0 : i32
        %dma_start3A_96 = tpu.memref_slice %arg4[%arg1, %add3A_74, %dma_start3A_95] : memref<16x160x128xi32, #tpu.memory_space<hbm>> -> memref<1x1x128xi32, #tpu.memory_space<hbm>>
        %dma_start3A_97 = tpu.memref_squeeze %dma_start3A_96 : memref<1x1x128xi32, #tpu.memory_space<hbm>> -> memref<128xi32, #tpu.memory_space<hbm>>
        tpu.enqueue_dma source(%dma_start3A_97 : memref<128xi32, #tpu.memory_space<hbm>>) target(%arg10 : memref<128xi32, #tpu.memory_space<vmem>>) target_semaphore(%run_scoped3A : memref<!tpu.dma_semaphore, #tpu.memory_space<semaphore_mem>>)
        %dma_wait3A_98 = arith.constant 0 : i32
        %dma_wait3A_99 = tpu.memref_slice %arg4[%arg1, %add3A_74, %dma_wait3A_98] : memref<16x160x128xi32, #tpu.memory_space<hbm>> -> memref<1x1x128xi32, #tpu.memory_space<hbm>>
        %dma_wait3A_100 = tpu.memref_squeeze %dma_wait3A_99 : memref<1x1x128xi32, #tpu.memory_space<hbm>> -> memref<128xi32, #tpu.memory_space<hbm>>
        %dma_wait3A_101 = arith.constant 0 : i32
        %dma_wait3A_102 = tpu.memref_slice %arg4[%arg1, %add3A_74, %dma_wait3A_101] : memref<16x160x128xi32, #tpu.memory_space<hbm>> -> memref<1x1x128xi32, #tpu.memory_space<hbm>>
        %dma_wait3A_103 = tpu.memref_squeeze %dma_wait3A_102 : memref<1x1x128xi32, #tpu.memory_space<hbm>> -> memref<128xi32, #tpu.memory_space<hbm>>
        tpu.wait_dma2 semaphore(%run_scoped3A : memref<!tpu.dma_semaphore, #tpu.memory_space<semaphore_mem>>) src(%dma_wait3A_103 : memref<128xi32, #tpu.memory_space<hbm>>) dst(%arg10 : memref<128xi32, #tpu.memory_space<vmem>>)
        tpu.yield
      }) : () -> ()
      %dma_start3A_75 = arith.constant 0 : i32
      %dma_start3A_76 = arith.constant 0 : i32
      %dma_start3A_77 = tpu.memref_slice %arg2[%dma_start3A_75, %dma_start3A_76] : memref<10016x128xbf16, #tpu.memory_space<hbm>> -> memref<10016x128xbf16, #tpu.memory_space<hbm>>
      tpu.enqueue_indirect_dma source(%dma_start3A_77 : memref<10016x128xbf16, #tpu.memory_space<hbm>>) target(%arg12 : memref<128x128xbf16, #tpu.memory_space<vmem>>) offsets(%arg9 : memref<128xi32, #tpu.memory_space<vmem>>) semaphore(%arg14 : memref<!tpu.dma_semaphore, #tpu.memory_space<semaphore_mem>>)
      %dma_wait3A_78 = arith.constant 0 : i32
      %dma_wait3A_79 = arith.constant 0 : i32
      %dma_wait3A_80 = tpu.memref_slice %arg2[%dma_wait3A_78, %dma_wait3A_79] : memref<10016x128xbf16, #tpu.memory_space<hbm>> -> memref<10016x128xbf16, #tpu.memory_space<hbm>>
      tpu.wait_indirect_dma semaphore(%arg13 : memref<!tpu.dma_semaphore, #tpu.memory_space<semaphore_mem>>) src(%dma_wait3A_80 : memref<10016x128xbf16, #tpu.memory_space<hbm>>) dst(%arg11 : memref<128x128xbf16, #tpu.memory_space<vmem>>)
      "tpu.region"() ({
        %run_scoped3A = tpu.sem_alloc : memref<!tpu.dma_semaphore, #tpu.memory_space<semaphore_mem>>
        %dma_start3A_92 = arith.constant 0 : i32
        %dma_start3A_93 = arith.constant 0 : i32
        %dma_start3A_94 = tpu.memref_slice %arg15[%dma_start3A_92, %dma_start3A_93] : memref<10240x128xbf16, #tpu.memory_space<vmem_shared>> -> memref<10240x128xbf16, #tpu.memory_space<vmem_shared>>
        tpu.enqueue_indirect_dma source(%arg11 : memref<128x128xbf16, #tpu.memory_space<vmem>>) target(%dma_start3A_94 : memref<10240x128xbf16, #tpu.memory_space<vmem_shared>>) offsets(%arg8 : memref<128xi32, #tpu.memory_space<vmem>>) semaphore(%run_scoped3A : memref<!tpu.dma_semaphore, #tpu.memory_space<semaphore_mem>>) {add = true}
        %dma_wait3A_95 = arith.constant 0 : i32
        %dma_wait3A_96 = arith.constant 0 : i32
        %dma_wait3A_97 = tpu.memref_slice %arg15[%dma_wait3A_95, %dma_wait3A_96] : memref<10240x128xbf16, #tpu.memory_space<vmem_shared>> -> memref<10240x128xbf16, #tpu.memory_space<vmem_shared>>
        tpu.wait_indirect_dma semaphore(%run_scoped3A : memref<!tpu.dma_semaphore, #tpu.memory_space<semaphore_mem>>) src(%arg11 : memref<128x128xbf16, #tpu.memory_space<vmem>>) dst(%dma_wait3A_97 : memref<10240x128xbf16, #tpu.memory_space<vmem_shared>>)
        tpu.yield
      }) : () -> ()
      %add3A_81 = arith.constant 2 : i32
      %add3A_82 = arith.addi %add3A_70, %add3A_81 : i32
      %add3A_83 = arith.addi %select_n3A, %select_n3A_5 : i32
      %sub3A_84 = arith.constant 1 : i32
      %sub3A_85 = arith.subi %add3A_83, %sub3A_84 : i32
      %min3A = arith.minsi %add3A_82, %sub3A_85 : i32
      "tpu.region"() ({
        %run_scoped3A = tpu.sem_alloc : memref<!tpu.dma_semaphore, #tpu.memory_space<semaphore_mem>>
        %dma_start3A_92 = arith.constant 0 : i32
        %dma_start3A_93 = tpu.memref_slice %arg3[%arg1, %min3A, %dma_start3A_92] : memref<16x160x128xi32, #tpu.memory_space<hbm>> -> memref<1x1x128xi32, #tpu.memory_space<hbm>>
        %dma_start3A_94 = tpu.memref_squeeze %dma_start3A_93 : memref<1x1x128xi32, #tpu.memory_space<hbm>> -> memref<128xi32, #tpu.memory_space<hbm>>
        %dma_start3A_95 = arith.constant 0 : i32
        %dma_start3A_96 = tpu.memref_slice %arg3[%arg1, %min3A, %dma_start3A_95] : memref<16x160x128xi32, #tpu.memory_space<hbm>> -> memref<1x1x128xi32, #tpu.memory_space<hbm>>
        %dma_start3A_97 = tpu.memref_squeeze %dma_start3A_96 : memref<1x1x128xi32, #tpu.memory_space<hbm>> -> memref<128xi32, #tpu.memory_space<hbm>>
        tpu.enqueue_dma source(%dma_start3A_97 : memref<128xi32, #tpu.memory_space<hbm>>) target(%arg7 : memref<128xi32, #tpu.memory_space<vmem>>) target_semaphore(%run_scoped3A : memref<!tpu.dma_semaphore, #tpu.memory_space<semaphore_mem>>)
        %dma_wait3A_98 = arith.constant 0 : i32
        %dma_wait3A_99 = tpu.memref_slice %arg3[%arg1, %min3A, %dma_wait3A_98] : memref<16x160x128xi32, #tpu.memory_space<hbm>> -> memref<1x1x128xi32, #tpu.memory_space<hbm>>
        %dma_wait3A_100 = tpu.memref_squeeze %dma_wait3A_99 : memref<1x1x128xi32, #tpu.memory_space<hbm>> -> memref<128xi32, #tpu.memory_space<hbm>>
        %dma_wait3A_101 = arith.constant 0 : i32
        %dma_wait3A_102 = tpu.memref_slice %arg3[%arg1, %min3A, %dma_wait3A_101] : memref<16x160x128xi32, #tpu.memory_space<hbm>> -> memref<1x1x128xi32, #tpu.memory_space<hbm>>
        %dma_wait3A_103 = tpu.memref_squeeze %dma_wait3A_102 : memref<1x1x128xi32, #tpu.memory_space<hbm>> -> memref<128xi32, #tpu.memory_space<hbm>>
        tpu.wait_dma2 semaphore(%run_scoped3A : memref<!tpu.dma_semaphore, #tpu.memory_space<semaphore_mem>>) src(%dma_wait3A_103 : memref<128xi32, #tpu.memory_space<hbm>>) dst(%arg7 : memref<128xi32, #tpu.memory_space<vmem>>)
        tpu.yield
      }) : () -> ()
      "tpu.region"() ({
        %run_scoped3A = tpu.sem_alloc : memref<!tpu.dma_semaphore, #tpu.memory_space<semaphore_mem>>
        %dma_start3A_92 = arith.constant 0 : i32
        %dma_start3A_93 = tpu.memref_slice %arg4[%arg1, %min3A, %dma_start3A_92] : memref<16x160x128xi32, #tpu.memory_space<hbm>> -> memref<1x1x128xi32, #tpu.memory_space<hbm>>
        %dma_start3A_94 = tpu.memref_squeeze %dma_start3A_93 : memref<1x1x128xi32, #tpu.memory_space<hbm>> -> memref<128xi32, #tpu.memory_space<hbm>>
        %dma_start3A_95 = arith.constant 0 : i32
        %dma_start3A_96 = tpu.memref_slice %arg4[%arg1, %min3A, %dma_start3A_95] : memref<16x160x128xi32, #tpu.memory_space<hbm>> -> memref<1x1x128xi32, #tpu.memory_space<hbm>>
        %dma_start3A_97 = tpu.memref_squeeze %dma_start3A_96 : memref<1x1x128xi32, #tpu.memory_space<hbm>> -> memref<128xi32, #tpu.memory_space<hbm>>
        tpu.enqueue_dma source(%dma_start3A_97 : memref<128xi32, #tpu.memory_space<hbm>>) target(%arg8 : memref<128xi32, #tpu.memory_space<vmem>>) target_semaphore(%run_scoped3A : memref<!tpu.dma_semaphore, #tpu.memory_space<semaphore_mem>>)
        %dma_wait3A_98 = arith.constant 0 : i32
        %dma_wait3A_99 = tpu.memref_slice %arg4[%arg1, %min3A, %dma_wait3A_98] : memref<16x160x128xi32, #tpu.memory_space<hbm>> -> memref<1x1x128xi32, #tpu.memory_space<hbm>>
        %dma_wait3A_100 = tpu.memref_squeeze %dma_wait3A_99 : memref<1x1x128xi32, #tpu.memory_space<hbm>> -> memref<128xi32, #tpu.memory_space<hbm>>
        %dma_wait3A_101 = arith.constant 0 : i32
        %dma_wait3A_102 = tpu.memref_slice %arg4[%arg1, %min3A, %dma_wait3A_101] : memref<16x160x128xi32, #tpu.memory_space<hbm>> -> memref<1x1x128xi32, #tpu.memory_space<hbm>>
        %dma_wait3A_103 = tpu.memref_squeeze %dma_wait3A_102 : memref<1x1x128xi32, #tpu.memory_space<hbm>> -> memref<128xi32, #tpu.memory_space<hbm>>
        tpu.wait_dma2 semaphore(%run_scoped3A : memref<!tpu.dma_semaphore, #tpu.memory_space<semaphore_mem>>) src(%dma_wait3A_103 : memref<128xi32, #tpu.memory_space<hbm>>) dst(%arg8 : memref<128xi32, #tpu.memory_space<vmem>>)
        tpu.yield
      }) : () -> ()
      %dma_start3A_86 = arith.constant 0 : i32
      %dma_start3A_87 = arith.constant 0 : i32
      %dma_start3A_88 = tpu.memref_slice %arg2[%dma_start3A_86, %dma_start3A_87] : memref<10016x128xbf16, #tpu.memory_space<hbm>> -> memref<10016x128xbf16, #tpu.memory_space<hbm>>
      tpu.enqueue_indirect_dma source(%dma_start3A_88 : memref<10016x128xbf16, #tpu.memory_space<hbm>>) target(%arg11 : memref<128x128xbf16, #tpu.memory_space<vmem>>) offsets(%arg7 : memref<128xi32, #tpu.memory_space<vmem>>) semaphore(%arg13 : memref<!tpu.dma_semaphore, #tpu.memory_space<semaphore_mem>>)
      %dma_wait3A_89 = arith.constant 0 : i32
      %dma_wait3A_90 = arith.constant 0 : i32
      %dma_wait3A_91 = tpu.memref_slice %arg2[%dma_wait3A_89, %dma_wait3A_90] : memref<10016x128xbf16, #tpu.memory_space<hbm>> -> memref<10016x128xbf16, #tpu.memory_space<hbm>>
      tpu.wait_indirect_dma semaphore(%arg14 : memref<!tpu.dma_semaphore, #tpu.memory_space<semaphore_mem>>) src(%dma_wait3A_91 : memref<10016x128xbf16, #tpu.memory_space<hbm>>) dst(%arg12 : memref<128x128xbf16, #tpu.memory_space<vmem>>)
      "tpu.region"() ({
        %run_scoped3A = tpu.sem_alloc : memref<!tpu.dma_semaphore, #tpu.memory_space<semaphore_mem>>
        %dma_start3A_92 = arith.constant 0 : i32
        %dma_start3A_93 = arith.constant 0 : i32
        %dma_start3A_94 = tpu.memref_slice %arg15[%dma_start3A_92, %dma_start3A_93] : memref<10240x128xbf16, #tpu.memory_space<vmem_shared>> -> memref<10240x128xbf16, #tpu.memory_space<vmem_shared>>
        tpu.enqueue_indirect_dma source(%arg12 : memref<128x128xbf16, #tpu.memory_space<vmem>>) target(%dma_start3A_94 : memref<10240x128xbf16, #tpu.memory_space<vmem_shared>>) offsets(%arg10 : memref<128xi32, #tpu.memory_space<vmem>>) semaphore(%run_scoped3A : memref<!tpu.dma_semaphore, #tpu.memory_space<semaphore_mem>>) {add = true}
        %dma_wait3A_95 = arith.constant 0 : i32
        %dma_wait3A_96 = arith.constant 0 : i32
        %dma_wait3A_97 = tpu.memref_slice %arg15[%dma_wait3A_95, %dma_wait3A_96] : memref<10240x128xbf16, #tpu.memory_space<vmem_shared>> -> memref<10240x128xbf16, #tpu.memory_space<vmem_shared>>
        tpu.wait_indirect_dma semaphore(%run_scoped3A : memref<!tpu.dma_semaphore, #tpu.memory_space<semaphore_mem>>) src(%arg12 : memref<128x128xbf16, #tpu.memory_space<vmem>>) dst(%dma_wait3A_97 : memref<10240x128xbf16, #tpu.memory_space<vmem_shared>>)
        tpu.yield
      }) : () -> ()
    }
    %while3A_43 = arith.constant 1 : i32
    scf.for %while3A_67 = %while3A_41 to %while3A_37 step %while3A_43  : i32 {
      %mul3A_68 = arith.constant 2 : i32
      %mul3A_69 = arith.muli %mul3A_68, %while3A_67 : i32
      %add3A_70 = arith.addi %select_n3A, %mul3A_69 : i32
      %add3A_71 = arith.constant 1 : i32
      %add3A_72 = arith.addi %add3A_70, %add3A_71 : i32
      "tpu.region"() ({
        %run_scoped3A = tpu.sem_alloc : memref<!tpu.dma_semaphore, #tpu.memory_space<semaphore_mem>>
        %dma_start3A_92 = arith.constant 0 : i32
        %dma_start3A_93 = tpu.memref_slice %arg3[%arg1, %add3A_72, %dma_start3A_92] : memref<16x160x128xi32, #tpu.memory_space<hbm>> -> memref<1x1x128xi32, #tpu.memory_space<hbm>>
        %dma_start3A_94 = tpu.memref_squeeze %dma_start3A_93 : memref<1x1x128xi32, #tpu.memory_space<hbm>> -> memref<128xi32, #tpu.memory_space<hbm>>
        %dma_start3A_95 = arith.constant 0 : i32
        %dma_start3A_96 = tpu.memref_slice %arg3[%arg1, %add3A_72, %dma_start3A_95] : memref<16x160x128xi32, #tpu.memory_space<hbm>> -> memref<1x1x128xi32, #tpu.memory_space<hbm>>
        %dma_start3A_97 = tpu.memref_squeeze %dma_start3A_96 : memref<1x1x128xi32, #tpu.memory_space<hbm>> -> memref<128xi32, #tpu.memory_space<hbm>>
        tpu.enqueue_dma source(%dma_start3A_97 : memref<128xi32, #tpu.memory_space<hbm>>) target(%arg9 : memref<128xi32, #tpu.memory_space<vmem>>) target_semaphore(%run_scoped3A : memref<!tpu.dma_semaphore, #tpu.memory_space<semaphore_mem>>)
        %dma_wait3A_98 = arith.constant 0 : i32
        %dma_wait3A_99 = tpu.memref_slice %arg3[%arg1, %add3A_72, %dma_wait3A_98] : memref<16x160x128xi32, #tpu.memory_space<hbm>> -> memref<1x1x128xi32, #tpu.memory_space<hbm>>
        %dma_wait3A_100 = tpu.memref_squeeze %dma_wait3A_99 : memref<1x1x128xi32, #tpu.memory_space<hbm>> -> memref<128xi32, #tpu.memory_space<hbm>>
        %dma_wait3A_101 = arith.constant 0 : i32
        %dma_wait3A_102 = tpu.memref_slice %arg3[%arg1, %add3A_72, %dma_wait3A_101] : memref<16x160x128xi32, #tpu.memory_space<hbm>> -> memref<1x1x128xi32, #tpu.memory_space<hbm>>
        %dma_wait3A_103 = tpu.memref_squeeze %dma_wait3A_102 : memref<1x1x128xi32, #tpu.memory_space<hbm>> -> memref<128xi32, #tpu.memory_space<hbm>>
        tpu.wait_dma2 semaphore(%run_scoped3A : memref<!tpu.dma_semaphore, #tpu.memory_space<semaphore_mem>>) src(%dma_wait3A_103 : memref<128xi32, #tpu.memory_space<hbm>>) dst(%arg9 : memref<128xi32, #tpu.memory_space<vmem>>)
        tpu.yield
      }) : () -> ()
      %add3A_73 = arith.constant 1 : i32
      %add3A_74 = arith.addi %add3A_70, %add3A_73 : i32
      "tpu.region"() ({
        %run_scoped3A = tpu.sem_alloc : memref<!tpu.dma_semaphore, #tpu.memory_space<semaphore_mem>>
        %dma_start3A_92 = arith.constant 0 : i32
        %dma_start3A_93 = tpu.memref_slice %arg4[%arg1, %add3A_74, %dma_start3A_92] : memref<16x160x128xi32, #tpu.memory_space<hbm>> -> memref<1x1x128xi32, #tpu.memory_space<hbm>>
        %dma_start3A_94 = tpu.memref_squeeze %dma_start3A_93 : memref<1x1x128xi32, #tpu.memory_space<hbm>> -> memref<128xi32, #tpu.memory_space<hbm>>
        %dma_start3A_95 = arith.constant 0 : i32
        %dma_start3A_96 = tpu.memref_slice %arg4[%arg1, %add3A_74, %dma_start3A_95] : memref<16x160x128xi32, #tpu.memory_space<hbm>> -> memref<1x1x128xi32, #tpu.memory_space<hbm>>
        %dma_start3A_97 = tpu.memref_squeeze %dma_start3A_96 : memref<1x1x128xi32, #tpu.memory_space<hbm>> -> memref<128xi32, #tpu.memory_space<hbm>>
        tpu.enqueue_dma source(%dma_start3A_97 : memref<128xi32, #tpu.memory_space<hbm>>) target(%arg10 : memref<128xi32, #tpu.memory_space<vmem>>) target_semaphore(%run_scoped3A : memref<!tpu.dma_semaphore, #tpu.memory_space<semaphore_mem>>)
        %dma_wait3A_98 = arith.constant 0 : i32
        %dma_wait3A_99 = tpu.memref_slice %arg4[%arg1, %add3A_74, %dma_wait3A_98] : memref<16x160x128xi32, #tpu.memory_space<hbm>> -> memref<1x1x128xi32, #tpu.memory_space<hbm>>
        %dma_wait3A_100 = tpu.memref_squeeze %dma_wait3A_99 : memref<1x1x128xi32, #tpu.memory_space<hbm>> -> memref<128xi32, #tpu.memory_space<hbm>>
        %dma_wait3A_101 = arith.constant 0 : i32
        %dma_wait3A_102 = tpu.memref_slice %arg4[%arg1, %add3A_74, %dma_wait3A_101] : memref<16x160x128xi32, #tpu.memory_space<hbm>> -> memref<1x1x128xi32, #tpu.memory_space<hbm>>
        %dma_wait3A_103 = tpu.memref_squeeze %dma_wait3A_102 : memref<1x1x128xi32, #tpu.memory_space<hbm>> -> memref<128xi32, #tpu.memory_space<hbm>>
        tpu.wait_dma2 semaphore(%run_scoped3A : memref<!tpu.dma_semaphore, #tpu.memory_space<semaphore_mem>>) src(%dma_wait3A_103 : memref<128xi32, #tpu.memory_space<hbm>>) dst(%arg10 : memref<128xi32, #tpu.memory_space<vmem>>)
        tpu.yield
      }) : () -> ()
      %dma_start3A_75 = arith.constant 0 : i32
      %dma_start3A_76 = arith.constant 0 : i32
      %dma_start3A_77 = tpu.memref_slice %arg2[%dma_start3A_75, %dma_start3A_76] : memref<10016x128xbf16, #tpu.memory_space<hbm>> -> memref<10016x128xbf16, #tpu.memory_space<hbm>>
      tpu.enqueue_indirect_dma source(%dma_start3A_77 : memref<10016x128xbf16, #tpu.memory_space<hbm>>) target(%arg12 : memref<128x128xbf16, #tpu.memory_space<vmem>>) offsets(%arg9 : memref<128xi32, #tpu.memory_space<vmem>>) semaphore(%arg14 : memref<!tpu.dma_semaphore, #tpu.memory_space<semaphore_mem>>)
      %dma_wait3A_78 = arith.constant 0 : i32
      %dma_wait3A_79 = arith.constant 0 : i32
      %dma_wait3A_80 = tpu.memref_slice %arg2[%dma_wait3A_78, %dma_wait3A_79] : memref<10016x128xbf16, #tpu.memory_space<hbm>> -> memref<10016x128xbf16, #tpu.memory_space<hbm>>
      tpu.wait_indirect_dma semaphore(%arg13 : memref<!tpu.dma_semaphore, #tpu.memory_space<semaphore_mem>>) src(%dma_wait3A_80 : memref<10016x128xbf16, #tpu.memory_space<hbm>>) dst(%arg11 : memref<128x128xbf16, #tpu.memory_space<vmem>>)
      "tpu.region"() ({
        %run_scoped3A = tpu.sem_alloc : memref<!tpu.dma_semaphore, #tpu.memory_space<semaphore_mem>>
        %dma_start3A_92 = arith.constant 0 : i32
        %dma_start3A_93 = arith.constant 0 : i32
        %dma_start3A_94 = tpu.memref_slice %arg15[%dma_start3A_92, %dma_start3A_93] : memref<10240x128xbf16, #tpu.memory_space<vmem_shared>> -> memref<10240x128xbf16, #tpu.memory_space<vmem_shared>>
        tpu.enqueue_indirect_dma source(%arg11 : memref<128x128xbf16, #tpu.memory_space<vmem>>) target(%dma_start3A_94 : memref<10240x128xbf16, #tpu.memory_space<vmem_shared>>) offsets(%arg8 : memref<128xi32, #tpu.memory_space<vmem>>) semaphore(%run_scoped3A : memref<!tpu.dma_semaphore, #tpu.memory_space<semaphore_mem>>) {add = true}
        %dma_wait3A_95 = arith.constant 0 : i32
        %dma_wait3A_96 = arith.constant 0 : i32
        %dma_wait3A_97 = tpu.memref_slice %arg15[%dma_wait3A_95, %dma_wait3A_96] : memref<10240x128xbf16, #tpu.memory_space<vmem_shared>> -> memref<10240x128xbf16, #tpu.memory_space<vmem_shared>>
        tpu.wait_indirect_dma semaphore(%run_scoped3A : memref<!tpu.dma_semaphore, #tpu.memory_space<semaphore_mem>>) src(%arg11 : memref<128x128xbf16, #tpu.memory_space<vmem>>) dst(%dma_wait3A_97 : memref<10240x128xbf16, #tpu.memory_space<vmem_shared>>)
        tpu.yield
      }) : () -> ()
      %add3A_81 = arith.constant 2 : i32
      %add3A_82 = arith.addi %add3A_70, %add3A_81 : i32
      %add3A_83 = arith.addi %select_n3A, %select_n3A_5 : i32
      %sub3A_84 = arith.constant 1 : i32
      %sub3A_85 = arith.subi %add3A_83, %sub3A_84 : i32
      %min3A = arith.minsi %add3A_82, %sub3A_85 : i32
      "tpu.region"() ({
        %run_scoped3A = tpu.sem_alloc : memref<!tpu.dma_semaphore, #tpu.memory_space<semaphore_mem>>
        %dma_start3A_92 = arith.constant 0 : i32
        %dma_start3A_93 = tpu.memref_slice %arg3[%arg1, %min3A, %dma_start3A_92] : memref<16x160x128xi32, #tpu.memory_space<hbm>> -> memref<1x1x128xi32, #tpu.memory_space<hbm>>
        %dma_start3A_94 = tpu.memref_squeeze %dma_start3A_93 : memref<1x1x128xi32, #tpu.memory_space<hbm>> -> memref<128xi32, #tpu.memory_space<hbm>>
        %dma_start3A_95 = arith.constant 0 : i32
        %dma_start3A_96 = tpu.memref_slice %arg3[%arg1, %min3A, %dma_start3A_95] : memref<16x160x128xi32, #tpu.memory_space<hbm>> -> memref<1x1x128xi32, #tpu.memory_space<hbm>>
        %dma_start3A_97 = tpu.memref_squeeze %dma_start3A_96 : memref<1x1x128xi32, #tpu.memory_space<hbm>> -> memref<128xi32, #tpu.memory_space<hbm>>
        tpu.enqueue_dma source(%dma_start3A_97 : memref<128xi32, #tpu.memory_space<hbm>>) target(%arg7 : memref<128xi32, #tpu.memory_space<vmem>>) target_semaphore(%run_scoped3A : memref<!tpu.dma_semaphore, #tpu.memory_space<semaphore_mem>>)
        %dma_wait3A_98 = arith.constant 0 : i32
        %dma_wait3A_99 = tpu.memref_slice %arg3[%arg1, %min3A, %dma_wait3A_98] : memref<16x160x128xi32, #tpu.memory_space<hbm>> -> memref<1x1x128xi32, #tpu.memory_space<hbm>>
        %dma_wait3A_100 = tpu.memref_squeeze %dma_wait3A_99 : memref<1x1x128xi32, #tpu.memory_space<hbm>> -> memref<128xi32, #tpu.memory_space<hbm>>
        %dma_wait3A_101 = arith.constant 0 : i32
        %dma_wait3A_102 = tpu.memref_slice %arg3[%arg1, %min3A, %dma_wait3A_101] : memref<16x160x128xi32, #tpu.memory_space<hbm>> -> memref<1x1x128xi32, #tpu.memory_space<hbm>>
        %dma_wait3A_103 = tpu.memref_squeeze %dma_wait3A_102 : memref<1x1x128xi32, #tpu.memory_space<hbm>> -> memref<128xi32, #tpu.memory_space<hbm>>
        tpu.wait_dma2 semaphore(%run_scoped3A : memref<!tpu.dma_semaphore, #tpu.memory_space<semaphore_mem>>) src(%dma_wait3A_103 : memref<128xi32, #tpu.memory_space<hbm>>) dst(%arg7 : memref<128xi32, #tpu.memory_space<vmem>>)
        tpu.yield
      }) : () -> ()
      "tpu.region"() ({
        %run_scoped3A = tpu.sem_alloc : memref<!tpu.dma_semaphore, #tpu.memory_space<semaphore_mem>>
        %dma_start3A_92 = arith.constant 0 : i32
        %dma_start3A_93 = tpu.memref_slice %arg4[%arg1, %min3A, %dma_start3A_92] : memref<16x160x128xi32, #tpu.memory_space<hbm>> -> memref<1x1x128xi32, #tpu.memory_space<hbm>>
        %dma_start3A_94 = tpu.memref_squeeze %dma_start3A_93 : memref<1x1x128xi32, #tpu.memory_space<hbm>> -> memref<128xi32, #tpu.memory_space<hbm>>
        %dma_start3A_95 = arith.constant 0 : i32
        %dma_start3A_96 = tpu.memref_slice %arg4[%arg1, %min3A, %dma_start3A_95] : memref<16x160x128xi32, #tpu.memory_space<hbm>> -> memref<1x1x128xi32, #tpu.memory_space<hbm>>
        %dma_start3A_97 = tpu.memref_squeeze %dma_start3A_96 : memref<1x1x128xi32, #tpu.memory_space<hbm>> -> memref<128xi32, #tpu.memory_space<hbm>>
        tpu.enqueue_dma source(%dma_start3A_97 : memref<128xi32, #tpu.memory_space<hbm>>) target(%arg8 : memref<128xi32, #tpu.memory_space<vmem>>) target_semaphore(%run_scoped3A : memref<!tpu.dma_semaphore, #tpu.memory_space<semaphore_mem>>)
        %dma_wait3A_98 = arith.constant 0 : i32
        %dma_wait3A_99 = tpu.memref_slice %arg4[%arg1, %min3A, %dma_wait3A_98] : memref<16x160x128xi32, #tpu.memory_space<hbm>> -> memref<1x1x128xi32, #tpu.memory_space<hbm>>
        %dma_wait3A_100 = tpu.memref_squeeze %dma_wait3A_99 : memref<1x1x128xi32, #tpu.memory_space<hbm>> -> memref<128xi32, #tpu.memory_space<hbm>>
        %dma_wait3A_101 = arith.constant 0 : i32
        %dma_wait3A_102 = tpu.memref_slice %arg4[%arg1, %min3A, %dma_wait3A_101] : memref<16x160x128xi32, #tpu.memory_space<hbm>> -> memref<1x1x128xi32, #tpu.memory_space<hbm>>
        %dma_wait3A_103 = tpu.memref_squeeze %dma_wait3A_102 : memref<1x1x128xi32, #tpu.memory_space<hbm>> -> memref<128xi32, #tpu.memory_space<hbm>>
        tpu.wait_dma2 semaphore(%run_scoped3A : memref<!tpu.dma_semaphore, #tpu.memory_space<semaphore_mem>>) src(%dma_wait3A_103 : memref<128xi32, #tpu.memory_space<hbm>>) dst(%arg8 : memref<128xi32, #tpu.memory_space<vmem>>)
        tpu.yield
      }) : () -> ()
      %dma_start3A_86 = arith.constant 0 : i32
      %dma_start3A_87 = arith.constant 0 : i32
      %dma_start3A_88 = tpu.memref_slice %arg2[%dma_start3A_86, %dma_start3A_87] : memref<10016x128xbf16, #tpu.memory_space<hbm>> -> memref<10016x128xbf16, #tpu.memory_space<hbm>>
      tpu.enqueue_indirect_dma source(%dma_start3A_88 : memref<10016x128xbf16, #tpu.memory_space<hbm>>) target(%arg11 : memref<128x128xbf16, #tpu.memory_space<vmem>>) offsets(%arg7 : memref<128xi32, #tpu.memory_space<vmem>>) semaphore(%arg13 : memref<!tpu.dma_semaphore, #tpu.memory_space<semaphore_mem>>)
      %dma_wait3A_89 = arith.constant 0 : i32
      %dma_wait3A_90 = arith.constant 0 : i32
      %dma_wait3A_91 = tpu.memref_slice %arg2[%dma_wait3A_89, %dma_wait3A_90] : memref<10016x128xbf16, #tpu.memory_space<hbm>> -> memref<10016x128xbf16, #tpu.memory_space<hbm>>
      tpu.wait_indirect_dma semaphore(%arg14 : memref<!tpu.dma_semaphore, #tpu.memory_space<semaphore_mem>>) src(%dma_wait3A_91 : memref<10016x128xbf16, #tpu.memory_space<hbm>>) dst(%arg12 : memref<128x128xbf16, #tpu.memory_space<vmem>>)
      "tpu.region"() ({
        %run_scoped3A = tpu.sem_alloc : memref<!tpu.dma_semaphore, #tpu.memory_space<semaphore_mem>>
        %dma_start3A_92 = arith.constant 0 : i32
        %dma_start3A_93 = arith.constant 0 : i32
        %dma_start3A_94 = tpu.memref_slice %arg15[%dma_start3A_92, %dma_start3A_93] : memref<10240x128xbf16, #tpu.memory_space<vmem_shared>> -> memref<10240x128xbf16, #tpu.memory_space<vmem_shared>>
        tpu.enqueue_indirect_dma source(%arg12 : memref<128x128xbf16, #tpu.memory_space<vmem>>) target(%dma_start3A_94 : memref<10240x128xbf16, #tpu.memory_space<vmem_shared>>) offsets(%arg10 : memref<128xi32, #tpu.memory_space<vmem>>) semaphore(%run_scoped3A : memref<!tpu.dma_semaphore, #tpu.memory_space<semaphore_mem>>) {add = true}
        %dma_wait3A_95 = arith.constant 0 : i32
        %dma_wait3A_96 = arith.constant 0 : i32
        %dma_wait3A_97 = tpu.memref_slice %arg15[%dma_wait3A_95, %dma_wait3A_96] : memref<10240x128xbf16, #tpu.memory_space<vmem_shared>> -> memref<10240x128xbf16, #tpu.memory_space<vmem_shared>>
        tpu.wait_indirect_dma semaphore(%run_scoped3A : memref<!tpu.dma_semaphore, #tpu.memory_space<semaphore_mem>>) src(%arg12 : memref<128x128xbf16, #tpu.memory_space<vmem>>) dst(%dma_wait3A_97 : memref<10240x128xbf16, #tpu.memory_space<vmem_shared>>)
        tpu.yield
      }) : () -> ()
    }
    %dma_wait3A = arith.constant 0 : i32
    %dma_wait3A_44 = arith.constant 0 : i32
    %dma_wait3A_45 = tpu.memref_slice %arg2[%dma_wait3A, %dma_wait3A_44] : memref<10016x128xbf16, #tpu.memory_space<hbm>> -> memref<10016x128xbf16, #tpu.memory_space<hbm>>
    tpu.wait_indirect_dma semaphore(%arg13 : memref<!tpu.dma_semaphore, #tpu.memory_space<semaphore_mem>>) src(%dma_wait3A_45 : memref<10016x128xbf16, #tpu.memory_space<hbm>>) dst(%arg11 : memref<128x128xbf16, #tpu.memory_space<vmem>>)
    %barrier3A_46 = arith.constant 0 : index
    tpu.barrier barrier_id(%barrier3A_46)
    %add3A_47 = arith.constant 0 : i32
    %add3A_48 = arith.addi %mul3A_0, %add3A_47 : i32
    "tpu.region"() ({
      %run_scoped3A = tpu.sem_alloc : memref<!tpu.dma_semaphore, #tpu.memory_space<semaphore_mem>>
      %dma_start3A_67 = arith.constant 0 : i32
      %dma_start3A_68 = tpu.memref_slice %arg15[%add3A_48, %dma_start3A_67] : memref<10240x128xbf16, #tpu.memory_space<vmem_shared>> -> memref<128x128xbf16, #tpu.memory_space<vmem_shared>>
      %dma_start3A_69 = arith.constant 0 : i32
      %dma_start3A_70 = tpu.memref_slice %arg15[%add3A_48, %dma_start3A_69] : memref<10240x128xbf16, #tpu.memory_space<vmem_shared>> -> memref<128x128xbf16, #tpu.memory_space<vmem_shared>>
      tpu.enqueue_dma source(%dma_start3A_70 : memref<128x128xbf16, #tpu.memory_space<vmem_shared>>) target(%arg11 : memref<128x128xbf16, #tpu.memory_space<vmem>>) target_semaphore(%run_scoped3A : memref<!tpu.dma_semaphore, #tpu.memory_space<semaphore_mem>>)
      %dma_wait3A_71 = arith.constant 0 : i32
      %dma_wait3A_72 = tpu.memref_slice %arg15[%add3A_48, %dma_wait3A_71] : memref<10240x128xbf16, #tpu.memory_space<vmem_shared>> -> memref<128x128xbf16, #tpu.memory_space<vmem_shared>>
      %dma_wait3A_73 = arith.constant 0 : i32
      %dma_wait3A_74 = tpu.memref_slice %arg15[%add3A_48, %dma_wait3A_73] : memref<10240x128xbf16, #tpu.memory_space<vmem_shared>> -> memref<128x128xbf16, #tpu.memory_space<vmem_shared>>
      tpu.wait_dma2 semaphore(%run_scoped3A : memref<!tpu.dma_semaphore, #tpu.memory_space<semaphore_mem>>) src(%dma_wait3A_74 : memref<128x128xbf16, #tpu.memory_space<vmem_shared>>) dst(%arg11 : memref<128x128xbf16, #tpu.memory_space<vmem>>)
      tpu.yield
    }) : () -> ()
    %add3A_49 = arith.constant 0 : i32
    %add3A_50 = arith.addi %mul3A_0, %add3A_49 : i32
    "tpu.region"() ({
      %run_scoped3A = tpu.sem_alloc : memref<!tpu.dma_semaphore, #tpu.memory_space<semaphore_mem>>
      %dma_start3A_67 = arith.constant 0 : i32
      %dma_start3A_68 = tpu.memref_slice %arg6[%arg0, %add3A_50, %dma_start3A_67] : memref<2x10240x128xbf16, #tpu.memory_space<hbm>> -> memref<1x128x128xbf16, #tpu.memory_space<hbm>>
      %dma_start3A_69 = tpu.memref_squeeze %dma_start3A_68 : memref<1x128x128xbf16, #tpu.memory_space<hbm>> -> memref<128x128xbf16, #tpu.memory_space<hbm>>
      %dma_start3A_70 = arith.constant 0 : i32
      %dma_start3A_71 = tpu.memref_slice %arg6[%arg0, %add3A_50, %dma_start3A_70] : memref<2x10240x128xbf16, #tpu.memory_space<hbm>> -> memref<1x128x128xbf16, #tpu.memory_space<hbm>>
      %dma_start3A_72 = tpu.memref_squeeze %dma_start3A_71 : memref<1x128x128xbf16, #tpu.memory_space<hbm>> -> memref<128x128xbf16, #tpu.memory_space<hbm>>
      tpu.enqueue_dma source(%arg11 : memref<128x128xbf16, #tpu.memory_space<vmem>>) target(%dma_start3A_72 : memref<128x128xbf16, #tpu.memory_space<hbm>>) target_semaphore(%run_scoped3A : memref<!tpu.dma_semaphore, #tpu.memory_space<semaphore_mem>>)
      %dma_wait3A_73 = arith.constant 0 : i32
      %dma_wait3A_74 = tpu.memref_slice %arg6[%arg0, %add3A_50, %dma_wait3A_73] : memref<2x10240x128xbf16, #tpu.memory_space<hbm>> -> memref<1x128x128xbf16, #tpu.memory_space<hbm>>
      %dma_wait3A_75 = tpu.memref_squeeze %dma_wait3A_74 : memref<1x128x128xbf16, #tpu.memory_space<hbm>> -> memref<128x128xbf16, #tpu.memory_space<hbm>>
      %dma_wait3A_76 = arith.constant 0 : i32
      %dma_wait3A_77 = tpu.memref_slice %arg6[%arg0, %add3A_50, %dma_wait3A_76] : memref<2x10240x128xbf16, #tpu.memory_space<hbm>> -> memref<1x128x128xbf16, #tpu.memory_space<hbm>>
      %dma_wait3A_78 = tpu.memref_squeeze %dma_wait3A_77 : memref<1x128x128xbf16, #tpu.memory_space<hbm>> -> memref<128x128xbf16, #tpu.memory_space<hbm>>
      tpu.wait_dma2 semaphore(%run_scoped3A : memref<!tpu.dma_semaphore, #tpu.memory_space<semaphore_mem>>) src(%arg11 : memref<128x128xbf16, #tpu.memory_space<vmem>>) dst(%dma_wait3A_78 : memref<128x128xbf16, #tpu.memory_space<hbm>>)
      tpu.yield
    }) : () -> ()
    %add3A_51 = arith.constant 128 : i32
    %add3A_52 = arith.addi %mul3A_0, %add3A_51 : i32
    "tpu.region"() ({
      %run_scoped3A = tpu.sem_alloc : memref<!tpu.dma_semaphore, #tpu.memory_space<semaphore_mem>>
      %dma_start3A_67 = arith.constant 0 : i32
      %dma_start3A_68 = tpu.memref_slice %arg15[%add3A_52, %dma_start3A_67] : memref<10240x128xbf16, #tpu.memory_space<vmem_shared>> -> memref<128x128xbf16, #tpu.memory_space<vmem_shared>>
      %dma_start3A_69 = arith.constant 0 : i32
      %dma_start3A_70 = tpu.memref_slice %arg15[%add3A_52, %dma_start3A_69] : memref<10240x128xbf16, #tpu.memory_space<vmem_shared>> -> memref<128x128xbf16, #tpu.memory_space<vmem_shared>>
      tpu.enqueue_dma source(%dma_start3A_70 : memref<128x128xbf16, #tpu.memory_space<vmem_shared>>) target(%arg11 : memref<128x128xbf16, #tpu.memory_space<vmem>>) target_semaphore(%run_scoped3A : memref<!tpu.dma_semaphore, #tpu.memory_space<semaphore_mem>>)
      %dma_wait3A_71 = arith.constant 0 : i32
      %dma_wait3A_72 = tpu.memref_slice %arg15[%add3A_52, %dma_wait3A_71] : memref<10240x128xbf16, #tpu.memory_space<vmem_shared>> -> memref<128x128xbf16, #tpu.memory_space<vmem_shared>>
      %dma_wait3A_73 = arith.constant 0 : i32
      %dma_wait3A_74 = tpu.memref_slice %arg15[%add3A_52, %dma_wait3A_73] : memref<10240x128xbf16, #tpu.memory_space<vmem_shared>> -> memref<128x128xbf16, #tpu.memory_space<vmem_shared>>
      tpu.wait_dma2 semaphore(%run_scoped3A : memref<!tpu.dma_semaphore, #tpu.memory_space<semaphore_mem>>) src(%dma_wait3A_74 : memref<128x128xbf16, #tpu.memory_space<vmem_shared>>) dst(%arg11 : memref<128x128xbf16, #tpu.memory_space<vmem>>)
      tpu.yield
    }) : () -> ()
    %add3A_53 = arith.constant 128 : i32
    %add3A_54 = arith.addi %mul3A_0, %add3A_53 : i32
    "tpu.region"() ({
      %run_scoped3A = tpu.sem_alloc : memref<!tpu.dma_semaphore, #tpu.memory_space<semaphore_mem>>
      %dma_start3A_67 = arith.constant 0 : i32
      %dma_start3A_68 = tpu.memref_slice %arg6[%arg0, %add3A_54, %dma_start3A_67] : memref<2x10240x128xbf16, #tpu.memory_space<hbm>> -> memref<1x128x128xbf16, #tpu.memory_space<hbm>>
      %dma_start3A_69 = tpu.memref_squeeze %dma_start3A_68 : memref<1x128x128xbf16, #tpu.memory_space<hbm>> -> memref<128x128xbf16, #tpu.memory_space<hbm>>
      %dma_start3A_70 = arith.constant 0 : i32
      %dma_start3A_71 = tpu.memref_slice %arg6[%arg0, %add3A_54, %dma_start3A_70] : memref<2x10240x128xbf16, #tpu.memory_space<hbm>> -> memref<1x128x128xbf16, #tpu.memory_space<hbm>>
      %dma_start3A_72 = tpu.memref_squeeze %dma_start3A_71 : memref<1x128x128xbf16, #tpu.memory_space<hbm>> -> memref<128x128xbf16, #tpu.memory_space<hbm>>
      tpu.enqueue_dma source(%arg11 : memref<128x128xbf16, #tpu.memory_space<vmem>>) target(%dma_start3A_72 : memref<128x128xbf16, #tpu.memory_space<hbm>>) target_semaphore(%run_scoped3A : memref<!tpu.dma_semaphore, #tpu.memory_space<semaphore_mem>>)
      %dma_wait3A_73 = arith.constant 0 : i32
      %dma_wait3A_74 = tpu.memref_slice %arg6[%arg0, %add3A_54, %dma_wait3A_73] : memref<2x10240x128xbf16, #tpu.memory_space<hbm>> -> memref<1x128x128xbf16, #tpu.memory_space<hbm>>
      %dma_wait3A_75 = tpu.memref_squeeze %dma_wait3A_74 : memref<1x128x128xbf16, #tpu.memory_space<hbm>> -> memref<128x128xbf16, #tpu.memory_space<hbm>>
      %dma_wait3A_76 = arith.constant 0 : i32
      %dma_wait3A_77 = tpu.memref_slice %arg6[%arg0, %add3A_54, %dma_wait3A_76] : memref<2x10240x128xbf16, #tpu.memory_space<hbm>> -> memref<1x128x128xbf16, #tpu.memory_space<hbm>>
      %dma_wait3A_78 = tpu.memref_squeeze %dma_wait3A_77 : memref<1x128x128xbf16, #tpu.memory_space<hbm>> -> memref<128x128xbf16, #tpu.memory_space<hbm>>
      tpu.wait_dma2 semaphore(%run_scoped3A : memref<!tpu.dma_semaphore, #tpu.memory_space<semaphore_mem>>) src(%arg11 : memref<128x128xbf16, #tpu.memory_space<vmem>>) dst(%dma_wait3A_78 : memref<128x128xbf16, #tpu.memory_space<hbm>>)
      tpu.yield
    }) : () -> ()
    %add3A_55 = arith.constant 256 : i32
    %add3A_56 = arith.addi %mul3A_0, %add3A_55 : i32
    "tpu.region"() ({
      %run_scoped3A = tpu.sem_alloc : memref<!tpu.dma_semaphore, #tpu.memory_space<semaphore_mem>>
      %dma_start3A_67 = arith.constant 0 : i32
      %dma_start3A_68 = tpu.memref_slice %arg15[%add3A_56, %dma_start3A_67] : memref<10240x128xbf16, #tpu.memory_space<vmem_shared>> -> memref<128x128xbf16, #tpu.memory_space<vmem_shared>>
      %dma_start3A_69 = arith.constant 0 : i32
      %dma_start3A_70 = tpu.memref_slice %arg15[%add3A_56, %dma_start3A_69] : memref<10240x128xbf16, #tpu.memory_space<vmem_shared>> -> memref<128x128xbf16, #tpu.memory_space<vmem_shared>>
      tpu.enqueue_dma source(%dma_start3A_70 : memref<128x128xbf16, #tpu.memory_space<vmem_shared>>) target(%arg11 : memref<128x128xbf16, #tpu.memory_space<vmem>>) target_semaphore(%run_scoped3A : memref<!tpu.dma_semaphore, #tpu.memory_space<semaphore_mem>>)
      %dma_wait3A_71 = arith.constant 0 : i32
      %dma_wait3A_72 = tpu.memref_slice %arg15[%add3A_56, %dma_wait3A_71] : memref<10240x128xbf16, #tpu.memory_space<vmem_shared>> -> memref<128x128xbf16, #tpu.memory_space<vmem_shared>>
      %dma_wait3A_73 = arith.constant 0 : i32
      %dma_wait3A_74 = tpu.memref_slice %arg15[%add3A_56, %dma_wait3A_73] : memref<10240x128xbf16, #tpu.memory_space<vmem_shared>> -> memref<128x128xbf16, #tpu.memory_space<vmem_shared>>
      tpu.wait_dma2 semaphore(%run_scoped3A : memref<!tpu.dma_semaphore, #tpu.memory_space<semaphore_mem>>) src(%dma_wait3A_74 : memref<128x128xbf16, #tpu.memory_space<vmem_shared>>) dst(%arg11 : memref<128x128xbf16, #tpu.memory_space<vmem>>)
      tpu.yield
    }) : () -> ()
    %add3A_57 = arith.constant 256 : i32
    %add3A_58 = arith.addi %mul3A_0, %add3A_57 : i32
    "tpu.region"() ({
      %run_scoped3A = tpu.sem_alloc : memref<!tpu.dma_semaphore, #tpu.memory_space<semaphore_mem>>
      %dma_start3A_67 = arith.constant 0 : i32
      %dma_start3A_68 = tpu.memref_slice %arg6[%arg0, %add3A_58, %dma_start3A_67] : memref<2x10240x128xbf16, #tpu.memory_space<hbm>> -> memref<1x128x128xbf16, #tpu.memory_space<hbm>>
      %dma_start3A_69 = tpu.memref_squeeze %dma_start3A_68 : memref<1x128x128xbf16, #tpu.memory_space<hbm>> -> memref<128x128xbf16, #tpu.memory_space<hbm>>
      %dma_start3A_70 = arith.constant 0 : i32
      %dma_start3A_71 = tpu.memref_slice %arg6[%arg0, %add3A_58, %dma_start3A_70] : memref<2x10240x128xbf16, #tpu.memory_space<hbm>> -> memref<1x128x128xbf16, #tpu.memory_space<hbm>>
      %dma_start3A_72 = tpu.memref_squeeze %dma_start3A_71 : memref<1x128x128xbf16, #tpu.memory_space<hbm>> -> memref<128x128xbf16, #tpu.memory_space<hbm>>
      tpu.enqueue_dma source(%arg11 : memref<128x128xbf16, #tpu.memory_space<vmem>>) target(%dma_start3A_72 : memref<128x128xbf16, #tpu.memory_space<hbm>>) target_semaphore(%run_scoped3A : memref<!tpu.dma_semaphore, #tpu.memory_space<semaphore_mem>>)
      %dma_wait3A_73 = arith.constant 0 : i32
      %dma_wait3A_74 = tpu.memref_slice %arg6[%arg0, %add3A_58, %dma_wait3A_73] : memref<2x10240x128xbf16, #tpu.memory_space<hbm>> -> memref<1x128x128xbf16, #tpu.memory_space<hbm>>
      %dma_wait3A_75 = tpu.memref_squeeze %dma_wait3A_74 : memref<1x128x128xbf16, #tpu.memory_space<hbm>> -> memref<128x128xbf16, #tpu.memory_space<hbm>>
      %dma_wait3A_76 = arith.constant 0 : i32
      %dma_wait3A_77 = tpu.memref_slice %arg6[%arg0, %add3A_58, %dma_wait3A_76] : memref<2x10240x128xbf16, #tpu.memory_space<hbm>> -> memref<1x128x128xbf16, #tpu.memory_space<hbm>>
      %dma_wait3A_78 = tpu.memref_squeeze %dma_wait3A_77 : memref<1x128x128xbf16, #tpu.memory_space<hbm>> -> memref<128x128xbf16, #tpu.memory_space<hbm>>
      tpu.wait_dma2 semaphore(%run_scoped3A : memref<!tpu.dma_semaphore, #tpu.memory_space<semaphore_mem>>) src(%arg11 : memref<128x128xbf16, #tpu.memory_space<vmem>>) dst(%dma_wait3A_78 : memref<128x128xbf16, #tpu.memory_space<hbm>>)
      tpu.yield
    }) : () -> ()
    %add3A_59 = arith.constant 384 : i32
    %add3A_60 = arith.addi %mul3A_0, %add3A_59 : i32
    "tpu.region"() ({
      %run_scoped3A = tpu.sem_alloc : memref<!tpu.dma_semaphore, #tpu.memory_space<semaphore_mem>>
      %dma_start3A_67 = arith.constant 0 : i32
      %dma_start3A_68 = tpu.memref_slice %arg15[%add3A_60, %dma_start3A_67] : memref<10240x128xbf16, #tpu.memory_space<vmem_shared>> -> memref<128x128xbf16, #tpu.memory_space<vmem_shared>>
      %dma_start3A_69 = arith.constant 0 : i32
      %dma_start3A_70 = tpu.memref_slice %arg15[%add3A_60, %dma_start3A_69] : memref<10240x128xbf16, #tpu.memory_space<vmem_shared>> -> memref<128x128xbf16, #tpu.memory_space<vmem_shared>>
      tpu.enqueue_dma source(%dma_start3A_70 : memref<128x128xbf16, #tpu.memory_space<vmem_shared>>) target(%arg11 : memref<128x128xbf16, #tpu.memory_space<vmem>>) target_semaphore(%run_scoped3A : memref<!tpu.dma_semaphore, #tpu.memory_space<semaphore_mem>>)
      %dma_wait3A_71 = arith.constant 0 : i32
      %dma_wait3A_72 = tpu.memref_slice %arg15[%add3A_60, %dma_wait3A_71] : memref<10240x128xbf16, #tpu.memory_space<vmem_shared>> -> memref<128x128xbf16, #tpu.memory_space<vmem_shared>>
      %dma_wait3A_73 = arith.constant 0 : i32
      %dma_wait3A_74 = tpu.memref_slice %arg15[%add3A_60, %dma_wait3A_73] : memref<10240x128xbf16, #tpu.memory_space<vmem_shared>> -> memref<128x128xbf16, #tpu.memory_space<vmem_shared>>
      tpu.wait_dma2 semaphore(%run_scoped3A : memref<!tpu.dma_semaphore, #tpu.memory_space<semaphore_mem>>) src(%dma_wait3A_74 : memref<128x128xbf16, #tpu.memory_space<vmem_shared>>) dst(%arg11 : memref<128x128xbf16, #tpu.memory_space<vmem>>)
      tpu.yield
    }) : () -> ()
    %add3A_61 = arith.constant 384 : i32
    %add3A_62 = arith.addi %mul3A_0, %add3A_61 : i32
    "tpu.region"() ({
      %run_scoped3A = tpu.sem_alloc : memref<!tpu.dma_semaphore, #tpu.memory_space<semaphore_mem>>
      %dma_start3A_67 = arith.constant 0 : i32
      %dma_start3A_68 = tpu.memref_slice %arg6[%arg0, %add3A_62, %dma_start3A_67] : memref<2x10240x128xbf16, #tpu.memory_space<hbm>> -> memref<1x128x128xbf16, #tpu.memory_space<hbm>>
      %dma_start3A_69 = tpu.memref_squeeze %dma_start3A_68 : memref<1x128x128xbf16, #tpu.memory_space<hbm>> -> memref<128x128xbf16, #tpu.memory_space<hbm>>
      %dma_start3A_70 = arith.constant 0 : i32
      %dma_start3A_71 = tpu.memref_slice %arg6[%arg0, %add3A_62, %dma_start3A_70] : memref<2x10240x128xbf16, #tpu.memory_space<hbm>> -> memref<1x128x128xbf16, #tpu.memory_space<hbm>>
      %dma_start3A_72 = tpu.memref_squeeze %dma_start3A_71 : memref<1x128x128xbf16, #tpu.memory_space<hbm>> -> memref<128x128xbf16, #tpu.memory_space<hbm>>
      tpu.enqueue_dma source(%arg11 : memref<128x128xbf16, #tpu.memory_space<vmem>>) target(%dma_start3A_72 : memref<128x128xbf16, #tpu.memory_space<hbm>>) target_semaphore(%run_scoped3A : memref<!tpu.dma_semaphore, #tpu.memory_space<semaphore_mem>>)
      %dma_wait3A_73 = arith.constant 0 : i32
      %dma_wait3A_74 = tpu.memref_slice %arg6[%arg0, %add3A_62, %dma_wait3A_73] : memref<2x10240x128xbf16, #tpu.memory_space<hbm>> -> memref<1x128x128xbf16, #tpu.memory_space<hbm>>
      %dma_wait3A_75 = tpu.memref_squeeze %dma_wait3A_74 : memref<1x128x128xbf16, #tpu.memory_space<hbm>> -> memref<128x128xbf16, #tpu.memory_space<hbm>>
      %dma_wait3A_76 = arith.constant 0 : i32
      %dma_wait3A_77 = tpu.memref_slice %arg6[%arg0, %add3A_62, %dma_wait3A_76] : memref<2x10240x128xbf16, #tpu.memory_space<hbm>> -> memref<1x128x128xbf16, #tpu.memory_space<hbm>>
      %dma_wait3A_78 = tpu.memref_squeeze %dma_wait3A_77 : memref<1x128x128xbf16, #tpu.memory_space<hbm>> -> memref<128x128xbf16, #tpu.memory_space<hbm>>
      tpu.wait_dma2 semaphore(%run_scoped3A : memref<!tpu.dma_semaphore, #tpu.memory_space<semaphore_mem>>) src(%arg11 : memref<128x128xbf16, #tpu.memory_space<vmem>>) dst(%dma_wait3A_78 : memref<128x128xbf16, #tpu.memory_space<hbm>>)
      tpu.yield
    }) : () -> ()
    %add3A_63 = arith.constant 512 : i32
    %add3A_64 = arith.addi %mul3A_0, %add3A_63 : i32
    "tpu.region"() ({
      %run_scoped3A = tpu.sem_alloc : memref<!tpu.dma_semaphore, #tpu.memory_space<semaphore_mem>>
      %dma_start3A_67 = arith.constant 0 : i32
      %dma_start3A_68 = tpu.memref_slice %arg15[%add3A_64, %dma_start3A_67] : memref<10240x128xbf16, #tpu.memory_space<vmem_shared>> -> memref<128x128xbf16, #tpu.memory_space<vmem_shared>>
      %dma_start3A_69 = arith.constant 0 : i32
      %dma_start3A_70 = tpu.memref_slice %arg15[%add3A_64, %dma_start3A_69] : memref<10240x128xbf16, #tpu.memory_space<vmem_shared>> -> memref<128x128xbf16, #tpu.memory_space<vmem_shared>>
      tpu.enqueue_dma source(%dma_start3A_70 : memref<128x128xbf16, #tpu.memory_space<vmem_shared>>) target(%arg11 : memref<128x128xbf16, #tpu.memory_space<vmem>>) target_semaphore(%run_scoped3A : memref<!tpu.dma_semaphore, #tpu.memory_space<semaphore_mem>>)
      %dma_wait3A_71 = arith.constant 0 : i32
      %dma_wait3A_72 = tpu.memref_slice %arg15[%add3A_64, %dma_wait3A_71] : memref<10240x128xbf16, #tpu.memory_space<vmem_shared>> -> memref<128x128xbf16, #tpu.memory_space<vmem_shared>>
      %dma_wait3A_73 = arith.constant 0 : i32
      %dma_wait3A_74 = tpu.memref_slice %arg15[%add3A_64, %dma_wait3A_73] : memref<10240x128xbf16, #tpu.memory_space<vmem_shared>> -> memref<128x128xbf16, #tpu.memory_space<vmem_shared>>
      tpu.wait_dma2 semaphore(%run_scoped3A : memref<!tpu.dma_semaphore, #tpu.memory_space<semaphore_mem>>) src(%dma_wait3A_74 : memref<128x128xbf16, #tpu.memory_space<vmem_shared>>) dst(%arg11 : memref<128x128xbf16, #tpu.memory_space<vmem>>)
      tpu.yield
    }) : () -> ()
    %add3A_65 = arith.constant 512 : i32
    %add3A_66 = arith.addi %mul3A_0, %add3A_65 : i32
    "tpu.region"() ({
      %run_scoped3A = tpu.sem_alloc : memref<!tpu.dma_semaphore, #tpu.memory_space<semaphore_mem>>
      %dma_start3A_67 = arith.constant 0 : i32
      %dma_start3A_68 = tpu.memref_slice %arg6[%arg0, %add3A_66, %dma_start3A_67] : memref<2x10240x128xbf16, #tpu.memory_space<hbm>> -> memref<1x128x128xbf16, #tpu.memory_space<hbm>>
      %dma_start3A_69 = tpu.memref_squeeze %dma_start3A_68 : memref<1x128x128xbf16, #tpu.memory_space<hbm>> -> memref<128x128xbf16, #tpu.memory_space<hbm>>
      %dma_start3A_70 = arith.constant 0 : i32
      %dma_start3A_71 = tpu.memref_slice %arg6[%arg0, %add3A_66, %dma_start3A_70] : memref<2x10240x128xbf16, #tpu.memory_space<hbm>> -> memref<1x128x128xbf16, #tpu.memory_space<hbm>>
      %dma_start3A_72 = tpu.memref_squeeze %dma_start3A_71 : memref<1x128x128xbf16, #tpu.memory_space<hbm>> -> memref<128x128xbf16, #tpu.memory_space<hbm>>
      tpu.enqueue_dma source(%arg11 : memref<128x128xbf16, #tpu.memory_space<vmem>>) target(%dma_start3A_72 : memref<128x128xbf16, #tpu.memory_space<hbm>>) target_semaphore(%run_scoped3A : memref<!tpu.dma_semaphore, #tpu.memory_space<semaphore_mem>>)
      %dma_wait3A_73 = arith.constant 0 : i32
      %dma_wait3A_74 = tpu.memref_slice %arg6[%arg0, %add3A_66, %dma_wait3A_73] : memref<2x10240x128xbf16, #tpu.memory_space<hbm>> -> memref<1x128x128xbf16, #tpu.memory_space<hbm>>
      %dma_wait3A_75 = tpu.memref_squeeze %dma_wait3A_74 : memref<1x128x128xbf16, #tpu.memory_space<hbm>> -> memref<128x128xbf16, #tpu.memory_space<hbm>>
      %dma_wait3A_76 = arith.constant 0 : i32
      %dma_wait3A_77 = tpu.memref_slice %arg6[%arg0, %add3A_66, %dma_wait3A_76] : memref<2x10240x128xbf16, #tpu.memory_space<hbm>> -> memref<1x128x128xbf16, #tpu.memory_space<hbm>>
      %dma_wait3A_78 = tpu.memref_squeeze %dma_wait3A_77 : memref<1x128x128xbf16, #tpu.memory_space<hbm>> -> memref<128x128xbf16, #tpu.memory_space<hbm>>
      tpu.wait_dma2 semaphore(%run_scoped3A : memref<!tpu.dma_semaphore, #tpu.memory_space<semaphore_mem>>) src(%arg11 : memref<128x128xbf16, #tpu.memory_space<vmem>>) dst(%dma_wait3A_78 : memref<128x128xbf16, #tpu.memory_space<hbm>>)
      tpu.yield
    }) : () -> ()
    return
  }
}

module attributes {stable_mosaic.version = 14 : i64} {
  func.func @_prep_body(%arg0: memref<2x10240x128xbf16, #tpu.memory_space<vmem>>, %arg1: memref<10000x128xf32, #tpu.memory_space<vmem>>, %arg2: memref<10016x128xbf16, #tpu.memory_space<vmem>>, %arg3: memref<10240x1xf32, #tpu.memory_space<vmem>>) attributes {dimension_semantics = [], scalar_prefetch = 0 : i64, scratch_operands = 0 : i64, tpu.core_type = #tpu.core_type<tc>} {
    %get3A = arith.constant 0 : index
    %get3A_0 = arith.constant 0 : index
    %get3A_1 = arith.constant 0 : index
    %get3A_2 = vector.load %arg0[%get3A, %get3A_0, %get3A_1] : memref<2x10240x128xbf16, #tpu.memory_space<vmem>>, vector<1x10240x128xbf16>
    %get3A_3 = vector.shape_cast %get3A_2 : vector<1x10240x128xbf16> to vector<10240x128xbf16>
    %slice3A = vector.extract_strided_slice %get3A_3 {offsets = [0, 0], sizes = [10240, 1], strides = [1, 1]} : vector<10240x128xbf16> to vector<10240x1xbf16>
    %convert_element_type3A = arith.extf %slice3A : vector<10240x1xbf16> to vector<10240x1xf32>
    %get3A_4 = arith.constant 1 : index
    %get3A_5 = arith.constant 0 : index
    %get3A_6 = arith.constant 0 : index
    %get3A_7 = vector.load %arg0[%get3A_4, %get3A_5, %get3A_6] : memref<2x10240x128xbf16, #tpu.memory_space<vmem>>, vector<1x10240x128xbf16>
    %get3A_8 = vector.shape_cast %get3A_7 : vector<1x10240x128xbf16> to vector<10240x128xbf16>
    %slice3A_9 = vector.extract_strided_slice %get3A_8 {offsets = [0, 0], sizes = [10240, 1], strides = [1, 1]} : vector<10240x128xbf16> to vector<10240x1xbf16>
    %convert_element_type3A_10 = arith.extf %slice3A_9 : vector<10240x1xbf16> to vector<10240x1xf32>
    %add3A = arith.addf %convert_element_type3A, %convert_element_type3A_10 : vector<10240x1xf32>
    %add3A_11 = arith.constant 1.000000e+00 : f32
    %add3A_12 = vector.broadcast %add3A_11 : f32 to vector<10240x1xf32>
    %add3A_13 = arith.addf %add3A, %add3A_12 : vector<10240x1xf32>
    %rsqrt3A = math.rsqrt %add3A_13 : vector<10240x1xf32>
    %swap3A = arith.constant 0 : index
    %swap3A_14 = arith.constant 0 : index
    %swap3A_15 = vector.load %arg3[%swap3A, %swap3A_14] : memref<10240x1xf32, #tpu.memory_space<vmem>>, vector<10240x1xf32>
    tpu.vector_store %arg3[%swap3A, %swap3A_14], %rsqrt3A {strides = array<i32>} : memref<10240x1xf32, #tpu.memory_space<vmem>>, vector<10240x1xf32>,
    %get3A_16 = arith.constant 0 : index
    %get3A_17 = arith.constant 0 : index
    %get3A_18 = vector.load %arg1[%get3A_16, %get3A_17] : memref<10000x128xf32, #tpu.memory_space<vmem>>, vector<10000x128xf32>
    %slice3A_19 = vector.extract_strided_slice %rsqrt3A {offsets = [0, 0], sizes = [10000, 1], strides = [1, 1]} : vector<10240x1xf32> to vector<10000x1xf32>
    %mul3A = vector.broadcast %slice3A_19 : vector<10000x1xf32> to vector<10000x128xf32>
    %mul3A_20 = arith.mulf %get3A_18, %mul3A : vector<10000x128xf32>
    %convert_element_type3A_21 = arith.truncf %mul3A_20 : vector<10000x128xf32> to vector<10000x128xbf16>
    %swap3A_22 = arith.constant 0 : index
    %swap3A_23 = arith.constant 0 : index
    %swap3A_24 = vector.load %arg2[%swap3A_22, %swap3A_23] : memref<10016x128xbf16, #tpu.memory_space<vmem>>, vector<10000x128xbf16>
    tpu.vector_store %arg2[%swap3A_22, %swap3A_23], %convert_element_type3A_21 {strides = array<i32>} : memref<10016x128xbf16, #tpu.memory_space<vmem>>, vector<10000x128xbf16>,
    %broadcast_in_dim3A = arith.constant 0.000000e+00 : bf16
    %broadcast_in_dim3A_25 = vector.broadcast %broadcast_in_dim3A : bf16 to vector<16x128xbf16>
    %swap3A_26 = arith.constant 10000 : index
    %swap3A_27 = arith.constant 0 : index
    %swap3A_28 = vector.load %arg2[%swap3A_26, %swap3A_27] : memref<10016x128xbf16, #tpu.memory_space<vmem>>, vector<16x128xbf16>
    tpu.vector_store %arg2[%swap3A_26, %swap3A_27], %broadcast_in_dim3A_25 {strides = array<i32>} : memref<10016x128xbf16, #tpu.memory_space<vmem>>, vector<16x128xbf16>,
    return
  }
}

module attributes {stable_mosaic.version = 14 : i64} {
  func.func @_mid_body(%arg0: memref<2x10240x128xbf16, #tpu.memory_space<vmem>>, %arg1: memref<10016x128xbf16, #tpu.memory_space<vmem>>, %arg2: memref<10240x1xf32, #tpu.memory_space<vmem>>, %arg3: memref<128x256xf32, #tpu.memory_space<vmem>>, %arg4: memref<1x256xf32, #tpu.memory_space<vmem>>, %arg5: memref<1x256xf32, #tpu.memory_space<vmem>>, %arg6: memref<1x256xf32, #tpu.memory_space<vmem>>, %arg7: memref<256x128xf32, #tpu.memory_space<vmem>>, %arg8: memref<10016x128xbf16, #tpu.memory_space<vmem>>) attributes {dimension_semantics = [], scalar_prefetch = 0 : i64, scratch_operands = 0 : i64, tpu.core_type = #tpu.core_type<tc>} {
    %get3A = arith.constant 0 : index
    %get3A_0 = arith.constant 0 : index
    %get3A_1 = vector.load %arg2[%get3A, %get3A_0] : memref<10240x1xf32, #tpu.memory_space<vmem>>, vector<10240x1xf32>
    %slice3A = vector.extract_strided_slice %get3A_1 {offsets = [0, 0], sizes = [10000, 1], strides = [1, 1]} : vector<10240x1xf32> to vector<10000x1xf32>
    %get3A_2 = arith.constant 0 : index
    %get3A_3 = arith.constant 0 : index
    %get3A_4 = arith.constant 0 : index
    %get3A_5 = vector.load %arg0[%get3A_2, %get3A_3, %get3A_4] : memref<2x10240x128xbf16, #tpu.memory_space<vmem>>, vector<1x10240x128xbf16>
    %get3A_6 = vector.shape_cast %get3A_5 : vector<1x10240x128xbf16> to vector<10240x128xbf16>
    %slice3A_7 = vector.extract_strided_slice %get3A_6 {offsets = [0, 0], sizes = [10000, 128], strides = [1, 1]} : vector<10240x128xbf16> to vector<10000x128xbf16>
    %convert_element_type3A = arith.extf %slice3A_7 : vector<10000x128xbf16> to vector<10000x128xf32>
    %get3A_8 = arith.constant 1 : index
    %get3A_9 = arith.constant 0 : index
    %get3A_10 = arith.constant 0 : index
    %get3A_11 = vector.load %arg0[%get3A_8, %get3A_9, %get3A_10] : memref<2x10240x128xbf16, #tpu.memory_space<vmem>>, vector<1x10240x128xbf16>
    %get3A_12 = vector.shape_cast %get3A_11 : vector<1x10240x128xbf16> to vector<10240x128xbf16>
    %slice3A_13 = vector.extract_strided_slice %get3A_12 {offsets = [0, 0], sizes = [10000, 128], strides = [1, 1]} : vector<10240x128xbf16> to vector<10000x128xbf16>
    %convert_element_type3A_14 = arith.extf %slice3A_13 : vector<10000x128xbf16> to vector<10000x128xf32>
    %add3A = arith.addf %convert_element_type3A, %convert_element_type3A_14 : vector<10000x128xf32>
    %get3A_15 = arith.constant 0 : index
    %get3A_16 = arith.constant 0 : index
    %get3A_17 = vector.load %arg1[%get3A_15, %get3A_16] : memref<10016x128xbf16, #tpu.memory_space<vmem>>, vector<10016x128xbf16>
    %slice3A_18 = vector.extract_strided_slice %get3A_17 {offsets = [0, 0], sizes = [10000, 128], strides = [1, 1]} : vector<10016x128xbf16> to vector<10000x128xbf16>
    %convert_element_type3A_19 = arith.extf %slice3A_18 : vector<10000x128xbf16> to vector<10000x128xf32>
    %add3A_20 = arith.addf %add3A, %convert_element_type3A_19 : vector<10000x128xf32>
    %mul3A = vector.broadcast %slice3A : vector<10000x1xf32> to vector<10000x128xf32>
    %mul3A_21 = arith.mulf %add3A_20, %mul3A : vector<10000x128xf32>
    %get3A_22 = arith.constant 0 : index
    %get3A_23 = arith.constant 0 : index
    %get3A_24 = vector.load %arg3[%get3A_22, %get3A_23] : memref<128x256xf32, #tpu.memory_space<vmem>>, vector<128x256xf32>
    %dot_general3A = arith.constant dense<0.000000e+00> : vector<10000x256xf32>
    %dot_general3A_25 = tpu.matmul %mul3A_21, %get3A_24, %dot_general3A {dimension_numbers = #tpu.dot_dimension_numbers<[1], [0], [0], [1], [0, 0, 1, 1], [], []>, precision = #tpu.contract_precision<fp32>, transpose_lhs_hint = false} : vector<10000x128xf32>, vector<128x256xf32>, vector<10000x256xf32> -> vector<10000x256xf32>
    %get3A_26 = arith.constant 0 : index
    %get3A_27 = arith.constant 0 : index
    %get3A_28 = vector.load %arg4[%get3A_26, %get3A_27] : memref<1x256xf32, #tpu.memory_space<vmem>>, vector<1x256xf32>
    %add3A_29 = vector.broadcast %get3A_28 : vector<1x256xf32> to vector<10000x256xf32>
    %add3A_30 = arith.addf %dot_general3A_25, %add3A_29 : vector<10000x256xf32>
    %reduce_sum3A = arith.constant dense<0.000000e+00> : vector<256xf32>
    %reduce_sum3A_31 = vector.multi_reduction <add>, %add3A_30, %reduce_sum3A [0] : vector<10000x256xf32> to vector<256xf32>
    %broadcast_in_dim3A = vector.shape_cast %reduce_sum3A_31 : vector<256xf32> to vector<1x256xf32>
    %div3A = arith.constant 1.000000e+04 : f32
    %div3A_32 = vector.broadcast %div3A : f32 to vector<1x256xf32>
    %div3A_33 = arith.divf %broadcast_in_dim3A, %div3A_32 : vector<1x256xf32>
    %sub3A = vector.broadcast %div3A_33 : vector<1x256xf32> to vector<10000x256xf32>
    %sub3A_34 = arith.subf %add3A_30, %sub3A : vector<10000x256xf32>
    %mul3A_35 = arith.mulf %sub3A_34, %sub3A_34 : vector<10000x256xf32>
    %reduce_sum3A_36 = arith.constant dense<0.000000e+00> : vector<256xf32>
    %reduce_sum3A_37 = vector.multi_reduction <add>, %mul3A_35, %reduce_sum3A_36 [0] : vector<10000x256xf32> to vector<256xf32>
    %broadcast_in_dim3A_38 = vector.shape_cast %reduce_sum3A_37 : vector<256xf32> to vector<1x256xf32>
    %div3A_39 = arith.constant 1.000000e+04 : f32
    %div3A_40 = vector.broadcast %div3A_39 : f32 to vector<1x256xf32>
    %div3A_41 = arith.divf %broadcast_in_dim3A_38, %div3A_40 : vector<1x256xf32>
    %add3A_42 = arith.constant 9.99999974E-6 : f32
    %add3A_43 = vector.broadcast %add3A_42 : f32 to vector<1x256xf32>
    %add3A_44 = arith.addf %div3A_41, %add3A_43 : vector<1x256xf32>
    %rsqrt3A = math.rsqrt %add3A_44 : vector<1x256xf32>
    %mul3A_45 = vector.broadcast %rsqrt3A : vector<1x256xf32> to vector<10000x256xf32>
    %mul3A_46 = arith.mulf %sub3A_34, %mul3A_45 : vector<10000x256xf32>
    %get3A_47 = arith.constant 0 : index
    %get3A_48 = arith.constant 0 : index
    %get3A_49 = vector.load %arg5[%get3A_47, %get3A_48] : memref<1x256xf32, #tpu.memory_space<vmem>>, vector<1x256xf32>
    %mul3A_50 = vector.broadcast %get3A_49 : vector<1x256xf32> to vector<10000x256xf32>
    %mul3A_51 = arith.mulf %mul3A_46, %mul3A_50 : vector<10000x256xf32>
    %get3A_52 = arith.constant 0 : index
    %get3A_53 = arith.constant 0 : index
    %get3A_54 = vector.load %arg6[%get3A_52, %get3A_53] : memref<1x256xf32, #tpu.memory_space<vmem>>, vector<1x256xf32>
    %add3A_55 = vector.broadcast %get3A_54 : vector<1x256xf32> to vector<10000x256xf32>
    %add3A_56 = arith.addf %mul3A_51, %add3A_55 : vector<10000x256xf32>
    %max3A = arith.constant 0.000000e+00 : f32
    %max3A_57 = vector.broadcast %max3A : f32 to vector<10000x256xf32>
    %max3A_58 = arith.maximumf %add3A_56, %max3A_57 : vector<10000x256xf32>
    %get3A_59 = arith.constant 0 : index
    %get3A_60 = arith.constant 0 : index
    %get3A_61 = vector.load %arg7[%get3A_59, %get3A_60] : memref<256x128xf32, #tpu.memory_space<vmem>>, vector<256x128xf32>
    %dot_general3A_62 = arith.constant dense<0.000000e+00> : vector<10000x128xf32>
    %dot_general3A_63 = tpu.matmul %max3A_58, %get3A_61, %dot_general3A_62 {dimension_numbers = #tpu.dot_dimension_numbers<[1], [0], [0], [1], [0, 0, 1, 1], [], []>, precision = #tpu.contract_precision<fp32>, transpose_lhs_hint = false} : vector<10000x256xf32>, vector<256x128xf32>, vector<10000x128xf32> -> vector<10000x128xf32>
    %mul3A_64 = vector.broadcast %slice3A : vector<10000x1xf32> to vector<10000x128xf32>
    %mul3A_65 = arith.mulf %dot_general3A_63, %mul3A_64 : vector<10000x128xf32>
    %convert_element_type3A_66 = arith.truncf %mul3A_65 : vector<10000x128xf32> to vector<10000x128xbf16>
    %swap3A = arith.constant 0 : index
    %swap3A_67 = arith.constant 0 : index
    %swap3A_68 = vector.load %arg8[%swap3A, %swap3A_67] : memref<10016x128xbf16, #tpu.memory_space<vmem>>, vector<10000x128xbf16>
    tpu.vector_store %arg8[%swap3A, %swap3A_67], %convert_element_type3A_66 {strides = array<i32>} : memref<10016x128xbf16, #tpu.memory_space<vmem>>, vector<10000x128xbf16>,
    %broadcast_in_dim3A_69 = arith.constant 0.000000e+00 : bf16
    %broadcast_in_dim3A_70 = vector.broadcast %broadcast_in_dim3A_69 : bf16 to vector<16x128xbf16>
    %swap3A_71 = arith.constant 10000 : index
    %swap3A_72 = arith.constant 0 : index
    %swap3A_73 = vector.load %arg8[%swap3A_71, %swap3A_72] : memref<10016x128xbf16, #tpu.memory_space<vmem>>, vector<16x128xbf16>
    tpu.vector_store %arg8[%swap3A_71, %swap3A_72], %broadcast_in_dim3A_70 {strides = array<i32>} : memref<10016x128xbf16, #tpu.memory_space<vmem>>, vector<16x128xbf16>,
    return
  }
}

module attributes {stable_mosaic.version = 14 : i64} {
  func.func @_fin_body(%arg0: memref<2x10240x128xbf16, #tpu.memory_space<vmem>>, %arg1: memref<10016x128xbf16, #tpu.memory_space<vmem>>, %arg2: memref<10240x1xf32, #tpu.memory_space<vmem>>, %arg3: memref<1x128xf32, #tpu.memory_space<vmem>>, %arg4: memref<10000x128xf32, #tpu.memory_space<vmem>>) attributes {dimension_semantics = [], scalar_prefetch = 0 : i64, scratch_operands = 0 : i64, tpu.core_type = #tpu.core_type<tc>} {
    %get3A = arith.constant 0 : index
    %get3A_0 = arith.constant 0 : index
    %get3A_1 = arith.constant 0 : index
    %get3A_2 = vector.load %arg0[%get3A, %get3A_0, %get3A_1] : memref<2x10240x128xbf16, #tpu.memory_space<vmem>>, vector<1x10240x128xbf16>
    %get3A_3 = vector.shape_cast %get3A_2 : vector<1x10240x128xbf16> to vector<10240x128xbf16>
    %slice3A = vector.extract_strided_slice %get3A_3 {offsets = [0, 0], sizes = [10000, 128], strides = [1, 1]} : vector<10240x128xbf16> to vector<10000x128xbf16>
    %convert_element_type3A = arith.extf %slice3A : vector<10000x128xbf16> to vector<10000x128xf32>
    %get3A_4 = arith.constant 1 : index
    %get3A_5 = arith.constant 0 : index
    %get3A_6 = arith.constant 0 : index
    %get3A_7 = vector.load %arg0[%get3A_4, %get3A_5, %get3A_6] : memref<2x10240x128xbf16, #tpu.memory_space<vmem>>, vector<1x10240x128xbf16>
    %get3A_8 = vector.shape_cast %get3A_7 : vector<1x10240x128xbf16> to vector<10240x128xbf16>
    %slice3A_9 = vector.extract_strided_slice %get3A_8 {offsets = [0, 0], sizes = [10000, 128], strides = [1, 1]} : vector<10240x128xbf16> to vector<10000x128xbf16>
    %convert_element_type3A_10 = arith.extf %slice3A_9 : vector<10000x128xbf16> to vector<10000x128xf32>
    %add3A = arith.addf %convert_element_type3A, %convert_element_type3A_10 : vector<10000x128xf32>
    %get3A_11 = arith.constant 0 : index
    %get3A_12 = arith.constant 0 : index
    %get3A_13 = vector.load %arg1[%get3A_11, %get3A_12] : memref<10016x128xbf16, #tpu.memory_space<vmem>>, vector<10016x128xbf16>
    %slice3A_14 = vector.extract_strided_slice %get3A_13 {offsets = [0, 0], sizes = [10000, 128], strides = [1, 1]} : vector<10016x128xbf16> to vector<10000x128xbf16>
    %convert_element_type3A_15 = arith.extf %slice3A_14 : vector<10000x128xbf16> to vector<10000x128xf32>
    %add3A_16 = arith.addf %add3A, %convert_element_type3A_15 : vector<10000x128xf32>
    %get3A_17 = arith.constant 0 : index
    %get3A_18 = arith.constant 0 : index
    %get3A_19 = vector.load %arg2[%get3A_17, %get3A_18] : memref<10240x1xf32, #tpu.memory_space<vmem>>, vector<10240x1xf32>
    %slice3A_20 = vector.extract_strided_slice %get3A_19 {offsets = [0, 0], sizes = [10000, 1], strides = [1, 1]} : vector<10240x1xf32> to vector<10000x1xf32>
    %mul3A = vector.broadcast %slice3A_20 : vector<10000x1xf32> to vector<10000x128xf32>
    %mul3A_21 = arith.mulf %add3A_16, %mul3A : vector<10000x128xf32>
    %get3A_22 = arith.constant 0 : index
    %get3A_23 = arith.constant 0 : index
    %get3A_24 = vector.load %arg3[%get3A_22, %get3A_23] : memref<1x128xf32, #tpu.memory_space<vmem>>, vector<1x128xf32>
    %add3A_25 = vector.broadcast %get3A_24 : vector<1x128xf32> to vector<10000x128xf32>
    %add3A_26 = arith.addf %mul3A_21, %add3A_25 : vector<10000x128xf32>
    %swap3A = arith.constant 0 : index
    %swap3A_27 = arith.constant 0 : index
    %swap3A_28 = vector.load %arg4[%swap3A, %swap3A_27] : memref<10000x128xf32, #tpu.memory_space<vmem>>, vector<10000x128xf32>
    tpu.vector_store %arg4[%swap3A, %swap3A_27], %add3A_26 {strides = array<i32>} : memref<10000x128xf32, #tpu.memory_space<vmem>>, vector<10000x128xf32>,
    return
  }
}

</mosaic_0001>

<sc_bundles>
// kernel: kernel.11.cloned.1.call-start
scs
__scs_entry_jumppad:
0x0: {  	(pc) =	sbr.rel $0x88, $3  }
0x1: {  	(tag) =	ssettag $0x0;
	lr =	simm.s32 $0x1  }
0x2: {  	[smem:$0x3F99] =	sst lr;
	_ =	strace $0xD0000000  }
0x3: {  	_ = 	snop  }
0x4: {  	_ = 	snop  }
0x5: {  	_ = 	snop  }
0x6: {  	_ = 	snop  }
0x7: {  	_ = 	snop  }
__scs_overlays_trampoline_lowered:
0x8: {  	[smem:$0x3FA8] =	sst s0  }
0x9: {  	[smem:$0x3FA9] =	sst s1  }
0xa: {  	[smem:$0x3FAA] =	sst s2  }
0xb: {  	[smem:$0x3FAB] =	sst s3  }
0xc: {  	[smem:$0x3FAC] =	sst s4  }
0xd: {  	[smem:$0x3FAD] =	sst s5  }
0xe: {  	[smem:$0x3FAE] =	sst s6  }
0xf: {  	[smem:$0x3FAF] =	sst s7  }
0x10: {  	[smem:$0x3FB0] =	sst s8  }
0x11: {  	[smem:$0x3FB1] =	sst s9;
	s0 =	simm.s32 @!p0 $0x0  }
0x12: {  	s1 =	sld [smem:$0x3F97];
	s0 =	simm.s32 @p0 $0x1  }
0x13: {  	[smem:$0x3FB2] =	sst s0;
	s0 =	simm.s32 @!p1 $0x0  }
0x14: {  	s2 =	sld [smem:$0x3F96];
	s0 =	simm.s32 @p1 $0x1  }
0x15: {  	[smem:$0x3FB3] =	sst s0;
	s0 =	simm.s32 @!p2 $0x0  }
0x16: {  	s3 =	sld [smem:$0x3FDB];
	s0 =	simm.s32 @p2 $0x1  }
0x17: {  	s4 =	simm.s32 $0x1BF5;
	[smem:$0x3FB5] =	sst s0  }
0x18: {  	s0 =	sld [smem:$0x3F98];
	_ =	swait.ge [sflag:s4], $0x0  }
0x19: {  	s7 =	sld [smem:$0x3F99]  }
0x1a: {  	s8 =	sadd.s32 $0xFFFFE003, lr  }
0x1b: {  	s9 =	sadd.s32 $0xFFFFFEF7, lr;
	s5 =	simm.s32 $0xFFFFFFFF;
	p2 =	slt.u32 s8, $0xFFFFF086  }
0x1c: {  	p1 =	slt.u32 s9, $0xF7A;
	s5 =	simm.s32 @!p2 $0x0  }
0x1d: {  	s5 =	simm.s32 @p1 $0x1;
	p0 =	seq.s32 s7, s2  }
0x1e: {  	s7 =	smul.u32 @!p0 $0xF7A, s2;
	p2 =	seq.s32 @!p0 s5, $0x0  }
0x1f: {  	s9 =	smul.u32 $0xF7A, s1;
	s8 =	simm.s32 @!p0 $0x1BF5;
	p2 =	por !p2, p0  }
0x20: {  	[sflag:s8] =	ssyncset.s32 @!p0 $0xFFFFF086;
	s6 =	sadd.s32 @!p0 s3, s7;
	s7 =	simm.s32 @!p0 $0x108  }
0x21: {  	s3 =	sadd.s32 s3, s9;
	s6 =	sadd.s32 @!p0 $0x88, s6;
	s7 =	simm.s32 @p2 $0x1082  }
0x22: {  	[simem:s7], [sflag:s8] =	dma.local @!p0 [hbm:s6], $0xF7A  }
0x23: {  	s9 =	sor.u32 $0xD0000000, s2;
	s6 =	simm.s32 $0x108;
	_ =	swait.ge @!p0 [sflag:s8], $0x0  }
0x24: {  	s3 =	sadd.s32 $0x88, s3;
	s6 =	simm.s32 @!p1 $0x1082;
	[sflag:s4] =	ssyncset.s32 $0xFFFFF086  }
0x25: {  	[simem:s6], [sflag:s4] =	dma.local [hbm:s3], $0xF7A  }
0x26: {  	[smem:$0x3F99] =	sst s1;
	(tag) =	ssettag s2;
	_ =	strace s9  }
0x27: {  	s1 =	sld [smem:$0x3FA9]  }
0x28: {  	s2 =	sld [smem:$0x3FAA]  }
0x29: {  	s4 =	sld [smem:$0x3FAC]  }
0x2a: {  	p0 =	seq.s32 s5, $0x0;
	s5 =	sld [smem:$0x3FAD]  }
0x2b: {  	s6 =	sld [smem:$0x3FAE]  }
0x2c: {  	s7 =	sld [smem:$0x3FAF]  }
0x2d: {  	s3 =	simm.s32 $0x108;
	s8 =	sld [smem:$0x3FB0]  }
0x2e: {  	s3 =	simm.s32 @!p0 $0x1082;
	s9 =	sld [smem:$0x3FB1]  }
0x2f: {  	lr =	sadd.s32 s0, s3;
	s0 =	sld [smem:$0x3FA8]  }
0x30: {  	s3 =	sld [smem:$0x3FAB]  }
0x31: {  	[smem:$0x3FB4] =	sst s10  }
0x32: {  	s10 =	sld [smem:$0x3FB2];
	_ =	sdelay $0x3  }
0x33: {  	p0 =	seq.s32 s10, $0x1;
	s10 =	sld [smem:$0x3FB4];
	_ =	sdelay $0x3  }
0x34: {  	[smem:$0x3FB4] =	sst s10  }
0x35: {  	s10 =	sld [smem:$0x3FB3];
	_ =	sdelay $0x3  }
0x36: {  	p1 =	seq.s32 s10, $0x1;
	s10 =	sld [smem:$0x3FB4];
	_ =	sdelay $0x3  }
0x37: {  	[smem:$0x3FB4] =	sst s10  }
0x38: {  	s10 =	sld [smem:$0x3FB5]  }
0x39: {  	_ = 	snop;
	(pc) =	sbr.ind lr, $3  }
0x3a: {  	_ = 	snop  }
0x3b: {  	_ = 	snop  }
0x3c: {  	p2 =	seq.s32 s10, $0x1;
	s10 =	sld [smem:$0x3FB4]  }
0x3d: {  	_ =	shalt  }
0x3e: {  	_ =	shalt  }
0x3f: {  	_ =	shalt  }
0x40: {  	_ =	shalt  }
0x41: {  	_ =	shalt  }
0x42: {  	_ =	shalt  }
0x43: {  	_ =	shalt  }
0x44: {  	_ =	shalt  }
0x45: {  	_ =	shalt  }
0x46: {  	_ =	shalt  }
0x47: {  	_ =	shalt  }
0x48: {  	_ =	shalt  }
0x49: {  	_ =	shalt  }
0x4a: {  	_ =	shalt  }
0x4b: {  	_ =	shalt  }
0x4c: {  	_ =	shalt  }
0x4d: {  	_ =	shalt  }
0x4e: {  	_ =	shalt  }
0x4f: {  	_ =	shalt  }
0x50: {  	_ =	shalt  }
0x51: {  	_ =	shalt  }
0x52: {  	_ =	shalt  }
0x53: {  	_ =	shalt  }
0x54: {  	_ =	shalt  }
0x55: {  	_ =	shalt  }
0x56: {  	_ =	shalt  }
0x57: {  	_ =	shalt  }
0x58: {  	_ =	shalt  }
0x59: {  	_ =	shalt  }
0x5a: {  	_ =	shalt  }
0x5b: {  	_ =	shalt  }
0x5c: {  	_ =	shalt  }
0x5d: {  	_ =	shalt  }
0x5e: {  	_ =	shalt  }
0x5f: {  	_ =	shalt  }
0x60: {  	_ =	shalt  }
0x61: {  	_ =	shalt  }
0x62: {  	_ =	shalt  }
0x63: {  	_ =	shalt  }
0x64: {  	_ =	shalt  }
0x65: {  	_ =	shalt  }
0x66: {  	_ =	shalt  }
0x67: {  	_ =	shalt  }
0x68: {  	_ =	shalt  }
0x69: {  	_ =	shalt  }
0x6a: {  	_ =	shalt  }
0x6b: {  	_ =	shalt  }
0x6c: {  	_ =	shalt  }
0x6d: {  	_ =	shalt  }
0x6e: {  	_ =	shalt  }
0x6f: {  	_ =	shalt  }
0x70: {  	_ =	shalt  }
0x71: {  	_ =	shalt  }
0x72: {  	_ =	shalt  }
0x73: {  	_ =	shalt  }
0x74: {  	_ =	shalt  }
0x75: {  	_ =	shalt  }
0x76: {  	_ =	shalt  }
0x77: {  	_ =	shalt  }
0x78: {  	_ =	shalt  }
0x79: {  	_ =	shalt  }
0x7a: {  	_ =	shalt  }
0x7b: {  	_ =	shalt  }
0x7c: {  	_ =	shalt  }
0x7d: {  	_ =	shalt  }
0x7e: {  	_ =	shalt  }
0x7f: {  	_ =	shalt  }
0x80: {  	_ =	shalt  }
0x81: {  	_ =	shalt  }
0x82: {  	_ =	shalt  }
0x83: {  	_ =	shalt  }
0x84: {  	_ =	shalt  }
0x85: {  	_ =	shalt  }
0x86: {  	_ =	shalt  }
0x87: {  	_ =	shalt  }
.Lfunc_end0:
.L_simem_size_0:
called_computation.1_lowered:
.L_overlay_start_0:
0x88: {  	s2 =	sld [smem:$0x3FD9]  }
0x89: {  	s3 =	sld [smem:$0x3FFE];
	_ =	sdelay $0x1  }
0x8a: {  	s1 =	srdreg.scid  }
0x8b: {  	s0 =	sand.u32 $0x1, s1  }
0x8c: {  	s17 =	sshll.u32 s0, $0xA;
	s2 =	sadd.s32 s3, s2  }
0x8d: {  	s2 =	sadd.s32 s2, s17  }
0x8e: {  	[smem:$0x3FC0] =	sst s2  }
0x8f: {  	_ = 	snop  }
0x90: {  	s2 =	sld [smem:$0x3FD0];
	(tm) =	ssettm $0x1  }
0x91: {  	s18 =	sld [smem:$0x3FFB];
	_ =	sdelay $0x3  }
0x92: {  	_ =	strace s18  }
0x93: {  	s3 =	sld [smem:$0x3FFC];
	_ =	sdelay $0x3  }
0x94: {  	_ =	strace s3  }
0x95: {  	s3 =	sld [smem:$0x3FFD];
	_ =	sdelay $0x3  }
0x96: {  	_ =	strace s3  }
0x97: {  	_ =	strace $0x8FFFFFFF  }
0x98: {  	s19 =	sld [smem:$0x3FDB];
	_ =	sdelay $0x1  }
0x99: {  	s4 =	simm.s32 $_scs_section_size  }
0x9a: {  	s5 =	simm.s32 $_size__tile_overlayer_lowered;
	s6 =	simm.s32 $_tile_overlayer_lowered  }
0x9b: {  	s22 =	simm.s32 $0x1BFF;
	s21 =	sshll.u32 s6, $0x1;
	s3 =	sadd.s32 s4, s19  }
0x9c: {  	s7 =	simm.s32 $0x0;
	s20 =	sshll.u32 s5, $0x1;
	s5 =	sadd.s32 s21, s3  }
0x9d: {  	[timem:s7], [sflag:s22] =	dma.local [hbm:s5], s20  }
0x9e: {  	_ =	swait.ge [sflag:s22], s20  }
0x9f: {  	s4 =	ssub.s32 $0x0, s20;
	[sflag:s22] =	ssyncset.done $0x0  }
0xa0: {  	[sflag:s22] =	ssyncadd.s32 s4;
	_ =	sdelay $0x1  }
0xa1: {  	s23 =	simm.s32 $0x1B8B  }
0xa2: {  	_ =	swait.ge [sflag:s23], $0x1  }
0xa3: {  	[sflag:s23] =	ssyncset.done $0x0  }
0xa4: {  	s25 =	simm.s32 $0x1B8E;
	s24 =	sld [smem:$0x3FFE];
	[sflag:s23] =	ssyncadd.s32 $0xFFFFFFFF  }
0xa5: {  	s26 =	simm.s32 $execute0_lowered;
	[smem:$0x3FD2] =	sst s25  }
0xa6: {  	s5 =	sshll.u32 s26, $0x1;
	_ =	strace $0x80000049;
	[dreg:$0x1] =	wrdreg $0xFFFFFFFF  }
0xa7: {  	s28 =	simm.s32 $_size_execute0_lowered;
	s3 =	sadd.s32 s3, s5;
	[dreg:$0x0] =	wrdreg $0x0  }
0xa8: {  	s5 =	sshll.u32 s28, $0x1;
	[dreg:$0x2] =	wrdreg s3  }
0xa9: {  	[dreg:$0x3] =	wrdreg s5  }
0xaa: {  	[dreg:$0x4] =	wrdreg $0xC0  }
0xab: {  	_ =	task [dreg:s7], $0x5FFFF  }
0xac: {  	[dreg:$0x1] =	wrdreg $0xFFFFFFFF  }
0xad: {  	[dreg:$0x0] =	wrdreg $0x60  }
0xae: {  	[dreg:$0x2] =	wrdreg s2  }
0xaf: {  	[dreg:$0x3] =	wrdreg s24  }
0xb0: {  	[dreg:$0x4] =	wrdreg $0x42000  }
0xb1: {  	[dreg:$0x5] =	wrdreg $0x9  }
0xb2: {  	_ =	task.clear_ibuf [dreg:s7], $0x6FFFF;
	_ =	strace $0x90000049  }
0xb3: {  	s29 =	simm.s32 $0x9;
	_ =	strace $0x8000004B  }
0xb4: {  	_ =	swait.ge [sflag:s29], $0x1  }
0xb5: {  	[sflag:s29] =	ssyncadd.s32 $0xFFFFFFFF  }
0xb6: {  	_ =	strace $0x9000004B  }
0xb7: {  	_ =	sfence  }
0xb8: {  	s30 =	sld [smem:$0x0];
	_ =	sdelay $0x2  }
0xb9: {  	s31 =	sshll.u32 s1, $0xD;
	s1 =	sshrl.u32 s1, $0x2  }
0xba: {  	s3 =	sand.u32 $0x4000, s31;
	s1 =	sadd.s32 s1, s30  }
0xbb: {  	s0 =	sor.u32 s3, s0;
	s1 =	sshll.u32 s1, $0x11  }
0xbc: {  	s0 =	sor.u32 s1, s0  }
0xbd: {  	s0 =	sadd.s32 $0x8F2B, s0  }
0xbe: {  	[sflag:s0] =	ssyncadd.remote.s32 $0x1  }
0xbf: {  	_ =	sfence.sel $0xFFFF  }
0xc0: {  	[dreg:$0x0] =	wrdreg $0xFFFFFFFF;
	(pc) =	sbr.abs _section_cstart, $3  }
0xc1: {  	[dreg:$0x1] =	wrdreg $0xFFFFFFFF  }
0xc2: {  	_ =	task.clear_ibuf [dreg:s7], $0x2FFFF;
	_ =	strace $0x9FFFFFFF  }
0xc3: {  	(tm) =	ssettm $0x7FFFFFFF  }
tec
execute0_lowered:
.L_overlay_start_1:
0x0: {  	(tag) =	ssettag $0x1  }
0x1: {  	s1 =	rddreg [dreg:$0x0]  }
0x2: {  	s0 =	rddreg [dreg:$0x1]  }
0x3: {  	s2 =	rddreg [dreg:$0x2]  }
0x4: {  	s3 =	simm.s32 $0x0;
	s5 =	srdreg.scid;
	s12 =	stileid.u32  }
0x5: {  	s15 =	simm.s32 $0x6C;
	s28 =	simm.s32 $0x200;
	s29 =	simm.s32 $0x3  }
0x6: {  	s30 =	simm.s32 $0x80;
	s31 =	simm.s32 $0x100;
	[smem:$0x7FF] =	sst s3  }
0x7: {  	s4 =	sadd.s32 $0xBE00, s0;
	s5 =	sand.u32 $0x1, s5;
	s6 =	sadd.s32 $0x1E00, s0  }
0x8: {  	s7 =	sadd.s32 $0x1A00, s0;
	s0 =	sadd.s32 $0x15E00, s0;
	s16 =	smul.u32 $0x14000, s12  }
0x9: {  	s12 =	smul.u32 $0x5000, s12;
	_ =	strace $0x8000004A;
	[dreg:$0x4] =	wrdreg s7  }
0xa: {  	s23 =	ssub.s32 $0x2, s5;
	p0 =	seq.s32 s5, $0x0;
	s5 =	smul.u32 $0x140000, s5  }
0xb: {  	s8 =	sshrl.u32 s23, $0x1;
	s15 =	simm.s32 @!p0 $0x0;
	s9 =	sshrl.u32 s16, $0x1  }
0xc: {  	s17 =	sadd.s32 $0x4000, s16;
	s18 =	sadd.s32 $0x8000, s16;
	s19 =	sadd.s32 $0xC000, s16  }
0xd: {  	s20 =	sadd.s32 $0x10000, s16;
	s7 =	ssub.s32 s23, s8;
	s8 =	simm.s32 $0x1A  }
0xe: {  	s9 =	sadd.s32 s9, s2;
	s10 =	sshrl.u32 s17, $0x1;
	s11 =	sshrl.u32 s18, $0x1  }
0xf: {  	s13 =	sshrl.u32 s19, $0x1;
	s14 =	sshll.u32 s15, $0x7;
	s21 =	sshrl.u32 s20, $0x1  }
0x10: {  	s16 =	sadd.s32 s16, s5;
	s17 =	sadd.s32 s5, s17;
	s18 =	sadd.s32 s5, s18  }
0x11: {  	s19 =	sadd.s32 s5, s19;
	s5 =	sadd.s32 s5, s20;
	s8 =	simm.s32 @!p0 $0x36  }
0x12: {  	s10 =	sadd.s32 s10, s2;
	s11 =	sadd.s32 s11, s2;
	s13 =	sadd.s32 s13, s2  }
0x13: {  	s23 =	sadd.s32 s12, s14;
	s14 =	sadd.s32 s21, s2;
	s16 =	sshrl.u32 s16, $0x4  }
0x14: {  	s20 =	sshrl.u32 s17, $0x4;
	s24 =	sshrl.u32 s23, $0x3;
	s16 =	sadd.s32 s0, s16  }
0x15: {  	s21 =	sshrl.u32 s18, $0x4;
	s25 =	sadd.s32 s4, s24;
	[dreg:$0x7] =	wrdreg s16  }
0x16: {  	s22 =	sshrl.u32 s19, $0x4;
	s26 =	sadd.s32 s6, s24;
	[dreg:$0x5] =	wrdreg s25  }
0x17: {  	s5 =	sshrl.u32 s5, $0x4;
	s16 =	sadd.s32 s0, s20;
	[dreg:$0x6] =	wrdreg s26  }
0x18: {  	s24 =	sadd.s32 s0, s22;
	[dreg:$0x8] =	wrdreg s16;
	s16 =	sadd.s32 s0, s21  }
0x19: {  	[dreg:$0xa] =	wrdreg s24;
	s0 =	sadd.s32 s0, s5;
	s21 =	simm.s32 $0x9F  }
0x1a: {  	s25 =	sor.u32 $0x80, s23;
	s26 =	smax.u32 s7, $0x1;
	[dreg:$0x9] =	wrdreg s16  }
0x1b: {  	s5 =	simm.s32 $0x2200;
	s7 =	simm.s32 $0x1;
	[dreg:$0xb] =	wrdreg s0  }
0x1c: {  	s21 =	simm.s32 @!p0 $0x6B;
	[dreg:$0xc] =	wrdreg s26;
	s0 =	sshrl.u32 s25, $0x3  }
0x1d: {  	s26 =	sor.u32 $0x2, s15;
	s15 =	simm.s32 $0x2;
	s16 =	simm.s32 $0x0  }
0x1e: {  	s19 =	sadd.s32 s0, s6;
	s20 =	sadd.s32 s0, s4;
	s0 =	simm.s32 $0x180  }
.LBB2_1:
0x1f: {  	s17 =	rddreg [dreg:$0x4]  }
0x20: {  	[tilespmem:s28], [sflag:$0x3] =	stream.linear.gather [hbm4b:s17+s3], $0x2000, $0x38;
	[tilespmem:$0xE200] =	vst v63  }
0x21: {  	_ =	swait.ge [sflag:s29], $0x2000  }
0x22: {  	[sflag:s29] =	ssyncset.done $0x0  }
0x23: {  	[sflag:s29] =	ssyncadd.s32 $0xFFFFE000  }
0x24: {  	[spmem:s9] =	stream.linear.scatter [tilespmem:s28], [sflag:$0x3], $0x2000, $0x38;
	[tilespmem:$0xE200] =	vst v63  }
0x25: {  	_ =	swait.ge [sflag:s29], $0x2000  }
0x26: {  	[sflag:s29] =	ssyncset.done $0x0  }
0x27: {  	[sflag:s29] =	ssyncadd.s32 $0xFFFFE000  }
0x28: {  	[spmem:s10] =	stream.linear.scatter [tilespmem:s28], [sflag:$0x3], $0x2000, $0x38;
	[tilespmem:$0xE200] =	vst v63  }
0x29: {  	_ =	swait.ge [sflag:s29], $0x2000  }
0x2a: {  	[sflag:s29] =	ssyncset.done $0x0  }
0x2b: {  	[sflag:s29] =	ssyncadd.s32 $0xFFFFE000  }
0x2c: {  	[spmem:s11] =	stream.linear.scatter [tilespmem:s28], [sflag:$0x3], $0x2000, $0x38;
	[tilespmem:$0xE200] =	vst v63  }
0x2d: {  	_ =	swait.ge [sflag:s29], $0x2000  }
0x2e: {  	[sflag:s29] =	ssyncset.done $0x0  }
0x2f: {  	[sflag:s29] =	ssyncadd.s32 $0xFFFFE000  }
0x30: {  	[spmem:s13] =	stream.linear.scatter [tilespmem:s28], [sflag:$0x3], $0x2000, $0x38;
	[tilespmem:$0xE200] =	vst v63  }
0x31: {  	_ =	swait.ge [sflag:s29], $0x2000  }
0x32: {  	[sflag:s29] =	ssyncset.done $0x0  }
0x33: {  	[sflag:s29] =	ssyncadd.s32 $0xFFFFE000  }
0x34: {  	[spmem:s14] =	stream.linear.scatter [tilespmem:s28], [sflag:$0x3], $0x2000, $0x38;
	[tilespmem:$0xE200] =	vst v63  }
0x35: {  	_ =	swait.ge [sflag:s29], $0x2000  }
0x36: {  	[sflag:s29] =	ssyncset.done $0x0  }
0x37: {  	[sflag:s29] =	ssyncadd.s32 $0xFFFFE000  }
0x38: {  	[bflag:$0x0] =	sbarrier.arrive $0xFFFF  }
0x39: {  	s24 =	rddreg [dreg:$0x5]  }
0x3a: {  	[tilespmem:s3], [sflag:$0x3] =	stream.linear.gather [hbm4b:s24+s3], $0x80, $0x38;
	[tilespmem:$0xE200] =	vst v63  }
0x3b: {  	_ =	swait.ge [sflag:s29], $0x80  }
0x3c: {  	[sflag:s29] =	ssyncset.done $0x0  }
0x3d: {  	s25 =	rddreg [dreg:$0x6];
	[sflag:s29] =	ssyncadd.s32 $0xFFFFFF80  }
0x3e: {  	[tilespmem:s30], [sflag:$0x3] =	stream.linear.gather [hbm4b:s25+s3], $0x80, $0x38;
	[tilespmem:$0xE200] =	vst v63  }
0x3f: {  	_ =	swait.ge [sflag:s29], $0x80  }
0x40: {  	[sflag:s29] =	ssyncset.done $0x0  }
0x41: {  	[sflag:s29] =	ssyncadd.s32 $0xFFFFFF80  }
0x42: {  	[tilespmem:s28], [sflag:$0x1] =	stream.indirect.gather [hbm4b:s1+s30], $0x40, s3, s30, $0xb8;
	[tilespmem:$0xE200] =	vst v63  }
0x43: {  	_ = 	snop  }
0x44: {  	[tilespmem:s31], [sflag:$0x3] =	stream.linear.gather [hbm4b:s20+s3], $0x80, $0x38;
	[tilespmem:$0xE200] =	vst v63  }
0x45: {  	_ =	swait.ge [sflag:s29], $0x80  }
0x46: {  	[sflag:s29] =	ssyncset.done $0x0  }
0x47: {  	[sflag:s29] =	ssyncadd.s32 $0xFFFFFF80  }
0x48: {  	[tilespmem:s0], [sflag:$0x3] =	stream.linear.gather [hbm4b:s19+s3], $0x80, $0x38;
	[tilespmem:$0xE200] =	vst v63  }
0x49: {  	_ =	swait.ge [sflag:s29], $0x80  }
0x4a: {  	[sflag:s29] =	ssyncset.done $0x0  }
0x4b: {  	[sflag:s29] =	ssyncadd.s32 $0xFFFFFF80  }
0x4c: {  	[tilespmem:s5], [sflag:$0x2] =	stream.indirect.gather [hbm4b:s1+s30], $0x40, s31, s30, $0xb8;
	[tilespmem:$0xE200] =	vst v63  }
0x4d: {  	p0 =	slt.s32 s26, s21;
	s17 =	smov.u32 s21;
	_ =	swait.ge [sflag:s7], $0x2000  }
0x4e: {  	s17 =	smov.u32 @p0 s26;
	[sflag:s7] =	ssyncset.done $0x0  }
0x4f: {  	s17 =	sshll.u32 s17, $0x7;
	[sflag:s7] =	ssyncadd.s32 $0xFFFFE000  }
0x50: {  	[spmem:s2] =	stream.indirect.scatter.add.bf16 [tilespmem:s28], [sflag:$0x3], $0x40, s30, s30, $0xb8;
	[tilespmem:$0xE200] =	vst v63  }
0x51: {  	s17 =	sadd.s32 s12, s17;
	_ =	swait.ge [sflag:s29], $0x2000  }
0x52: {  	s17 =	sshrl.u32 s17, $0x3;
	[sflag:s29] =	ssyncset.done $0x0  }
0x53: {  	s18 =	sadd.s32 s4, s17;
	[sflag:s29] =	ssyncadd.s32 $0xFFFFE000  }
0x54: {  	[tilespmem:s3], [sflag:$0x3] =	stream.linear.gather [hbm4b:s18+s3], $0x80, $0x38;
	[tilespmem:$0xE200] =	vst v63  }
0x55: {  	_ =	swait.ge [sflag:s29], $0x80  }
0x56: {  	[sflag:s29] =	ssyncset.done $0x0  }
0x57: {  	s17 =	sadd.s32 s6, s17;
	[sflag:s29] =	ssyncadd.s32 $0xFFFFFF80  }
0x58: {  	[tilespmem:s30], [sflag:$0x3] =	stream.linear.gather [hbm4b:s17+s3], $0x80, $0x38;
	[tilespmem:$0xE200] =	vst v63  }
0x59: {  	_ =	swait.ge [sflag:s29], $0x80  }
0x5a: {  	[sflag:s29] =	ssyncset.done $0x0  }
0x5b: {  	p0 =	sne.s32 s8, $0x1;
	[sflag:s29] =	ssyncadd.s32 $0xFFFFFF80  }
0x5c: {  	[tilespmem:s28], [sflag:$0x1] =	stream.indirect.gather [hbm4b:s1+s30], $0x40, s3, s30, $0xb8;
	[tilespmem:$0xE200] =	vst v63  }
.Ltmp0:
0x5d: {  	_ =	swait.ge [sflag:s15], $0x2000;
	(pc) =	sbr.rel @!p0 .LBB2_3-.Ltmp0, $4  }
0x5e: {  	[sflag:s15] =	ssyncset.done $0x0  }
0x5f: {  	s24 =	smov.u32 s19;
	s25 =	smov.u32 s20;
	[sflag:s15] =	ssyncadd.s32 $0xFFFFE000  }
0x60: {  	[spmem:s2] =	stream.indirect.scatter.add.bf16 [tilespmem:s5], [sflag:$0x3], $0x40, s0, s30, $0xb8;
	[tilespmem:$0xE200] =	vst v63  }
0x61: {  	s18 =	sadd.s32 $0x2, s26;
	s17 =	sadd.s32 $0xFFFFFFFF, s8;
	_ =	swait.ge [sflag:s29], $0x2000  }
.LBB2_2:
0x62: {  	[sflag:s29] =	ssyncset.done $0x0;
	s24 =	sadd.s32 $0x20, s24;
	s25 =	sadd.s32 $0x20, s25  }
0x63: {  	p0 =	sne.s32 s17, $0x1;
	s17 =	sadd.s32 $0xFFFFFFFF, s17;
	[sflag:s29] =	ssyncadd.s32 $0xFFFFE000  }
0x64: {  	[tilespmem:s31], [sflag:$0x3] =	stream.linear.gather [hbm4b:s25+s3], $0x80, $0x38;
	[tilespmem:$0xE200] =	vst v63  }
0x65: {  	_ =	swait.ge [sflag:s29], $0x80  }
0x66: {  	[sflag:s29] =	ssyncset.done $0x0  }
0x67: {  	[sflag:s29] =	ssyncadd.s32 $0xFFFFFF80  }
0x68: {  	[tilespmem:s0], [sflag:$0x3] =	stream.linear.gather [hbm4b:s24+s3], $0x80, $0x38;
	[tilespmem:$0xE200] =	vst v63  }
0x69: {  	_ =	swait.ge [sflag:s29], $0x80  }
0x6a: {  	[sflag:s29] =	ssyncset.done $0x0  }
0x6b: {  	[sflag:s29] =	ssyncadd.s32 $0xFFFFFF80  }
0x6c: {  	[tilespmem:s5], [sflag:$0x2] =	stream.indirect.gather [hbm4b:s1+s30], $0x40, s31, s30, $0xb8;
	[tilespmem:$0xE200] =	vst v63  }
0x6d: {  	p1 =	slt.s32 s18, s21;
	s22 =	smov.u32 s21;
	_ =	swait.ge [sflag:s7], $0x2000  }
0x6e: {  	s22 =	smov.u32 @p1 s18;
	[sflag:s7] =	ssyncset.done $0x0  }
0x6f: {  	s22 =	sshll.u32 s22, $0x7;
	[sflag:s7] =	ssyncadd.s32 $0xFFFFE000  }
0x70: {  	[spmem:s2] =	stream.indirect.scatter.add.bf16 [tilespmem:s28], [sflag:$0x3], $0x40, s30, s30, $0xb8;
	[tilespmem:$0xE200] =	vst v63  }
0x71: {  	s22 =	sadd.s32 s12, s22;
	_ =	swait.ge [sflag:s29], $0x2000  }
0x72: {  	s22 =	sshrl.u32 s22, $0x3;
	[sflag:s29] =	ssyncset.done $0x0  }
0x73: {  	s23 =	sadd.s32 s4, s22;
	[sflag:s29] =	ssyncadd.s32 $0xFFFFE000  }
0x74: {  	[tilespmem:s3], [sflag:$0x3] =	stream.linear.gather [hbm4b:s23+s3], $0x80, $0x38;
	[tilespmem:$0xE200] =	vst v63  }
0x75: {  	_ =	swait.ge [sflag:s29], $0x80  }
0x76: {  	s22 =	sadd.s32 s6, s22;
	[sflag:s29] =	ssyncset.done $0x0  }
0x77: {  	[sflag:s29] =	ssyncadd.s32 $0xFFFFFF80  }
0x78: {  	[tilespmem:s30], [sflag:$0x3] =	stream.linear.gather [hbm4b:s22+s3], $0x80, $0x38;
	[tilespmem:$0xE200] =	vst v63  }
0x79: {  	_ =	swait.ge [sflag:s29], $0x80  }
0x7a: {  	[sflag:s29] =	ssyncset.done $0x0  }
0x7b: {  	[sflag:s29] =	ssyncadd.s32 $0xFFFFFF80  }
0x7c: {  	[tilespmem:s28], [sflag:$0x1] =	stream.indirect.gather [hbm4b:s1+s30], $0x40, s3, s30, $0xb8;
	[tilespmem:$0xE200] =	vst v63  }
.Ltmp1:
0x7d: {  	_ =	swait.ge [sflag:s15], $0x2000;
	(pc) =	sbr.rel @p0 .LBB2_2-.Ltmp1, $4  }
0x7e: {  	[sflag:s15] =	ssyncset.done $0x0  }
0x7f: {  	[sflag:s15] =	ssyncadd.s32 $0xFFFFE000  }
0x80: {  	[spmem:s2] =	stream.indirect.scatter.add.bf16 [tilespmem:s5], [sflag:$0x3], $0x40, s0, s30, $0xb8;
	[tilespmem:$0xE200] =	vst v63  }
0x81: {  	s18 =	sadd.s32 $0x2, s18;
	_ =	swait.ge [sflag:s29], $0x2000  }
.LBB2_3:
0x82: {  	[sflag:s29] =	ssyncset.done $0x0  }
0x83: {  	[sflag:s29] =	ssyncadd.s32 $0xFFFFE000  }
0x84: {  	_ =	swait.ge [sflag:s7], $0x2000  }
0x85: {  	[sflag:s7] =	ssyncset.done $0x0  }
0x86: {  	[sflag:s7] =	ssyncadd.s32 $0xFFFFE000  }
0x87: {  	[bflag:$0x0] =	sbarrier.arrive $0xFFFF  }
0x88: {  	[tilespmem:s28], [sflag:$0x3] =	stream.linear.gather [spmem:s9], $0x2000, $0x38;
	[tilespmem:$0xE200] =	vst v63  }
0x89: {  	_ =	swait.ge [sflag:s29], $0x2000  }
0x8a: {  	[sflag:s29] =	ssyncset.done $0x0  }
0x8b: {  	s17 =	rddreg [dreg:$0x7];
	[sflag:s29] =	ssyncadd.s32 $0xFFFFE000  }
0x8c: {  	[hbm4b:s17+s3] =	stream.linear.scatter [tilespmem:s28], [sflag:$0x3], $0x2000, $0x38;
	[tilespmem:$0xE200] =	vst v63  }
0x8d: {  	_ =	swait.ge [sflag:s29], $0x2000  }
0x8e: {  	[sflag:s29] =	ssyncset.done $0x0  }
0x8f: {  	[sflag:s29] =	ssyncadd.s32 $0xFFFFE000  }
0x90: {  	[tilespmem:s28], [sflag:$0x3] =	stream.linear.gather [spmem:s10], $0x2000, $0x38;
	[tilespmem:$0xE200] =	vst v63  }
0x91: {  	_ =	swait.ge [sflag:s29], $0x2000  }
0x92: {  	[sflag:s29] =	ssyncset.done $0x0  }
0x93: {  	s18 =	rddreg [dreg:$0x8];
	[sflag:s29] =	ssyncadd.s32 $0xFFFFE000  }
0x94: {  	[hbm4b:s18+s3] =	stream.linear.scatter [tilespmem:s28], [sflag:$0x3], $0x2000, $0x38;
	[tilespmem:$0xE200] =	vst v63  }
0x95: {  	_ =	swait.ge [sflag:s29], $0x2000  }
0x96: {  	[sflag:s29] =	ssyncset.done $0x0  }
0x97: {  	[sflag:s29] =	ssyncadd.s32 $0xFFFFE000  }
0x98: {  	[tilespmem:s28], [sflag:$0x3] =	stream.linear.gather [spmem:s11], $0x2000, $0x38;
	[tilespmem:$0xE200] =	vst v63  }
0x99: {  	_ =	swait.ge [sflag:s29], $0x2000  }
0x9a: {  	[sflag:s29] =	ssyncset.done $0x0  }
0x9b: {  	s22 =	rddreg [dreg:$0x9];
	[sflag:s29] =	ssyncadd.s32 $0xFFFFE000  }
0x9c: {  	[hbm4b:s22+s3] =	stream.linear.scatter [tilespmem:s28], [sflag:$0x3], $0x2000, $0x38;
	[tilespmem:$0xE200] =	vst v63  }
0x9d: {  	_ =	swait.ge [sflag:s29], $0x2000  }
0x9e: {  	[sflag:s29] =	ssyncset.done $0x0  }
0x9f: {  	[sflag:s29] =	ssyncadd.s32 $0xFFFFE000  }
0xa0: {  	[tilespmem:s28], [sflag:$0x3] =	stream.linear.gather [spmem:s13], $0x2000, $0x38;
	[tilespmem:$0xE200] =	vst v63  }
0xa1: {  	_ =	swait.ge [sflag:s29], $0x2000  }
0xa2: {  	[sflag:s29] =	ssyncset.done $0x0  }
0xa3: {  	s23 =	rddreg [dreg:$0xa];
	[sflag:s29] =	ssyncadd.s32 $0xFFFFE000  }
0xa4: {  	[hbm4b:s23+s3] =	stream.linear.scatter [tilespmem:s28], [sflag:$0x3], $0x2000, $0x38;
	[tilespmem:$0xE200] =	vst v63  }
0xa5: {  	_ =	swait.ge [sflag:s29], $0x2000  }
0xa6: {  	[sflag:s29] =	ssyncset.done $0x0  }
0xa7: {  	[sflag:s29] =	ssyncadd.s32 $0xFFFFE000  }
0xa8: {  	[tilespmem:s28], [sflag:$0x3] =	stream.linear.gather [spmem:s14], $0x2000, $0x38;
	[tilespmem:$0xE200] =	vst v63  }
0xa9: {  	_ =	swait.ge [sflag:s29], $0x2000  }
0xaa: {  	[sflag:s29] =	ssyncset.done $0x0  }
0xab: {  	s24 =	rddreg [dreg:$0xb];
	[sflag:s29] =	ssyncadd.s32 $0xFFFFE000  }
0xac: {  	[hbm4b:s24+s3] =	stream.linear.scatter [tilespmem:s28], [sflag:$0x3], $0x2000, $0x38;
	[tilespmem:$0xE200] =	vst v63  }
0xad: {  	_ =	swait.ge [sflag:s29], $0x2000  }
0xae: {  	s16 =	sadd.s32 $0x1, s16;
	s25 =	rddreg [dreg:$0xc]  }
0xaf: {  	p0 =	sne.s32 s16, s25  }
.Ltmp2:
0xb0: {  	_ = 	snop;
	(pc) =	sbr.rel @p0 .LBB2_1-.Ltmp2, $3  }
0xb1: {  	_ =	sdelay $0x1  }
0xb2: {  	[sflag:s29] =	ssyncset.done $0x0  }
0xb3: {  	[sflag:s29] =	ssyncadd.s32 $0xFFFFE000  }
0xb4: {  	_ =	sfence.sel $0x180000  }
0xb5: {  	[bflag:$0x0] =	sbarrier.arrive $0xFFFF  }
0xb6: {  	_ =	strace $0x9000004A  }
0xb7: {  	s0 =	stileid.u32;
	[bflag:$0x2] =	sbarrier.arrive $0xFFFF  }
0xb8: {  	p0 =	sne.s32 s0, $0x0;
	s0 =	rddreg [dreg:$0x3]  }
0xb9: {  	s0 =	sadd.s32 @!p0 $0x100000, s0  }
0xba: {  	[sflag:s0] =	ssyncadd.tile.s32 @!p0 $0x1;
	_ =	shalt  }
.Lfunc_end2:
_tile_overlayer_lowered:
.L_overlay_start_2:
0xbb: {  	(tag) =	ssettag $0x2  }
0xbc: {  	s0 =	rddreg [dreg:$0x0];
	s2 =	stileid.u32  }
0xbd: {  	s1 =	rddreg [dreg:$0x1];
	p0 =	sne.s32 s2, $0x0  }
0xbe: {  	s3 =	rddreg [dreg:$0x2];
	[bflag:$0x3] =	sbarrier.arrive $0xFFFF;
	s2 =	simm.s32 @!p0 $0x1C03  }
0xbf: {  	[timem:s3], [sflag:s2] =	dma.local @!p0 [hbm:s0], s1  }
0xc0: {  	s0 =	simm.s32 @!p0 $0x3  }
0xc1: {  	_ =	swait.ge @!p0 [sflag:s0], s1  }
0xc2: {  	s1 =	ssub.s32 @!p0 $0x0, s1;
	[sflag:s0] =	ssyncset.done @!p0 $0x0  }
0xc3: {  	[sflag:s0] =	ssyncadd.s32 @!p0 s1  }
0xc4: {  	[bflag:$0x3] =	sbarrier.arrive $0xFFFF  }
0xc5: {  	_ =	shalt  }

// kernel: kernel.14.cloned.1.call-start
scs
__scs_entry_jumppad:
0x0: {  	(pc) =	sbr.rel $0x88, $3  }
0x1: {  	(tag) =	ssettag $0x0;
	lr =	simm.s32 $0x1  }
0x2: {  	[smem:$0x3F99] =	sst lr;
	_ =	strace $0xD0000000  }
0x3: {  	_ = 	snop  }
0x4: {  	_ = 	snop  }
0x5: {  	_ = 	snop  }
0x6: {  	_ = 	snop  }
0x7: {  	_ = 	snop  }
__scs_overlays_trampoline_lowered:
0x8: {  	[smem:$0x3FA8] =	sst s0  }
0x9: {  	[smem:$0x3FA9] =	sst s1  }
0xa: {  	[smem:$0x3FAA] =	sst s2  }
0xb: {  	[smem:$0x3FAB] =	sst s3  }
0xc: {  	[smem:$0x3FAC] =	sst s4  }
0xd: {  	[smem:$0x3FAD] =	sst s5  }
0xe: {  	[smem:$0x3FAE] =	sst s6  }
0xf: {  	[smem:$0x3FAF] =	sst s7  }
0x10: {  	[smem:$0x3FB0] =	sst s8  }
0x11: {  	[smem:$0x3FB1] =	sst s9;
	s0 =	simm.s32 @!p0 $0x0  }
0x12: {  	s1 =	sld [smem:$0x3F97];
	s0 =	simm.s32 @p0 $0x1  }
0x13: {  	[smem:$0x3FB2] =	sst s0;
	s0 =	simm.s32 @!p1 $0x0  }
0x14: {  	s2 =	sld [smem:$0x3F96];
	s0 =	simm.s32 @p1 $0x1  }
0x15: {  	[smem:$0x3FB3] =	sst s0;
	s0 =	simm.s32 @!p2 $0x0  }
0x16: {  	s3 =	sld [smem:$0x3FDB];
	s0 =	simm.s32 @p2 $0x1  }
0x17: {  	s4 =	simm.s32 $0x1BF5;
	[smem:$0x3FB5] =	sst s0  }
0x18: {  	s0 =	sld [smem:$0x3F98];
	_ =	swait.ge [sflag:s4], $0x0  }
0x19: {  	s7 =	sld [smem:$0x3F99]  }
0x1a: {  	s8 =	sadd.s32 $0xFFFFE003, lr  }
0x1b: {  	s9 =	sadd.s32 $0xFFFFFEF7, lr;
	s5 =	simm.s32 $0xFFFFFFFF;
	p2 =	slt.u32 s8, $0xFFFFF086  }
0x1c: {  	p1 =	slt.u32 s9, $0xF7A;
	s5 =	simm.s32 @!p2 $0x0  }
0x1d: {  	s5 =	simm.s32 @p1 $0x1;
	p0 =	seq.s32 s7, s2  }
0x1e: {  	s7 =	smul.u32 @!p0 $0xF7A, s2;
	p2 =	seq.s32 @!p0 s5, $0x0  }
0x1f: {  	s9 =	smul.u32 $0xF7A, s1;
	s8 =	simm.s32 @!p0 $0x1BF5;
	p2 =	por !p2, p0  }
0x20: {  	[sflag:s8] =	ssyncset.s32 @!p0 $0xFFFFF086;
	s6 =	sadd.s32 @!p0 s3, s7;
	s7 =	simm.s32 @!p0 $0x108  }
0x21: {  	s3 =	sadd.s32 s3, s9;
	s6 =	sadd.s32 @!p0 $0x88, s6;
	s7 =	simm.s32 @p2 $0x1082  }
0x22: {  	[simem:s7], [sflag:s8] =	dma.local @!p0 [hbm:s6], $0xF7A  }
0x23: {  	s9 =	sor.u32 $0xD0000000, s2;
	s6 =	simm.s32 $0x108;
	_ =	swait.ge @!p0 [sflag:s8], $0x0  }
0x24: {  	s3 =	sadd.s32 $0x88, s3;
	s6 =	simm.s32 @!p1 $0x1082;
	[sflag:s4] =	ssyncset.s32 $0xFFFFF086  }
0x25: {  	[simem:s6], [sflag:s4] =	dma.local [hbm:s3], $0xF7A  }
0x26: {  	[smem:$0x3F99] =	sst s1;
	(tag) =	ssettag s2;
	_ =	strace s9  }
0x27: {  	s1 =	sld [smem:$0x3FA9]  }
0x28: {  	s2 =	sld [smem:$0x3FAA]  }
0x29: {  	s4 =	sld [smem:$0x3FAC]  }
0x2a: {  	p0 =	seq.s32 s5, $0x0;
	s5 =	sld [smem:$0x3FAD]  }
0x2b: {  	s6 =	sld [smem:$0x3FAE]  }
0x2c: {  	s7 =	sld [smem:$0x3FAF]  }
0x2d: {  	s3 =	simm.s32 $0x108;
	s8 =	sld [smem:$0x3FB0]  }
0x2e: {  	s3 =	simm.s32 @!p0 $0x1082;
	s9 =	sld [smem:$0x3FB1]  }
0x2f: {  	lr =	sadd.s32 s0, s3;
	s0 =	sld [smem:$0x3FA8]  }
0x30: {  	s3 =	sld [smem:$0x3FAB]  }
0x31: {  	[smem:$0x3FB4] =	sst s10  }
0x32: {  	s10 =	sld [smem:$0x3FB2];
	_ =	sdelay $0x3  }
0x33: {  	p0 =	seq.s32 s10, $0x1;
	s10 =	sld [smem:$0x3FB4];
	_ =	sdelay $0x3  }
0x34: {  	[smem:$0x3FB4] =	sst s10  }
0x35: {  	s10 =	sld [smem:$0x3FB3];
	_ =	sdelay $0x3  }
0x36: {  	p1 =	seq.s32 s10, $0x1;
	s10 =	sld [smem:$0x3FB4];
	_ =	sdelay $0x3  }
0x37: {  	[smem:$0x3FB4] =	sst s10  }
0x38: {  	s10 =	sld [smem:$0x3FB5]  }
0x39: {  	_ = 	snop;
	(pc) =	sbr.ind lr, $3  }
0x3a: {  	_ = 	snop  }
0x3b: {  	_ = 	snop  }
0x3c: {  	p2 =	seq.s32 s10, $0x1;
	s10 =	sld [smem:$0x3FB4]  }
0x3d: {  	_ =	shalt  }
0x3e: {  	_ =	shalt  }
0x3f: {  	_ =	shalt  }
0x40: {  	_ =	shalt  }
0x41: {  	_ =	shalt  }
0x42: {  	_ =	shalt  }
0x43: {  	_ =	shalt  }
0x44: {  	_ =	shalt  }
0x45: {  	_ =	shalt  }
0x46: {  	_ =	shalt  }
0x47: {  	_ =	shalt  }
0x48: {  	_ =	shalt  }
0x49: {  	_ =	shalt  }
0x4a: {  	_ =	shalt  }
0x4b: {  	_ =	shalt  }
0x4c: {  	_ =	shalt  }
0x4d: {  	_ =	shalt  }
0x4e: {  	_ =	shalt  }
0x4f: {  	_ =	shalt  }
0x50: {  	_ =	shalt  }
0x51: {  	_ =	shalt  }
0x52: {  	_ =	shalt  }
0x53: {  	_ =	shalt  }
0x54: {  	_ =	shalt  }
0x55: {  	_ =	shalt  }
0x56: {  	_ =	shalt  }
0x57: {  	_ =	shalt  }
0x58: {  	_ =	shalt  }
0x59: {  	_ =	shalt  }
0x5a: {  	_ =	shalt  }
0x5b: {  	_ =	shalt  }
0x5c: {  	_ =	shalt  }
0x5d: {  	_ =	shalt  }
0x5e: {  	_ =	shalt  }
0x5f: {  	_ =	shalt  }
0x60: {  	_ =	shalt  }
0x61: {  	_ =	shalt  }
0x62: {  	_ =	shalt  }
0x63: {  	_ =	shalt  }
0x64: {  	_ =	shalt  }
0x65: {  	_ =	shalt  }
0x66: {  	_ =	shalt  }
0x67: {  	_ =	shalt  }
0x68: {  	_ =	shalt  }
0x69: {  	_ =	shalt  }
0x6a: {  	_ =	shalt  }
0x6b: {  	_ =	shalt  }
0x6c: {  	_ =	shalt  }
0x6d: {  	_ =	shalt  }
0x6e: {  	_ =	shalt  }
0x6f: {  	_ =	shalt  }
0x70: {  	_ =	shalt  }
0x71: {  	_ =	shalt  }
0x72: {  	_ =	shalt  }
0x73: {  	_ =	shalt  }
0x74: {  	_ =	shalt  }
0x75: {  	_ =	shalt  }
0x76: {  	_ =	shalt  }
0x77: {  	_ =	shalt  }
0x78: {  	_ =	shalt  }
0x79: {  	_ =	shalt  }
0x7a: {  	_ =	shalt  }
0x7b: {  	_ =	shalt  }
0x7c: {  	_ =	shalt  }
0x7d: {  	_ =	shalt  }
0x7e: {  	_ =	shalt  }
0x7f: {  	_ =	shalt  }
0x80: {  	_ =	shalt  }
0x81: {  	_ =	shalt  }
0x82: {  	_ =	shalt  }
0x83: {  	_ =	shalt  }
0x84: {  	_ =	shalt  }
0x85: {  	_ =	shalt  }
0x86: {  	_ =	shalt  }
0x87: {  	_ =	shalt  }
.Lfunc_end0:
.L_simem_size_0:
called_computation.2_lowered:
.L_overlay_start_0:
0x88: {  	s2 =	sld [smem:$0x3FD9]  }
0x89: {  	s3 =	sld [smem:$0x3FFE];
	_ =	sdelay $0x1  }
0x8a: {  	s1 =	srdreg.scid  }
0x8b: {  	s0 =	sand.u32 $0x1, s1  }
0x8c: {  	s17 =	sshll.u32 s0, $0xA;
	s2 =	sadd.s32 s3, s2  }
0x8d: {  	s2 =	sadd.s32 s2, s17  }
0x8e: {  	[smem:$0x3FC0] =	sst s2  }
0x8f: {  	_ = 	snop  }
0x90: {  	s2 =	sld [smem:$0x3FD0];
	(tm) =	ssettm $0x1  }
0x91: {  	s18 =	sld [smem:$0x3FFB];
	_ =	sdelay $0x3  }
0x92: {  	_ =	strace s18  }
0x93: {  	s3 =	sld [smem:$0x3FFC];
	_ =	sdelay $0x3  }
0x94: {  	_ =	strace s3  }
0x95: {  	s3 =	sld [smem:$0x3FFD];
	_ =	sdelay $0x3  }
0x96: {  	_ =	strace s3  }
0x97: {  	_ =	strace $0x8FFFFFFF  }
0x98: {  	s19 =	sld [smem:$0x3FDB];
	_ =	sdelay $0x1  }
0x99: {  	s4 =	simm.s32 $_scs_section_size  }
0x9a: {  	s5 =	simm.s32 $_size__tile_overlayer_lowered;
	s6 =	simm.s32 $_tile_overlayer_lowered  }
0x9b: {  	s22 =	simm.s32 $0x1BFF;
	s21 =	sshll.u32 s6, $0x1;
	s3 =	sadd.s32 s4, s19  }
0x9c: {  	s7 =	simm.s32 $0x0;
	s20 =	sshll.u32 s5, $0x1;
	s5 =	sadd.s32 s21, s3  }
0x9d: {  	[timem:s7], [sflag:s22] =	dma.local [hbm:s5], s20  }
0x9e: {  	_ =	swait.ge [sflag:s22], s20  }
0x9f: {  	s4 =	ssub.s32 $0x0, s20;
	[sflag:s22] =	ssyncset.done $0x0  }
0xa0: {  	[sflag:s22] =	ssyncadd.s32 s4;
	_ =	sdelay $0x1  }
0xa1: {  	s23 =	simm.s32 $0x1B8B  }
0xa2: {  	_ =	swait.ge [sflag:s23], $0x1  }
0xa3: {  	[sflag:s23] =	ssyncset.done $0x0  }
0xa4: {  	s25 =	simm.s32 $0x1B8E;
	s24 =	sld [smem:$0x3FFE];
	[sflag:s23] =	ssyncadd.s32 $0xFFFFFFFF  }
0xa5: {  	s26 =	simm.s32 $execute0_lowered;
	[smem:$0x3FD2] =	sst s25  }
0xa6: {  	s5 =	sshll.u32 s26, $0x1;
	_ =	strace $0x8000004C;
	[dreg:$0x1] =	wrdreg $0xFFFFFFFF  }
0xa7: {  	s28 =	simm.s32 $_size_execute0_lowered;
	s3 =	sadd.s32 s3, s5;
	[dreg:$0x0] =	wrdreg $0x0  }
0xa8: {  	s5 =	sshll.u32 s28, $0x1;
	[dreg:$0x2] =	wrdreg s3  }
0xa9: {  	[dreg:$0x3] =	wrdreg s5  }
0xaa: {  	[dreg:$0x4] =	wrdreg $0xC0  }
0xab: {  	_ =	task [dreg:s7], $0x5FFFF  }
0xac: {  	[dreg:$0x1] =	wrdreg $0xFFFFFFFF  }
0xad: {  	[dreg:$0x0] =	wrdreg $0x60  }
0xae: {  	[dreg:$0x2] =	wrdreg s2  }
0xaf: {  	[dreg:$0x3] =	wrdreg s24  }
0xb0: {  	[dreg:$0x4] =	wrdreg $0x42000  }
0xb1: {  	[dreg:$0x5] =	wrdreg $0x9  }
0xb2: {  	_ =	task.clear_ibuf [dreg:s7], $0x6FFFF;
	_ =	strace $0x9000004C  }
0xb3: {  	s29 =	simm.s32 $0x9;
	_ =	strace $0x8000004E  }
0xb4: {  	_ =	swait.ge [sflag:s29], $0x1  }
0xb5: {  	[sflag:s29] =	ssyncadd.s32 $0xFFFFFFFF  }
0xb6: {  	_ =	strace $0x9000004E  }
0xb7: {  	_ =	sfence  }
0xb8: {  	s30 =	sld [smem:$0x0];
	_ =	sdelay $0x2  }
0xb9: {  	s31 =	sshll.u32 s1, $0xD;
	s1 =	sshrl.u32 s1, $0x2  }
0xba: {  	s3 =	sand.u32 $0x4000, s31;
	s1 =	sadd.s32 s1, s30  }
0xbb: {  	s0 =	sor.u32 s3, s0;
	s1 =	sshll.u32 s1, $0x11  }
0xbc: {  	s0 =	sor.u32 s1, s0  }
0xbd: {  	s0 =	sadd.s32 $0x8F2B, s0  }
0xbe: {  	[sflag:s0] =	ssyncadd.remote.s32 $0x1  }
0xbf: {  	_ =	sfence.sel $0xFFFF  }
0xc0: {  	[dreg:$0x0] =	wrdreg $0xFFFFFFFF;
	(pc) =	sbr.abs _section_cstart, $3  }
0xc1: {  	[dreg:$0x1] =	wrdreg $0xFFFFFFFF  }
0xc2: {  	_ =	task.clear_ibuf [dreg:s7], $0x2FFFF;
	_ =	strace $0x9FFFFFFF  }
0xc3: {  	(tm) =	ssettm $0x7FFFFFFF  }
tec
execute0_lowered:
.L_overlay_start_1:
0x0: {  	(tag) =	ssettag $0x1  }
0x1: {  	s1 =	rddreg [dreg:$0x0]  }
0x2: {  	s0 =	rddreg [dreg:$0x1]  }
0x3: {  	s2 =	rddreg [dreg:$0x2]  }
0x4: {  	s3 =	simm.s32 $0x0;
	s5 =	srdreg.scid;
	s12 =	stileid.u32  }
0x5: {  	s15 =	simm.s32 $0x6C;
	s28 =	simm.s32 $0x200;
	s29 =	simm.s32 $0x3  }
0x6: {  	s30 =	simm.s32 $0x80;
	s31 =	simm.s32 $0x100;
	[smem:$0x7FF] =	sst s3  }
0x7: {  	s4 =	sadd.s32 $0xBE00, s0;
	s5 =	sand.u32 $0x1, s5;
	s6 =	sadd.s32 $0x1E00, s0  }
0x8: {  	s7 =	sadd.s32 $0x1A00, s0;
	s0 =	sadd.s32 $0x15E00, s0;
	s16 =	smul.u32 $0x14000, s12  }
0x9: {  	s12 =	smul.u32 $0x5000, s12;
	_ =	strace $0x8000004D;
	[dreg:$0x4] =	wrdreg s7  }
0xa: {  	s23 =	ssub.s32 $0x2, s5;
	p0 =	seq.s32 s5, $0x0;
	s5 =	smul.u32 $0x140000, s5  }
0xb: {  	s8 =	sshrl.u32 s23, $0x1;
	s15 =	simm.s32 @!p0 $0x0;
	s9 =	sshrl.u32 s16, $0x1  }
0xc: {  	s17 =	sadd.s32 $0x4000, s16;
	s18 =	sadd.s32 $0x8000, s16;
	s19 =	sadd.s32 $0xC000, s16  }
0xd: {  	s20 =	sadd.s32 $0x10000, s16;
	s7 =	ssub.s32 s23, s8;
	s8 =	simm.s32 $0x1A  }
0xe: {  	s9 =	sadd.s32 s9, s2;
	s10 =	sshrl.u32 s17, $0x1;
	s11 =	sshrl.u32 s18, $0x1  }
0xf: {  	s13 =	sshrl.u32 s19, $0x1;
	s14 =	sshll.u32 s15, $0x7;
	s21 =	sshrl.u32 s20, $0x1  }
0x10: {  	s16 =	sadd.s32 s16, s5;
	s17 =	sadd.s32 s5, s17;
	s18 =	sadd.s32 s5, s18  }
0x11: {  	s19 =	sadd.s32 s5, s19;
	s5 =	sadd.s32 s5, s20;
	s8 =	simm.s32 @!p0 $0x36  }
0x12: {  	s10 =	sadd.s32 s10, s2;
	s11 =	sadd.s32 s11, s2;
	s13 =	sadd.s32 s13, s2  }
0x13: {  	s23 =	sadd.s32 s12, s14;
	s14 =	sadd.s32 s21, s2;
	s16 =	sshrl.u32 s16, $0x4  }
0x14: {  	s20 =	sshrl.u32 s17, $0x4;
	s24 =	sshrl.u32 s23, $0x3;
	s16 =	sadd.s32 s0, s16  }
0x15: {  	s21 =	sshrl.u32 s18, $0x4;
	s25 =	sadd.s32 s4, s24;
	[dreg:$0x7] =	wrdreg s16  }
0x16: {  	s22 =	sshrl.u32 s19, $0x4;
	s26 =	sadd.s32 s6, s24;
	[dreg:$0x5] =	wrdreg s25  }
0x17: {  	s5 =	sshrl.u32 s5, $0x4;
	s16 =	sadd.s32 s0, s20;
	[dreg:$0x6] =	wrdreg s26  }
0x18: {  	s24 =	sadd.s32 s0, s22;
	[dreg:$0x8] =	wrdreg s16;
	s16 =	sadd.s32 s0, s21  }
0x19: {  	[dreg:$0xa] =	wrdreg s24;
	s0 =	sadd.s32 s0, s5;
	s21 =	simm.s32 $0x9F  }
0x1a: {  	s25 =	sor.u32 $0x80, s23;
	s26 =	smax.u32 s7, $0x1;
	[dreg:$0x9] =	wrdreg s16  }
0x1b: {  	s5 =	simm.s32 $0x2200;
	s7 =	simm.s32 $0x1;
	[dreg:$0xb] =	wrdreg s0  }
0x1c: {  	s21 =	simm.s32 @!p0 $0x6B;
	[dreg:$0xc] =	wrdreg s26;
	s0 =	sshrl.u32 s25, $0x3  }
0x1d: {  	s26 =	sor.u32 $0x2, s15;
	s15 =	simm.s32 $0x2;
	s16 =	simm.s32 $0x0  }
0x1e: {  	s19 =	sadd.s32 s0, s6;
	s20 =	sadd.s32 s0, s4;
	s0 =	simm.s32 $0x180  }
.LBB2_1:
0x1f: {  	s17 =	rddreg [dreg:$0x4]  }
0x20: {  	[tilespmem:s28], [sflag:$0x3] =	stream.linear.gather [hbm4b:s17+s3], $0x2000, $0x38;
	[tilespmem:$0xE200] =	vst v63  }
0x21: {  	_ =	swait.ge [sflag:s29], $0x2000  }
0x22: {  	[sflag:s29] =	ssyncset.done $0x0  }
0x23: {  	[sflag:s29] =	ssyncadd.s32 $0xFFFFE000  }
0x24: {  	[spmem:s9] =	stream.linear.scatter [tilespmem:s28], [sflag:$0x3], $0x2000, $0x38;
	[tilespmem:$0xE200] =	vst v63  }
0x25: {  	_ =	swait.ge [sflag:s29], $0x2000  }
0x26: {  	[sflag:s29] =	ssyncset.done $0x0  }
0x27: {  	[sflag:s29] =	ssyncadd.s32 $0xFFFFE000  }
0x28: {  	[spmem:s10] =	stream.linear.scatter [tilespmem:s28], [sflag:$0x3], $0x2000, $0x38;
	[tilespmem:$0xE200] =	vst v63  }
0x29: {  	_ =	swait.ge [sflag:s29], $0x2000  }
0x2a: {  	[sflag:s29] =	ssyncset.done $0x0  }
0x2b: {  	[sflag:s29] =	ssyncadd.s32 $0xFFFFE000  }
0x2c: {  	[spmem:s11] =	stream.linear.scatter [tilespmem:s28], [sflag:$0x3], $0x2000, $0x38;
	[tilespmem:$0xE200] =	vst v63  }
0x2d: {  	_ =	swait.ge [sflag:s29], $0x2000  }
0x2e: {  	[sflag:s29] =	ssyncset.done $0x0  }
0x2f: {  	[sflag:s29] =	ssyncadd.s32 $0xFFFFE000  }
0x30: {  	[spmem:s13] =	stream.linear.scatter [tilespmem:s28], [sflag:$0x3], $0x2000, $0x38;
	[tilespmem:$0xE200] =	vst v63  }
0x31: {  	_ =	swait.ge [sflag:s29], $0x2000  }
0x32: {  	[sflag:s29] =	ssyncset.done $0x0  }
0x33: {  	[sflag:s29] =	ssyncadd.s32 $0xFFFFE000  }
0x34: {  	[spmem:s14] =	stream.linear.scatter [tilespmem:s28], [sflag:$0x3], $0x2000, $0x38;
	[tilespmem:$0xE200] =	vst v63  }
0x35: {  	_ =	swait.ge [sflag:s29], $0x2000  }
0x36: {  	[sflag:s29] =	ssyncset.done $0x0  }
0x37: {  	[sflag:s29] =	ssyncadd.s32 $0xFFFFE000  }
0x38: {  	[bflag:$0x0] =	sbarrier.arrive $0xFFFF  }
0x39: {  	s24 =	rddreg [dreg:$0x5]  }
0x3a: {  	[tilespmem:s3], [sflag:$0x3] =	stream.linear.gather [hbm4b:s24+s3], $0x80, $0x38;
	[tilespmem:$0xE200] =	vst v63  }
0x3b: {  	_ =	swait.ge [sflag:s29], $0x80  }
0x3c: {  	[sflag:s29] =	ssyncset.done $0x0  }
0x3d: {  	s25 =	rddreg [dreg:$0x6];
	[sflag:s29] =	ssyncadd.s32 $0xFFFFFF80  }
0x3e: {  	[tilespmem:s30], [sflag:$0x3] =	stream.linear.gather [hbm4b:s25+s3], $0x80, $0x38;
	[tilespmem:$0xE200] =	vst v63  }
0x3f: {  	_ =	swait.ge [sflag:s29], $0x80  }
0x40: {  	[sflag:s29] =	ssyncset.done $0x0  }
0x41: {  	[sflag:s29] =	ssyncadd.s32 $0xFFFFFF80  }
0x42: {  	[tilespmem:s28], [sflag:$0x1] =	stream.indirect.gather [hbm4b:s1+s30], $0x40, s3, s30, $0xb8;
	[tilespmem:$0xE200] =	vst v63  }
0x43: {  	_ = 	snop  }
0x44: {  	[tilespmem:s31], [sflag:$0x3] =	stream.linear.gather [hbm4b:s20+s3], $0x80, $0x38;
	[tilespmem:$0xE200] =	vst v63  }
0x45: {  	_ =	swait.ge [sflag:s29], $0x80  }
0x46: {  	[sflag:s29] =	ssyncset.done $0x0  }
0x47: {  	[sflag:s29] =	ssyncadd.s32 $0xFFFFFF80  }
0x48: {  	[tilespmem:s0], [sflag:$0x3] =	stream.linear.gather [hbm4b:s19+s3], $0x80, $0x38;
	[tilespmem:$0xE200] =	vst v63  }
0x49: {  	_ =	swait.ge [sflag:s29], $0x80  }
0x4a: {  	[sflag:s29] =	ssyncset.done $0x0  }
0x4b: {  	[sflag:s29] =	ssyncadd.s32 $0xFFFFFF80  }
0x4c: {  	[tilespmem:s5], [sflag:$0x2] =	stream.indirect.gather [hbm4b:s1+s30], $0x40, s31, s30, $0xb8;
	[tilespmem:$0xE200] =	vst v63  }
0x4d: {  	p0 =	slt.s32 s26, s21;
	s17 =	smov.u32 s21;
	_ =	swait.ge [sflag:s7], $0x2000  }
0x4e: {  	s17 =	smov.u32 @p0 s26;
	[sflag:s7] =	ssyncset.done $0x0  }
0x4f: {  	s17 =	sshll.u32 s17, $0x7;
	[sflag:s7] =	ssyncadd.s32 $0xFFFFE000  }
0x50: {  	[spmem:s2] =	stream.indirect.scatter.add.bf16 [tilespmem:s28], [sflag:$0x3], $0x40, s30, s30, $0xb8;
	[tilespmem:$0xE200] =	vst v63  }
0x51: {  	s17 =	sadd.s32 s12, s17;
	_ =	swait.ge [sflag:s29], $0x2000  }
0x52: {  	s17 =	sshrl.u32 s17, $0x3;
	[sflag:s29] =	ssyncset.done $0x0  }
0x53: {  	s18 =	sadd.s32 s4, s17;
	[sflag:s29] =	ssyncadd.s32 $0xFFFFE000  }
0x54: {  	[tilespmem:s3], [sflag:$0x3] =	stream.linear.gather [hbm4b:s18+s3], $0x80, $0x38;
	[tilespmem:$0xE200] =	vst v63  }
0x55: {  	_ =	swait.ge [sflag:s29], $0x80  }
0x56: {  	[sflag:s29] =	ssyncset.done $0x0  }
0x57: {  	s17 =	sadd.s32 s6, s17;
	[sflag:s29] =	ssyncadd.s32 $0xFFFFFF80  }
0x58: {  	[tilespmem:s30], [sflag:$0x3] =	stream.linear.gather [hbm4b:s17+s3], $0x80, $0x38;
	[tilespmem:$0xE200] =	vst v63  }
0x59: {  	_ =	swait.ge [sflag:s29], $0x80  }
0x5a: {  	[sflag:s29] =	ssyncset.done $0x0  }
0x5b: {  	p0 =	sne.s32 s8, $0x1;
	[sflag:s29] =	ssyncadd.s32 $0xFFFFFF80  }
0x5c: {  	[tilespmem:s28], [sflag:$0x1] =	stream.indirect.gather [hbm4b:s1+s30], $0x40, s3, s30, $0xb8;
	[tilespmem:$0xE200] =	vst v63  }
.Ltmp0:
0x5d: {  	_ =	swait.ge [sflag:s15], $0x2000;
	(pc) =	sbr.rel @!p0 .LBB2_3-.Ltmp0, $4  }
0x5e: {  	[sflag:s15] =	ssyncset.done $0x0  }
0x5f: {  	s24 =	smov.u32 s19;
	s25 =	smov.u32 s20;
	[sflag:s15] =	ssyncadd.s32 $0xFFFFE000  }
0x60: {  	[spmem:s2] =	stream.indirect.scatter.add.bf16 [tilespmem:s5], [sflag:$0x3], $0x40, s0, s30, $0xb8;
	[tilespmem:$0xE200] =	vst v63  }
0x61: {  	s18 =	sadd.s32 $0x2, s26;
	s17 =	sadd.s32 $0xFFFFFFFF, s8;
	_ =	swait.ge [sflag:s29], $0x2000  }
.LBB2_2:
0x62: {  	[sflag:s29] =	ssyncset.done $0x0;
	s24 =	sadd.s32 $0x20, s24;
	s25 =	sadd.s32 $0x20, s25  }
0x63: {  	p0 =	sne.s32 s17, $0x1;
	s17 =	sadd.s32 $0xFFFFFFFF, s17;
	[sflag:s29] =	ssyncadd.s32 $0xFFFFE000  }
0x64: {  	[tilespmem:s31], [sflag:$0x3] =	stream.linear.gather [hbm4b:s25+s3], $0x80, $0x38;
	[tilespmem:$0xE200] =	vst v63  }
0x65: {  	_ =	swait.ge [sflag:s29], $0x80  }
0x66: {  	[sflag:s29] =	ssyncset.done $0x0  }
0x67: {  	[sflag:s29] =	ssyncadd.s32 $0xFFFFFF80  }
0x68: {  	[tilespmem:s0], [sflag:$0x3] =	stream.linear.gather [hbm4b:s24+s3], $0x80, $0x38;
	[tilespmem:$0xE200] =	vst v63  }
0x69: {  	_ =	swait.ge [sflag:s29], $0x80  }
0x6a: {  	[sflag:s29] =	ssyncset.done $0x0  }
0x6b: {  	[sflag:s29] =	ssyncadd.s32 $0xFFFFFF80  }
0x6c: {  	[tilespmem:s5], [sflag:$0x2] =	stream.indirect.gather [hbm4b:s1+s30], $0x40, s31, s30, $0xb8;
	[tilespmem:$0xE200] =	vst v63  }
0x6d: {  	p1 =	slt.s32 s18, s21;
	s22 =	smov.u32 s21;
	_ =	swait.ge [sflag:s7], $0x2000  }
0x6e: {  	s22 =	smov.u32 @p1 s18;
	[sflag:s7] =	ssyncset.done $0x0  }
0x6f: {  	s22 =	sshll.u32 s22, $0x7;
	[sflag:s7] =	ssyncadd.s32 $0xFFFFE000  }
0x70: {  	[spmem:s2] =	stream.indirect.scatter.add.bf16 [tilespmem:s28], [sflag:$0x3], $0x40, s30, s30, $0xb8;
	[tilespmem:$0xE200] =	vst v63  }
0x71: {  	s22 =	sadd.s32 s12, s22;
	_ =	swait.ge [sflag:s29], $0x2000  }
0x72: {  	s22 =	sshrl.u32 s22, $0x3;
	[sflag:s29] =	ssyncset.done $0x0  }
0x73: {  	s23 =	sadd.s32 s4, s22;
	[sflag:s29] =	ssyncadd.s32 $0xFFFFE000  }
0x74: {  	[tilespmem:s3], [sflag:$0x3] =	stream.linear.gather [hbm4b:s23+s3], $0x80, $0x38;
	[tilespmem:$0xE200] =	vst v63  }
0x75: {  	_ =	swait.ge [sflag:s29], $0x80  }
0x76: {  	s22 =	sadd.s32 s6, s22;
	[sflag:s29] =	ssyncset.done $0x0  }
0x77: {  	[sflag:s29] =	ssyncadd.s32 $0xFFFFFF80  }
0x78: {  	[tilespmem:s30], [sflag:$0x3] =	stream.linear.gather [hbm4b:s22+s3], $0x80, $0x38;
	[tilespmem:$0xE200] =	vst v63  }
0x79: {  	_ =	swait.ge [sflag:s29], $0x80  }
0x7a: {  	[sflag:s29] =	ssyncset.done $0x0  }
0x7b: {  	[sflag:s29] =	ssyncadd.s32 $0xFFFFFF80  }
0x7c: {  	[tilespmem:s28], [sflag:$0x1] =	stream.indirect.gather [hbm4b:s1+s30], $0x40, s3, s30, $0xb8;
	[tilespmem:$0xE200] =	vst v63  }
.Ltmp1:
0x7d: {  	_ =	swait.ge [sflag:s15], $0x2000;
	(pc) =	sbr.rel @p0 .LBB2_2-.Ltmp1, $4  }
0x7e: {  	[sflag:s15] =	ssyncset.done $0x0  }
0x7f: {  	[sflag:s15] =	ssyncadd.s32 $0xFFFFE000  }
0x80: {  	[spmem:s2] =	stream.indirect.scatter.add.bf16 [tilespmem:s5], [sflag:$0x3], $0x40, s0, s30, $0xb8;
	[tilespmem:$0xE200] =	vst v63  }
0x81: {  	s18 =	sadd.s32 $0x2, s18;
	_ =	swait.ge [sflag:s29], $0x2000  }
.LBB2_3:
0x82: {  	[sflag:s29] =	ssyncset.done $0x0  }
0x83: {  	[sflag:s29] =	ssyncadd.s32 $0xFFFFE000  }
0x84: {  	_ =	swait.ge [sflag:s7], $0x2000  }
0x85: {  	[sflag:s7] =	ssyncset.done $0x0  }
0x86: {  	[sflag:s7] =	ssyncadd.s32 $0xFFFFE000  }
0x87: {  	[bflag:$0x0] =	sbarrier.arrive $0xFFFF  }
0x88: {  	[tilespmem:s28], [sflag:$0x3] =	stream.linear.gather [spmem:s9], $0x2000, $0x38;
	[tilespmem:$0xE200] =	vst v63  }
0x89: {  	_ =	swait.ge [sflag:s29], $0x2000  }
0x8a: {  	[sflag:s29] =	ssyncset.done $0x0  }
0x8b: {  	s17 =	rddreg [dreg:$0x7];
	[sflag:s29] =	ssyncadd.s32 $0xFFFFE000  }
0x8c: {  	[hbm4b:s17+s3] =	stream.linear.scatter [tilespmem:s28], [sflag:$0x3], $0x2000, $0x38;
	[tilespmem:$0xE200] =	vst v63  }
0x8d: {  	_ =	swait.ge [sflag:s29], $0x2000  }
0x8e: {  	[sflag:s29] =	ssyncset.done $0x0  }
0x8f: {  	[sflag:s29] =	ssyncadd.s32 $0xFFFFE000  }
0x90: {  	[tilespmem:s28], [sflag:$0x3] =	stream.linear.gather [spmem:s10], $0x2000, $0x38;
	[tilespmem:$0xE200] =	vst v63  }
0x91: {  	_ =	swait.ge [sflag:s29], $0x2000  }
0x92: {  	[sflag:s29] =	ssyncset.done $0x0  }
0x93: {  	s18 =	rddreg [dreg:$0x8];
	[sflag:s29] =	ssyncadd.s32 $0xFFFFE000  }
0x94: {  	[hbm4b:s18+s3] =	stream.linear.scatter [tilespmem:s28], [sflag:$0x3], $0x2000, $0x38;
	[tilespmem:$0xE200] =	vst v63  }
0x95: {  	_ =	swait.ge [sflag:s29], $0x2000  }
0x96: {  	[sflag:s29] =	ssyncset.done $0x0  }
0x97: {  	[sflag:s29] =	ssyncadd.s32 $0xFFFFE000  }
0x98: {  	[tilespmem:s28], [sflag:$0x3] =	stream.linear.gather [spmem:s11], $0x2000, $0x38;
	[tilespmem:$0xE200] =	vst v63  }
0x99: {  	_ =	swait.ge [sflag:s29], $0x2000  }
0x9a: {  	[sflag:s29] =	ssyncset.done $0x0  }
0x9b: {  	s22 =	rddreg [dreg:$0x9];
	[sflag:s29] =	ssyncadd.s32 $0xFFFFE000  }
0x9c: {  	[hbm4b:s22+s3] =	stream.linear.scatter [tilespmem:s28], [sflag:$0x3], $0x2000, $0x38;
	[tilespmem:$0xE200] =	vst v63  }
0x9d: {  	_ =	swait.ge [sflag:s29], $0x2000  }
0x9e: {  	[sflag:s29] =	ssyncset.done $0x0  }
0x9f: {  	[sflag:s29] =	ssyncadd.s32 $0xFFFFE000  }
0xa0: {  	[tilespmem:s28], [sflag:$0x3] =	stream.linear.gather [spmem:s13], $0x2000, $0x38;
	[tilespmem:$0xE200] =	vst v63  }
0xa1: {  	_ =	swait.ge [sflag:s29], $0x2000  }
0xa2: {  	[sflag:s29] =	ssyncset.done $0x0  }
0xa3: {  	s23 =	rddreg [dreg:$0xa];
	[sflag:s29] =	ssyncadd.s32 $0xFFFFE000  }
0xa4: {  	[hbm4b:s23+s3] =	stream.linear.scatter [tilespmem:s28], [sflag:$0x3], $0x2000, $0x38;
	[tilespmem:$0xE200] =	vst v63  }
0xa5: {  	_ =	swait.ge [sflag:s29], $0x2000  }
0xa6: {  	[sflag:s29] =	ssyncset.done $0x0  }
0xa7: {  	[sflag:s29] =	ssyncadd.s32 $0xFFFFE000  }
0xa8: {  	[tilespmem:s28], [sflag:$0x3] =	stream.linear.gather [spmem:s14], $0x2000, $0x38;
	[tilespmem:$0xE200] =	vst v63  }
0xa9: {  	_ =	swait.ge [sflag:s29], $0x2000  }
0xaa: {  	[sflag:s29] =	ssyncset.done $0x0  }
0xab: {  	s24 =	rddreg [dreg:$0xb];
	[sflag:s29] =	ssyncadd.s32 $0xFFFFE000  }
0xac: {  	[hbm4b:s24+s3] =	stream.linear.scatter [tilespmem:s28], [sflag:$0x3], $0x2000, $0x38;
	[tilespmem:$0xE200] =	vst v63  }
0xad: {  	_ =	swait.ge [sflag:s29], $0x2000  }
0xae: {  	s16 =	sadd.s32 $0x1, s16;
	s25 =	rddreg [dreg:$0xc]  }
0xaf: {  	p0 =	sne.s32 s16, s25  }
.Ltmp2:
0xb0: {  	_ = 	snop;
	(pc) =	sbr.rel @p0 .LBB2_1-.Ltmp2, $3  }
0xb1: {  	_ =	sdelay $0x1  }
0xb2: {  	[sflag:s29] =	ssyncset.done $0x0  }
0xb3: {  	[sflag:s29] =	ssyncadd.s32 $0xFFFFE000  }
0xb4: {  	_ =	sfence.sel $0x180000  }
0xb5: {  	[bflag:$0x0] =	sbarrier.arrive $0xFFFF  }
0xb6: {  	_ =	strace $0x9000004D  }
0xb7: {  	s0 =	stileid.u32;
	[bflag:$0x2] =	sbarrier.arrive $0xFFFF  }
0xb8: {  	p0 =	sne.s32 s0, $0x0;
	s0 =	rddreg [dreg:$0x3]  }
0xb9: {  	s0 =	sadd.s32 @!p0 $0x100000, s0  }
0xba: {  	[sflag:s0] =	ssyncadd.tile.s32 @!p0 $0x1;
	_ =	shalt  }
.Lfunc_end2:
_tile_overlayer_lowered:
.L_overlay_start_2:
0xbb: {  	(tag) =	ssettag $0x2  }
0xbc: {  	s0 =	rddreg [dreg:$0x0];
	s2 =	stileid.u32  }
0xbd: {  	s1 =	rddreg [dreg:$0x1];
	p0 =	sne.s32 s2, $0x0  }
0xbe: {  	s3 =	rddreg [dreg:$0x2];
	[bflag:$0x3] =	sbarrier.arrive $0xFFFF;
	s2 =	simm.s32 @!p0 $0x1C03  }
0xbf: {  	[timem:s3], [sflag:s2] =	dma.local @!p0 [hbm:s0], s1  }
0xc0: {  	s0 =	simm.s32 @!p0 $0x3  }
0xc1: {  	_ =	swait.ge @!p0 [sflag:s0], s1  }
0xc2: {  	s1 =	ssub.s32 @!p0 $0x0, s1;
	[sflag:s0] =	ssyncset.done @!p0 $0x0  }
0xc3: {  	[sflag:s0] =	ssyncadd.s32 @!p0 s1  }
0xc4: {  	[bflag:$0x3] =	sbarrier.arrive $0xFFFF  }
0xc5: {  	_ =	shalt  }

// kernel: kernel.8.cloned.1.call-start
scs
__scs_entry_jumppad:
0x0: {  	(pc) =	sbr.rel $0x88, $3  }
0x1: {  	(tag) =	ssettag $0x0;
	lr =	simm.s32 $0x1  }
0x2: {  	[smem:$0x3F99] =	sst lr;
	_ =	strace $0xD0000000  }
0x3: {  	_ = 	snop  }
0x4: {  	_ = 	snop  }
0x5: {  	_ = 	snop  }
0x6: {  	_ = 	snop  }
0x7: {  	_ = 	snop  }
__scs_overlays_trampoline_lowered:
0x8: {  	[smem:$0x3FA8] =	sst s0  }
0x9: {  	[smem:$0x3FA9] =	sst s1  }
0xa: {  	[smem:$0x3FAA] =	sst s2  }
0xb: {  	[smem:$0x3FAB] =	sst s3  }
0xc: {  	[smem:$0x3FAC] =	sst s4  }
0xd: {  	[smem:$0x3FAD] =	sst s5  }
0xe: {  	[smem:$0x3FAE] =	sst s6  }
0xf: {  	[smem:$0x3FAF] =	sst s7  }
0x10: {  	[smem:$0x3FB0] =	sst s8  }
0x11: {  	[smem:$0x3FB1] =	sst s9;
	s0 =	simm.s32 @!p0 $0x0  }
0x12: {  	s1 =	sld [smem:$0x3F97];
	s0 =	simm.s32 @p0 $0x1  }
0x13: {  	[smem:$0x3FB2] =	sst s0;
	s0 =	simm.s32 @!p1 $0x0  }
0x14: {  	s2 =	sld [smem:$0x3F96];
	s0 =	simm.s32 @p1 $0x1  }
0x15: {  	[smem:$0x3FB3] =	sst s0;
	s0 =	simm.s32 @!p2 $0x0  }
0x16: {  	s3 =	sld [smem:$0x3FDB];
	s0 =	simm.s32 @p2 $0x1  }
0x17: {  	s4 =	simm.s32 $0x1BF5;
	[smem:$0x3FB5] =	sst s0  }
0x18: {  	s0 =	sld [smem:$0x3F98];
	_ =	swait.ge [sflag:s4], $0x0  }
0x19: {  	s7 =	sld [smem:$0x3F99]  }
0x1a: {  	s8 =	sadd.s32 $0xFFFFE003, lr  }
0x1b: {  	s9 =	sadd.s32 $0xFFFFFEF7, lr;
	s5 =	simm.s32 $0xFFFFFFFF;
	p2 =	slt.u32 s8, $0xFFFFF086  }
0x1c: {  	p1 =	slt.u32 s9, $0xF7A;
	s5 =	simm.s32 @!p2 $0x0  }
0x1d: {  	s5 =	simm.s32 @p1 $0x1;
	p0 =	seq.s32 s7, s2  }
0x1e: {  	s7 =	smul.u32 @!p0 $0xF7A, s2;
	p2 =	seq.s32 @!p0 s5, $0x0  }
0x1f: {  	s9 =	smul.u32 $0xF7A, s1;
	s8 =	simm.s32 @!p0 $0x1BF5;
	p2 =	por !p2, p0  }
0x20: {  	[sflag:s8] =	ssyncset.s32 @!p0 $0xFFFFF086;
	s6 =	sadd.s32 @!p0 s3, s7;
	s7 =	simm.s32 @!p0 $0x108  }
0x21: {  	s3 =	sadd.s32 s3, s9;
	s6 =	sadd.s32 @!p0 $0x88, s6;
	s7 =	simm.s32 @p2 $0x1082  }
0x22: {  	[simem:s7], [sflag:s8] =	dma.local @!p0 [hbm:s6], $0xF7A  }
0x23: {  	s9 =	sor.u32 $0xD0000000, s2;
	s6 =	simm.s32 $0x108;
	_ =	swait.ge @!p0 [sflag:s8], $0x0  }
0x24: {  	s3 =	sadd.s32 $0x88, s3;
	s6 =	simm.s32 @!p1 $0x1082;
	[sflag:s4] =	ssyncset.s32 $0xFFFFF086  }
0x25: {  	[simem:s6], [sflag:s4] =	dma.local [hbm:s3], $0xF7A  }
0x26: {  	[smem:$0x3F99] =	sst s1;
	(tag) =	ssettag s2;
	_ =	strace s9  }
0x27: {  	s1 =	sld [smem:$0x3FA9]  }
0x28: {  	s2 =	sld [smem:$0x3FAA]  }
0x29: {  	s4 =	sld [smem:$0x3FAC]  }
0x2a: {  	p0 =	seq.s32 s5, $0x0;
	s5 =	sld [smem:$0x3FAD]  }
0x2b: {  	s6 =	sld [smem:$0x3FAE]  }
0x2c: {  	s7 =	sld [smem:$0x3FAF]  }
0x2d: {  	s3 =	simm.s32 $0x108;
	s8 =	sld [smem:$0x3FB0]  }
0x2e: {  	s3 =	simm.s32 @!p0 $0x1082;
	s9 =	sld [smem:$0x3FB1]  }
0x2f: {  	lr =	sadd.s32 s0, s3;
	s0 =	sld [smem:$0x3FA8]  }
0x30: {  	s3 =	sld [smem:$0x3FAB]  }
0x31: {  	[smem:$0x3FB4] =	sst s10  }
0x32: {  	s10 =	sld [smem:$0x3FB2];
	_ =	sdelay $0x3  }
0x33: {  	p0 =	seq.s32 s10, $0x1;
	s10 =	sld [smem:$0x3FB4];
	_ =	sdelay $0x3  }
0x34: {  	[smem:$0x3FB4] =	sst s10  }
0x35: {  	s10 =	sld [smem:$0x3FB3];
	_ =	sdelay $0x3  }
0x36: {  	p1 =	seq.s32 s10, $0x1;
	s10 =	sld [smem:$0x3FB4];
	_ =	sdelay $0x3  }
0x37: {  	[smem:$0x3FB4] =	sst s10  }
0x38: {  	s10 =	sld [smem:$0x3FB5]  }
0x39: {  	_ = 	snop;
	(pc) =	sbr.ind lr, $3  }
0x3a: {  	_ = 	snop  }
0x3b: {  	_ = 	snop  }
0x3c: {  	p2 =	seq.s32 s10, $0x1;
	s10 =	sld [smem:$0x3FB4]  }
0x3d: {  	_ =	shalt  }
0x3e: {  	_ =	shalt  }
0x3f: {  	_ =	shalt  }
0x40: {  	_ =	shalt  }
0x41: {  	_ =	shalt  }
0x42: {  	_ =	shalt  }
0x43: {  	_ =	shalt  }
0x44: {  	_ =	shalt  }
0x45: {  	_ =	shalt  }
0x46: {  	_ =	shalt  }
0x47: {  	_ =	shalt  }
0x48: {  	_ =	shalt  }
0x49: {  	_ =	shalt  }
0x4a: {  	_ =	shalt  }
0x4b: {  	_ =	shalt  }
0x4c: {  	_ =	shalt  }
0x4d: {  	_ =	shalt  }
0x4e: {  	_ =	shalt  }
0x4f: {  	_ =	shalt  }
0x50: {  	_ =	shalt  }
0x51: {  	_ =	shalt  }
0x52: {  	_ =	shalt  }
0x53: {  	_ =	shalt  }
0x54: {  	_ =	shalt  }
0x55: {  	_ =	shalt  }
0x56: {  	_ =	shalt  }
0x57: {  	_ =	shalt  }
0x58: {  	_ =	shalt  }
0x59: {  	_ =	shalt  }
0x5a: {  	_ =	shalt  }
0x5b: {  	_ =	shalt  }
0x5c: {  	_ =	shalt  }
0x5d: {  	_ =	shalt  }
0x5e: {  	_ =	shalt  }
0x5f: {  	_ =	shalt  }
0x60: {  	_ =	shalt  }
0x61: {  	_ =	shalt  }
0x62: {  	_ =	shalt  }
0x63: {  	_ =	shalt  }
0x64: {  	_ =	shalt  }
0x65: {  	_ =	shalt  }
0x66: {  	_ =	shalt  }
0x67: {  	_ =	shalt  }
0x68: {  	_ =	shalt  }
0x69: {  	_ =	shalt  }
0x6a: {  	_ =	shalt  }
0x6b: {  	_ =	shalt  }
0x6c: {  	_ =	shalt  }
0x6d: {  	_ =	shalt  }
0x6e: {  	_ =	shalt  }
0x6f: {  	_ =	shalt  }
0x70: {  	_ =	shalt  }
0x71: {  	_ =	shalt  }
0x72: {  	_ =	shalt  }
0x73: {  	_ =	shalt  }
0x74: {  	_ =	shalt  }
0x75: {  	_ =	shalt  }
0x76: {  	_ =	shalt  }
0x77: {  	_ =	shalt  }
0x78: {  	_ =	shalt  }
0x79: {  	_ =	shalt  }
0x7a: {  	_ =	shalt  }
0x7b: {  	_ =	shalt  }
0x7c: {  	_ =	shalt  }
0x7d: {  	_ =	shalt  }
0x7e: {  	_ =	shalt  }
0x7f: {  	_ =	shalt  }
0x80: {  	_ =	shalt  }
0x81: {  	_ =	shalt  }
0x82: {  	_ =	shalt  }
0x83: {  	_ =	shalt  }
0x84: {  	_ =	shalt  }
0x85: {  	_ =	shalt  }
0x86: {  	_ =	shalt  }
0x87: {  	_ =	shalt  }
.Lfunc_end0:
.L_simem_size_0:
called_computation_lowered:
.L_overlay_start_0:
0x88: {  	s2 =	sld [smem:$0x3FD9]  }
0x89: {  	s3 =	sld [smem:$0x3FFE];
	_ =	sdelay $0x1  }
0x8a: {  	s1 =	srdreg.scid  }
0x8b: {  	s0 =	sand.u32 $0x1, s1  }
0x8c: {  	s17 =	sshll.u32 s0, $0xA;
	s2 =	sadd.s32 s3, s2  }
0x8d: {  	s2 =	sadd.s32 s2, s17  }
0x8e: {  	[smem:$0x3FC0] =	sst s2  }
0x8f: {  	_ = 	snop  }
0x90: {  	s2 =	sld [smem:$0x3FD0];
	(tm) =	ssettm $0x1  }
0x91: {  	s18 =	sld [smem:$0x3FFB];
	_ =	sdelay $0x3  }
0x92: {  	_ =	strace s18  }
0x93: {  	s3 =	sld [smem:$0x3FFC];
	_ =	sdelay $0x3  }
0x94: {  	_ =	strace s3  }
0x95: {  	s3 =	sld [smem:$0x3FFD];
	_ =	sdelay $0x3  }
0x96: {  	_ =	strace s3  }
0x97: {  	_ =	strace $0x8FFFFFFF  }
0x98: {  	s19 =	sld [smem:$0x3FDB];
	_ =	sdelay $0x1  }
0x99: {  	s4 =	simm.s32 $_scs_section_size  }
0x9a: {  	s5 =	simm.s32 $_size__tile_overlayer_lowered;
	s6 =	simm.s32 $_tile_overlayer_lowered  }
0x9b: {  	s22 =	simm.s32 $0x1BFF;
	s21 =	sshll.u32 s6, $0x1;
	s3 =	sadd.s32 s4, s19  }
0x9c: {  	s7 =	simm.s32 $0x0;
	s20 =	sshll.u32 s5, $0x1;
	s5 =	sadd.s32 s21, s3  }
0x9d: {  	[timem:s7], [sflag:s22] =	dma.local [hbm:s5], s20  }
0x9e: {  	_ =	swait.ge [sflag:s22], s20  }
0x9f: {  	s4 =	ssub.s32 $0x0, s20;
	[sflag:s22] =	ssyncset.done $0x0  }
0xa0: {  	[sflag:s22] =	ssyncadd.s32 s4;
	_ =	sdelay $0x1  }
0xa1: {  	s23 =	simm.s32 $0x1B8B  }
0xa2: {  	_ =	swait.ge [sflag:s23], $0x1  }
0xa3: {  	[sflag:s23] =	ssyncset.done $0x0  }
0xa4: {  	s25 =	simm.s32 $0x1B8E;
	s24 =	sld [smem:$0x3FFE];
	[sflag:s23] =	ssyncadd.s32 $0xFFFFFFFF  }
0xa5: {  	s26 =	simm.s32 $execute0_lowered;
	[smem:$0x3FD2] =	sst s25  }
0xa6: {  	s5 =	sshll.u32 s26, $0x1;
	_ =	strace $0x80000046;
	[dreg:$0x1] =	wrdreg $0xFFFFFFFF  }
0xa7: {  	s28 =	simm.s32 $_size_execute0_lowered;
	s3 =	sadd.s32 s3, s5;
	[dreg:$0x0] =	wrdreg $0x0  }
0xa8: {  	s5 =	sshll.u32 s28, $0x1;
	[dreg:$0x2] =	wrdreg s3  }
0xa9: {  	[dreg:$0x3] =	wrdreg s5  }
0xaa: {  	[dreg:$0x4] =	wrdreg $0xC0  }
0xab: {  	_ =	task [dreg:s7], $0x5FFFF  }
0xac: {  	[dreg:$0x1] =	wrdreg $0xFFFFFFFF  }
0xad: {  	[dreg:$0x0] =	wrdreg $0x60  }
0xae: {  	[dreg:$0x2] =	wrdreg s2  }
0xaf: {  	[dreg:$0x3] =	wrdreg s24  }
0xb0: {  	[dreg:$0x4] =	wrdreg $0x21000  }
0xb1: {  	[dreg:$0x5] =	wrdreg $0x9  }
0xb2: {  	_ =	task.clear_ibuf [dreg:s7], $0x6FFFF;
	_ =	strace $0x90000046  }
0xb3: {  	s29 =	simm.s32 $0x9;
	_ =	strace $0x80000048  }
0xb4: {  	_ =	swait.ge [sflag:s29], $0x1  }
0xb5: {  	[sflag:s29] =	ssyncadd.s32 $0xFFFFFFFF  }
0xb6: {  	_ =	strace $0x90000048  }
0xb7: {  	_ =	sfence  }
0xb8: {  	s30 =	sld [smem:$0x0];
	_ =	sdelay $0x2  }
0xb9: {  	s31 =	sshll.u32 s1, $0xD;
	s1 =	sshrl.u32 s1, $0x2  }
0xba: {  	s3 =	sand.u32 $0x4000, s31;
	s1 =	sadd.s32 s1, s30  }
0xbb: {  	s0 =	sor.u32 s3, s0;
	s1 =	sshll.u32 s1, $0x11  }
0xbc: {  	s0 =	sor.u32 s1, s0  }
0xbd: {  	s0 =	sadd.s32 $0x8F2B, s0  }
0xbe: {  	[sflag:s0] =	ssyncadd.remote.s32 $0x1  }
0xbf: {  	_ =	sfence.sel $0xFFFF  }
0xc0: {  	[dreg:$0x0] =	wrdreg $0xFFFFFFFF;
	(pc) =	sbr.abs _section_cstart, $3  }
0xc1: {  	[dreg:$0x1] =	wrdreg $0xFFFFFFFF  }
0xc2: {  	_ =	task.clear_ibuf [dreg:s7], $0x2FFFF;
	_ =	strace $0x9FFFFFFF  }
0xc3: {  	(tm) =	ssettm $0x7FFFFFFF  }
tec
execute0_lowered:
.L_overlay_start_1:
0x0: {  	(tag) =	ssettag $0x1  }
0x1: {  	s0 =	rddreg [dreg:$0x1]  }
0x2: {  	s2 =	rddreg [dreg:$0x2]  }
0x3: {  	s3 =	simm.s32 $0x0;
	s4 =	srdreg.scid;
	s1 =	stileid.u32  }
0x4: {  	s28 =	simm.s32 $0x2;
	s29 =	simm.s32 $0x0;
	s11 =	smul.u32 $0x14000, s1  }
0x5: {  	[smem:$0x7FF] =	sst s3;
	s9 =	sand.u32 $0x1, s4;
	s10 =	smul.u32 $0x5000, s1  }
0x6: {  	s21 =	sadd.s32 $0x1E00, s0;
	s30 =	sadd.s32 $0x1A00, s0;
	s22 =	smul.u32 $0x50, s9  }
0x7: {  	s0 =	sadd.s32 $0x15E00, s0;
	_ =	strace $0x80000047;
	s13 =	smul.u32 $0x2800, s9  }
0x8: {  	s6 =	ssub.s32 $0x2, s9;
	[dreg:$0x4] =	wrdreg s30;
	s19 =	smul.u32 $0x140000, s9  }
0x9: {  	s7 =	sshrl.u32 s6, $0x1;
	s31 =	sshrl.u32 s11, $0x1;
	s12 =	sadd.s32 $0x4000, s11  }
0xa: {  	s15 =	sadd.s32 $0x8000, s11;
	s16 =	sadd.s32 $0xC000, s11;
	s17 =	sadd.s32 $0x10000, s11  }
0xb: {  	s18 =	ssub.s32 s6, s7;
	s6 =	sadd.s32 s31, s2;
	s4 =	sshrl.u32 s12, $0x1  }
0xc: {  	s8 =	sshrl.u32 s15, $0x1;
	s14 =	sshrl.u32 s16, $0x1;
	s5 =	sshrl.u32 s17, $0x1  }
0xd: {  	s20 =	sadd.s32 s13, s10;
	s11 =	sadd.s32 s11, s19;
	s25 =	sadd.s32 s19, s12  }
0xe: {  	s12 =	sadd.s32 $0x50, s22;
	s15 =	sadd.s32 s19, s15;
	s16 =	sadd.s32 s19, s16  }
0xf: {  	s17 =	sadd.s32 s19, s17;
	s22 =	sor.u32 $0x2, s22;
	s7 =	sadd.s32 s4, s2  }
0x10: {  	s8 =	sadd.s32 s8, s2;
	s9 =	sadd.s32 s14, s2;
	s10 =	sadd.s32 s5, s2  }
0x11: {  	s13 =	sshrl.u32 s20, $0x3;
	s24 =	sshrl.u32 s11, $0x4;
	s14 =	sshrl.u32 s25, $0x4  }
0x12: {  	s15 =	sshrl.u32 s15, $0x4;
	s16 =	sshrl.u32 s16, $0x4;
	s17 =	sshrl.u32 s17, $0x4  }
0x13: {  	s18 =	smax.u32 s18, $0x1;
	s26 =	sadd.s32 $0x2780, s20;
	s25 =	simm.s32 $0x80  }
0x14: {  	s23 =	sadd.s32 s21, s13;
	s13 =	sadd.s32 s0, s24;
	s14 =	sadd.s32 s0, s14  }
0x15: {  	s15 =	sadd.s32 s0, s15;
	s16 =	sadd.s32 s0, s16;
	s17 =	sadd.s32 s0, s17  }
0x16: {  	s0 =	sshrl.u32 s26, $0x3;
	s24 =	simm.s32 $0x3;
	s26 =	simm.s32 $0x1  }
0x17: {  	[dreg:$0x5] =	wrdreg s23;
	s23 =	sor.u32 $0x80, s20;
	s20 =	sor.u32 $0x100, s20  }
0x18: {  	s19 =	sadd.s32 s21, s0;
	s30 =	sshrl.u32 s23, $0x3;
	s31 =	sshrl.u32 s20, $0x3  }
0x19: {  	s23 =	simm.s32 $0x100;
	s20 =	sadd.s32 s30, s21;
	s21 =	sadd.s32 s31, s21  }
.LBB2_1:
0x1a: {  	s0 =	rddreg [dreg:$0x4]  }
0x1b: {  	[tilespmem:s23], [sflag:$0x3] =	stream.linear.gather [hbm4b:s0+s3], $0x2000, $0x38;
	[tilespmem:$0xC100] =	vst v63  }
0x1c: {  	_ =	swait.ge [sflag:s24], $0x2000  }
0x1d: {  	[sflag:s24] =	ssyncset.done $0x0  }
0x1e: {  	[sflag:s24] =	ssyncadd.s32 $0xFFFFE000  }
0x1f: {  	[spmem:s6] =	stream.linear.scatter [tilespmem:s23], [sflag:$0x3], $0x2000, $0x38;
	[tilespmem:$0xC100] =	vst v63  }
0x20: {  	_ =	swait.ge [sflag:s24], $0x2000  }
0x21: {  	[sflag:s24] =	ssyncset.done $0x0  }
0x22: {  	[sflag:s24] =	ssyncadd.s32 $0xFFFFE000  }
0x23: {  	[spmem:s7] =	stream.linear.scatter [tilespmem:s23], [sflag:$0x3], $0x2000, $0x38;
	[tilespmem:$0xC100] =	vst v63  }
0x24: {  	_ =	swait.ge [sflag:s24], $0x2000  }
0x25: {  	[sflag:s24] =	ssyncset.done $0x0  }
0x26: {  	[sflag:s24] =	ssyncadd.s32 $0xFFFFE000  }
0x27: {  	[spmem:s8] =	stream.linear.scatter [tilespmem:s23], [sflag:$0x3], $0x2000, $0x38;
	[tilespmem:$0xC100] =	vst v63  }
0x28: {  	_ =	swait.ge [sflag:s24], $0x2000  }
0x29: {  	[sflag:s24] =	ssyncset.done $0x0  }
0x2a: {  	[sflag:s24] =	ssyncadd.s32 $0xFFFFE000  }
0x2b: {  	[spmem:s9] =	stream.linear.scatter [tilespmem:s23], [sflag:$0x3], $0x2000, $0x38;
	[tilespmem:$0xC100] =	vst v63  }
0x2c: {  	_ =	swait.ge [sflag:s24], $0x2000  }
0x2d: {  	[sflag:s24] =	ssyncset.done $0x0  }
0x2e: {  	[sflag:s24] =	ssyncadd.s32 $0xFFFFE000  }
0x2f: {  	[spmem:s10] =	stream.linear.scatter [tilespmem:s23], [sflag:$0x3], $0x2000, $0x38;
	[tilespmem:$0xC100] =	vst v63  }
0x30: {  	_ =	swait.ge [sflag:s24], $0x2000  }
0x31: {  	[sflag:s24] =	ssyncset.done $0x0  }
0x32: {  	[sflag:s24] =	ssyncadd.s32 $0xFFFFE000  }
0x33: {  	[bflag:$0x0] =	sbarrier.arrive $0xFFFF  }
0x34: {  	s4 =	rddreg [dreg:$0x0]  }
0x35: {  	[tilespmem:s23], [sflag:$0x3] =	stream.linear.gather [hbm4b:s4+s3], $0x2000, $0x38;
	[tilespmem:$0xC100] =	vst v63  }
0x36: {  	_ =	swait.ge [sflag:s24], $0x2000  }
0x37: {  	[sflag:s24] =	ssyncset.done $0x0  }
0x38: {  	s5 =	rddreg [dreg:$0x5];
	[sflag:s24] =	ssyncadd.s32 $0xFFFFE000  }
0x39: {  	[tilespmem:s3], [sflag:$0x3] =	stream.linear.gather [hbm4b:s5+s3], $0x80, $0x38;
	[tilespmem:$0xC100] =	vst v63  }
0x3a: {  	_ =	swait.ge [sflag:s24], $0x80  }
0x3b: {  	[sflag:s24] =	ssyncset.done $0x0  }
0x3c: {  	[sflag:s24] =	ssyncadd.s32 $0xFFFFFF80  }
0x3d: {  	[spmem:s2] =	stream.indirect.scatter.add.bf16 [tilespmem:s23], [sflag:$0x1], $0x40, s3, s25, $0xb8;
	[tilespmem:$0xC100] =	vst v63  }
0x3e: {  	s11 =	sadd.s32 $0x0, s20  }
0x3f: {  	[tilespmem:s25], [sflag:$0x3] =	stream.linear.gather [hbm4b:s11+s3], $0x80, $0x38;
	[tilespmem:$0xC100] =	vst v63  }
0x40: {  	_ =	swait.ge [sflag:s24], $0x80  }
0x41: {  	[sflag:s24] =	ssyncset.done $0x0  }
0x42: {  	[sflag:s24] =	ssyncadd.s32 $0xFFFFFF80  }
0x43: {  	[spmem:s2] =	stream.indirect.scatter.add.bf16 [tilespmem:s23], [sflag:$0x2], $0x40, s25, s25, $0xb8;
	[tilespmem:$0xC100] =	vst v63  }
0x44: {  	p0 =	sge.u32 s22, s12;
	_ =	swait.ge [sflag:s26], $0x2000  }
0x45: {  	s0 =	sadd.s32 @!p0 $0x0, s21;
	[sflag:s26] =	ssyncset.done $0x0  }
0x46: {  	s30 =	simm.s32 @!p0 $0x0;
	s31 =	simm.s32 @!p0 $0x3;
	[sflag:s26] =	ssyncadd.s32 $0xFFFFE000  }
0x47: {  	[tilespmem:s30], [sflag:$0x3] =	stream.linear.gather @!p0 [hbm4b:s0+s30], $0x80, $0x38;
	[tilespmem:$0xC100] =	vst v63  }
0x48: {  	_ =	swait.ge @!p0 [sflag:s31], $0x80  }
0x49: {  	s4 =	simm.s32 @!p0 $0x100;
	[sflag:s31] =	ssyncset.done @!p0 $0x0  }
0x4a: {  	s0 =	simm.s32 @!p0 $0x80;
	[sflag:s31] =	ssyncadd.s32 @!p0 $0xFFFFFF80;
	s31 =	sadd.s32 $0x2, s22  }
0x4b: {  	[spmem:s2] =	stream.indirect.scatter.add.bf16 @!p0 [tilespmem:s4], [sflag:$0x1], $0x40, s30, s0, $0xb8;
	[tilespmem:$0xC100] =	vst v63  }
0x4c: {  	s30 =	simm.s32 $0x20;
	s0 =	simm.s32 $0x40;
	_ =	swait.ge [sflag:s28], $0x2000  }
.LBB2_2:
0x4d: {  	s4 =	sadd.s32 s30, s20  }
0x4e: {  	[sflag:s28] =	ssyncset.done $0x0;
	s1 =	smov.u32 s0;
	s0 =	sadd.s32 $0x20, s0  }
0x4f: {  	p0 =	sne.s32 s0, $0x4E0;
	[sflag:s28] =	ssyncadd.s32 $0xFFFFE000  }
0x50: {  	[tilespmem:s25], [sflag:$0x3] =	stream.linear.gather [hbm4b:s4+s3], $0x80, $0x38;
	[tilespmem:$0xC100] =	vst v63  }
0x51: {  	_ =	swait.ge [sflag:s24], $0x80  }
0x52: {  	[sflag:s24] =	ssyncset.done $0x0  }
0x53: {  	[sflag:s24] =	ssyncadd.s32 $0xFFFFFF80  }
0x54: {  	[spmem:s2] =	stream.indirect.scatter.add.bf16 [tilespmem:s23], [sflag:$0x2], $0x40, s25, s25, $0xb8;
	[tilespmem:$0xC100] =	vst v63  }
0x55: {  	p1 =	sge.u32 s31, s12;
	_ =	swait.ge [sflag:s26], $0x2000  }
0x56: {  	s5 =	simm.s32 @!p1 $0x0;
	s4 =	sadd.s32 @!p1 s30, s21;
	[sflag:s26] =	ssyncset.done $0x0  }
0x57: {  	s11 =	simm.s32 @!p1 $0x3;
	s30 =	smov.u32 s1;
	[sflag:s26] =	ssyncadd.s32 $0xFFFFE000  }
0x58: {  	[tilespmem:s5], [sflag:$0x3] =	stream.linear.gather @!p1 [hbm4b:s4+s5], $0x80, $0x38;
	[tilespmem:$0xC100] =	vst v63  }
.Ltmp0:
0x59: {  	_ =	swait.ge @!p1 [sflag:s11], $0x80;
	(pc) =	sbr.rel @p0 .LBB2_2-.Ltmp0, $4  }
0x5a: {  	s1 =	simm.s32 @!p1 $0x80;
	s4 =	simm.s32 @!p1 $0x100;
	[sflag:s11] =	ssyncset.done @!p1 $0x0  }
0x5b: {  	[sflag:s11] =	ssyncadd.s32 @!p1 $0xFFFFFF80  }
0x5c: {  	[spmem:s2] =	stream.indirect.scatter.add.bf16 @!p1 [tilespmem:s4], [sflag:$0x1], $0x40, s5, s1, $0xb8;
	[tilespmem:$0xC100] =	vst v63  }
0x5d: {  	s31 =	sadd.s32 $0x2, s31;
	_ =	swait.ge [sflag:s28], $0x2000  }
0x5e: {  	[sflag:s28] =	ssyncset.done $0x0  }
0x5f: {  	s0 =	sadd.s32 s30, s20;
	[sflag:s28] =	ssyncadd.s32 $0xFFFFE000  }
0x60: {  	[tilespmem:s25], [sflag:$0x3] =	stream.linear.gather [hbm4b:s0+s3], $0x80, $0x38;
	[tilespmem:$0xC100] =	vst v63  }
0x61: {  	_ =	swait.ge [sflag:s24], $0x80  }
0x62: {  	[sflag:s24] =	ssyncset.done $0x0  }
0x63: {  	[sflag:s24] =	ssyncadd.s32 $0xFFFFFF80  }
0x64: {  	[spmem:s2] =	stream.indirect.scatter.add.bf16 [tilespmem:s23], [sflag:$0x2], $0x40, s25, s25, $0xb8;
	[tilespmem:$0xC100] =	vst v63  }
0x65: {  	p0 =	sge.u32 s31, s12;
	_ =	swait.ge [sflag:s26], $0x2000  }
0x66: {  	s1 =	simm.s32 @!p0 $0x0;
	[sflag:s26] =	ssyncset.done $0x0  }
0x67: {  	s4 =	simm.s32 @!p0 $0x3;
	s0 =	sadd.s32 @!p0 s30, s21;
	[sflag:s26] =	ssyncadd.s32 $0xFFFFE000  }
0x68: {  	[tilespmem:s1], [sflag:$0x3] =	stream.linear.gather @!p0 [hbm4b:s0+s1], $0x80, $0x38;
	[tilespmem:$0xC100] =	vst v63  }
0x69: {  	_ =	swait.ge @!p0 [sflag:s4], $0x80  }
0x6a: {  	[sflag:s4] =	ssyncset.done @!p0 $0x0  }
0x6b: {  	s0 =	simm.s32 @!p0 $0x80;
	[sflag:s4] =	ssyncadd.s32 @!p0 $0xFFFFFF80;
	s4 =	simm.s32 @!p0 $0x100  }
0x6c: {  	[spmem:s2] =	stream.indirect.scatter.add.bf16 @!p0 [tilespmem:s4], [sflag:$0x1], $0x40, s1, s0, $0xb8;
	[tilespmem:$0xC100] =	vst v63  }
0x6d: {  	_ =	swait.ge [sflag:s28], $0x2000  }
0x6e: {  	[sflag:s28] =	ssyncset.done $0x0  }
0x6f: {  	[sflag:s28] =	ssyncadd.s32 $0xFFFFE000  }
0x70: {  	[tilespmem:s25], [sflag:$0x3] =	stream.linear.gather [hbm4b:s19+s3], $0x80, $0x38;
	[tilespmem:$0xC100] =	vst v63  }
0x71: {  	_ =	swait.ge [sflag:s24], $0x80  }
0x72: {  	[sflag:s24] =	ssyncset.done $0x0  }
0x73: {  	[sflag:s24] =	ssyncadd.s32 $0xFFFFFF80  }
0x74: {  	[spmem:s2] =	stream.indirect.scatter.add.bf16 [tilespmem:s23], [sflag:$0x2], $0x40, s25, s25, $0xb8;
	[tilespmem:$0xC100] =	vst v63  }
0x75: {  	_ =	swait.ge [sflag:s26], $0x2000  }
0x76: {  	[sflag:s26] =	ssyncset.done $0x0  }
0x77: {  	[sflag:s26] =	ssyncadd.s32 $0xFFFFE000  }
0x78: {  	_ =	swait.ge [sflag:s28], $0x2000  }
0x79: {  	[sflag:s28] =	ssyncset.done $0x0  }
0x7a: {  	[sflag:s28] =	ssyncadd.s32 $0xFFFFE000  }
0x7b: {  	[bflag:$0x0] =	sbarrier.arrive $0xFFFF  }
0x7c: {  	[tilespmem:s23], [sflag:$0x3] =	stream.linear.gather [spmem:s6], $0x2000, $0x38;
	[tilespmem:$0xC100] =	vst v63  }
0x7d: {  	_ =	swait.ge [sflag:s24], $0x2000  }
0x7e: {  	[sflag:s24] =	ssyncset.done $0x0  }
0x7f: {  	[sflag:s24] =	ssyncadd.s32 $0xFFFFE000  }
0x80: {  	[hbm4b:s13+s3] =	stream.linear.scatter [tilespmem:s23], [sflag:$0x3], $0x2000, $0x38;
	[tilespmem:$0xC100] =	vst v63  }
0x81: {  	_ =	swait.ge [sflag:s24], $0x2000  }
0x82: {  	[sflag:s24] =	ssyncset.done $0x0  }
0x83: {  	[sflag:s24] =	ssyncadd.s32 $0xFFFFE000  }
0x84: {  	[tilespmem:s23], [sflag:$0x3] =	stream.linear.gather [spmem:s7], $0x2000, $0x38;
	[tilespmem:$0xC100] =	vst v63  }
0x85: {  	_ =	swait.ge [sflag:s24], $0x2000  }
0x86: {  	[sflag:s24] =	ssyncset.done $0x0  }
0x87: {  	[sflag:s24] =	ssyncadd.s32 $0xFFFFE000  }
0x88: {  	[hbm4b:s14+s3] =	stream.linear.scatter [tilespmem:s23], [sflag:$0x3], $0x2000, $0x38;
	[tilespmem:$0xC100] =	vst v63  }
0x89: {  	_ =	swait.ge [sflag:s24], $0x2000  }
0x8a: {  	[sflag:s24] =	ssyncset.done $0x0  }
0x8b: {  	[sflag:s24] =	ssyncadd.s32 $0xFFFFE000  }
0x8c: {  	[tilespmem:s23], [sflag:$0x3] =	stream.linear.gather [spmem:s8], $0x2000, $0x38;
	[tilespmem:$0xC100] =	vst v63  }
0x8d: {  	_ =	swait.ge [sflag:s24], $0x2000  }
0x8e: {  	[sflag:s24] =	ssyncset.done $0x0  }
0x8f: {  	[sflag:s24] =	ssyncadd.s32 $0xFFFFE000  }
0x90: {  	[hbm4b:s15+s3] =	stream.linear.scatter [tilespmem:s23], [sflag:$0x3], $0x2000, $0x38;
	[tilespmem:$0xC100] =	vst v63  }
0x91: {  	_ =	swait.ge [sflag:s24], $0x2000  }
0x92: {  	[sflag:s24] =	ssyncset.done $0x0  }
0x93: {  	[sflag:s24] =	ssyncadd.s32 $0xFFFFE000  }
0x94: {  	[tilespmem:s23], [sflag:$0x3] =	stream.linear.gather [spmem:s9], $0x2000, $0x38;
	[tilespmem:$0xC100] =	vst v63  }
0x95: {  	_ =	swait.ge [sflag:s24], $0x2000  }
0x96: {  	[sflag:s24] =	ssyncset.done $0x0  }
0x97: {  	[sflag:s24] =	ssyncadd.s32 $0xFFFFE000  }
0x98: {  	[hbm4b:s16+s3] =	stream.linear.scatter [tilespmem:s23], [sflag:$0x3], $0x2000, $0x38;
	[tilespmem:$0xC100] =	vst v63  }
0x99: {  	_ =	swait.ge [sflag:s24], $0x2000  }
0x9a: {  	[sflag:s24] =	ssyncset.done $0x0  }
0x9b: {  	[sflag:s24] =	ssyncadd.s32 $0xFFFFE000  }
0x9c: {  	[tilespmem:s23], [sflag:$0x3] =	stream.linear.gather [spmem:s10], $0x2000, $0x38;
	[tilespmem:$0xC100] =	vst v63  }
0x9d: {  	s29 =	sadd.s32 $0x1, s29;
	_ =	swait.ge [sflag:s24], $0x2000  }
0x9e: {  	p0 =	sne.s32 s29, s18;
	[sflag:s24] =	ssyncset.done $0x0  }
.Ltmp1:
0x9f: {  	[sflag:s24] =	ssyncadd.s32 $0xFFFFE000;
	(pc) =	sbr.rel @p0 .LBB2_1-.Ltmp1, $4  }
0xa0: {  	[hbm4b:s17+s3] =	stream.linear.scatter [tilespmem:s23], [sflag:$0x3], $0x2000, $0x38;
	[tilespmem:$0xC100] =	vst v63  }
0xa1: {  	_ =	swait.ge [sflag:s24], $0x2000  }
0xa2: {  	[sflag:s24] =	ssyncset.done $0x0  }
0xa3: {  	[sflag:s24] =	ssyncadd.s32 $0xFFFFE000  }
0xa4: {  	_ =	sfence.sel $0x180000  }
0xa5: {  	[bflag:$0x0] =	sbarrier.arrive $0xFFFF  }
0xa6: {  	_ =	strace $0x90000047  }
0xa7: {  	s0 =	stileid.u32;
	[bflag:$0x2] =	sbarrier.arrive $0xFFFF  }
0xa8: {  	p0 =	sne.s32 s0, $0x0;
	s0 =	rddreg [dreg:$0x3]  }
0xa9: {  	s0 =	sadd.s32 @!p0 $0x100000, s0  }
0xaa: {  	[sflag:s0] =	ssyncadd.tile.s32 @!p0 $0x1;
	_ =	shalt  }
.Lfunc_end2:
_tile_overlayer_lowered:
.L_overlay_start_2:
0xab: {  	(tag) =	ssettag $0x2  }
0xac: {  	s0 =	rddreg [dreg:$0x0];
	s2 =	stileid.u32  }
0xad: {  	s1 =	rddreg [dreg:$0x1];
	p0 =	sne.s32 s2, $0x0  }
0xae: {  	s3 =	rddreg [dreg:$0x2];
	[bflag:$0x3] =	sbarrier.arrive $0xFFFF;
	s2 =	simm.s32 @!p0 $0x1C03  }
0xaf: {  	[timem:s3], [sflag:s2] =	dma.local @!p0 [hbm:s0], s1  }
0xb0: {  	s0 =	simm.s32 @!p0 $0x3  }
0xb1: {  	_ =	swait.ge @!p0 [sflag:s0], s1  }
0xb2: {  	s1 =	ssub.s32 @!p0 $0x0, s1;
	[sflag:s0] =	ssyncset.done @!p0 $0x0  }
0xb3: {  	[sflag:s0] =	ssyncadd.s32 @!p0 s1  }
0xb4: {  	[bflag:$0x3] =	sbarrier.arrive $0xFFFF  }
0xb5: {  	_ =	shalt  }

</sc_bundles>
